<compile_context>
chip_gen: v7x
topology: tpu7x:2x2x1
jax: 0.10.2.dev20260603
libtpu: 0.0.44.dev20260713+nightly
codegen_flags: <defaults>
</compile_context>

<pallas_src>
import functools

import jax
import jax.numpy as jnp
from jax import lax
from jax.experimental import pallas as pl
from jax.experimental.pallas import tpu as pltpu
from jax.experimental.pallas import tpu_sc as plsc

_CANDIDATE_TOPK = 8
_CENTER_RADIUS = 0.75
_DUP_RADIUS = 1.25
_VFL_ALPHA = 0.75
_VFL_GAMMA = 2.0
_BOX_WEIGHT = 2.5
_BN = 2000
_NEG_INF = float("-inf")
_BIG_I = 1 << 30


def _sig(x):
    return 1.0 / (1.0 + jnp.exp(-x))


def _gt_geom(gt_ref, ax, ay):
    x1 = gt_ref[0:1, :]
    y1 = gt_ref[1:2, :]
    x2 = gt_ref[2:3, :]
    y2 = gt_ref[3:4, :]
    inside = (ax >= x1) & (ax <= x2) & (ay >= y1) & (ay <= y2)
    cx = (x1 + x2) * 0.5
    cy = (y1 + y2) * 0.5
    hx = jnp.maximum((x2 - x1) * 0.5, 1.0)
    hy = jnp.maximum((y2 - y1) * 0.5, 1.0)
    dx = jnp.abs(ax - cx) / hx
    dy = jnp.abs(ay - cy) / hy
    dmax = jnp.maximum(dx, dy)
    d2 = dx * dx + dy * dy
    return inside, dmax, d2, (x1, y1, x2, y2)


def _anyc_body(ap_ref, gt_ref, out_ref, acc_ref):
    i = pl.program_id(0)
    ax = ap_ref[:, 0:1]
    ay = ap_ref[:, 1:2]
    inside, dmax, _, _ = _gt_geom(gt_ref, ax, ay)
    cc = inside & (dmax <= _CENTER_RADIUS)
    part = jnp.max(jnp.where(cc, 1.0, 0.0), axis=0, keepdims=True)

    @pl.when(i == 0)
    def _init():
        acc_ref[...] = jnp.zeros_like(acc_ref)

    acc_ref[...] = jnp.maximum(acc_ref[...], part)

    @pl.when(i == pl.num_programs(0) - 1)
    def _fin():
        out_ref[...] = acc_ref[...]


def _topk_body(scores_ref, boxes_ref, obj_ref, ap_ref, gt_ref, lab_ref,
               vcm_ref, anyc_ref, vals_out, idx_out, iou_out,
               sv_ref, si_ref, so_ref, *, nc, num_classes):
    i = pl.program_id(0)
    bn = scores_ref.shape[0]
    g = lab_ref.shape[1]

    ax = ap_ref[:, 0:1]
    ay = ap_ref[:, 1:2]
    inside, dmax, d2, (x1, y1, x2, y2) = _gt_geom(gt_ref, ax, ay)
    ccf = jnp.where(inside & (dmax <= _CENTER_RADIUS), 1.0, 0.0)
    insidef = jnp.where(inside, 1.0, 0.0)
    anycf = anyc_ref[...]
    candf = anycf * ccf + (1.0 - anycf) * insidef
    prior = jnp.exp(-0.5 * d2)

    px1 = boxes_ref[:, 0:1]
    py1 = boxes_ref[:, 1:2]
    px2 = boxes_ref[:, 2:3]
    py2 = boxes_ref[:, 3:4]
    ix1 = jnp.maximum(px1, x1)
    iy1 = jnp.maximum(py1, y1)
    ix2 = jnp.minimum(px2, x2)
    iy2 = jnp.minimum(py2, y2)
    inter = jnp.maximum(ix2 - ix1, 0.0) * jnp.maximum(iy2 - iy1, 0.0)
    area_a = jnp.maximum(px2 - px1, 0.0) * jnp.maximum(py2 - py1, 0.0)
    area_b = jnp.maximum(x2 - x1, 0.0) * jnp.maximum(y2 - y1, 0.0)
    iou = inter / (area_a + area_b - inter + 1e-7)

    lab = lab_ref[...]
    onehot = jnp.where(
        lax.broadcasted_iota(jnp.int32, (num_classes, g), 0) == lab, 1.0, 0.0)
    logit = jnp.dot(scores_ref[...], onehot, preferred_element_type=jnp.float32)
    cls_s = _sig(logit)
    po = _sig(obj_ref[...])
    vcm_g = jnp.dot(vcm_ref[...], onehot, preferred_element_type=jnp.float32)
    vgtf = jnp.where((lab >= 0) & (lab < num_classes), 1.0, 0.0) * jnp.where(
        vcm_g > 0.0, 1.0, 0.0)

    quality = jnp.sqrt(jnp.maximum(po * cls_s, 0.0))
    metric = quality * (iou * iou) * (prior * prior)
    m = jnp.where(candf * vgtf > 0.0, metric, _NEG_INF)
    gidx = i * bn + lax.broadcasted_iota(jnp.int32, (bn, g), 0)

    for k in range(_CANDIDATE_TOPK):
        mx = jnp.max(m, axis=0, keepdims=True)
        pick = m == mx
        cidx = jnp.min(jnp.where(pick, gidx, _BIG_I), axis=0, keepdims=True)
        sel = pick & (gidx == cidx)
        sv_ref[8 + k:9 + k, :] = mx
        si_ref[8 + k:9 + k, :] = cidx
        so_ref[8 + k:9 + k, :] = jnp.sum(
            jnp.where(sel, iou, 0.0), axis=0, keepdims=True)
        m = jnp.where(sel, _NEG_INF, m)

    @pl.when(i == 0)
    def _init():
        sv_ref[0:8, :] = jnp.full((8, g), _NEG_INF, jnp.float32)
        si_ref[0:8, :] = jnp.full((8, g), _BIG_I, jnp.int32)
        so_ref[0:8, :] = jnp.zeros((8, g), jnp.float32)

    v = sv_ref[...]
    ix = si_ref[...]
    io = so_ref[...]
    outv, outi, outo = [], [], []
    for k in range(_CANDIDATE_TOPK):
        mx = jnp.max(v, axis=0, keepdims=True)
        pick = v == mx
        cidx = jnp.min(jnp.where(pick, ix, _BIG_I), axis=0, keepdims=True)
        sel = pick & (ix == cidx)
        outv.append(mx)
        outi.append(cidx)
        outo.append(jnp.sum(jnp.where(sel, io, 0.0), axis=0, keepdims=True))
        v = jnp.where(sel, _NEG_INF, v)
    tv = jnp.concatenate(outv, axis=0)
    ti = jnp.concatenate(outi, axis=0)
    to = jnp.concatenate(outo, axis=0)
    sv_ref[0:8, :] = tv
    si_ref[0:8, :] = ti
    so_ref[0:8, :] = to

    @pl.when(i == nc - 1)
    def _fin():
        vals_out[...] = tv
        idx_out[...] = ti
        iou_out[...] = to


_NCHUNK = 50
_GPAD = 112


def _greedy_sc_body(vals_hbm, idx_hbm, iou_hbm, lab_hbm,
                    mp_hbm, mlab_hbm, movl_hbm, mval_hbm, gm_hbm, scal_hbm,
                    v_v, idx_v, iou_v, lab_v,
                    mp_v, mlab_v, movl_v, mval_v, gm_v, sc_v):
    cid = lax.axis_index("c")
    sid = lax.axis_index("s")

    @pl.when((cid == 0) & (sid == 0))
    def _work():
        pltpu.sync_copy(vals_hbm, v_v)
        pltpu.sync_copy(idx_hbm, idx_v)
        pltpu.sync_copy(iou_hbm, iou_v)
        pltpu.sync_copy(lab_hbm, lab_v)

        zf = jnp.zeros((16,), jnp.float32)
        zi = jnp.zeros((16,), jnp.int32)
        for c in range(8):
            mp_v[pl.ds(c * 16, 16)] = zi
            mlab_v[pl.ds(c * 16, 16)] = zi
            movl_v[pl.ds(c * 16, 16)] = zf
            mval_v[pl.ds(c * 16, 16)] = zf
        for c in range(_GPAD // 16):
            gm_v[pl.ds(c * 16, 16)] = zf

        iota16 = lax.iota(jnp.int32, 16)

        def _bf_max(v):
            for s in (8, 4, 2, 1):
                v = jnp.maximum(
                    v, v.at[iota16 ^ s].get(mode="promise_in_bounds"))
            return v

        def _bf_min_i(v):
            for s in (8, 4, 2, 1):
                v = jnp.minimum(
                    v, v.at[iota16 ^ s].get(mode="promise_in_bounds"))
            return v

        def sweep(takev, g0s, p0v):
            def sw(j, c):
                bmax, bflat = c
                dsl = pl.ds(j * 16, 16)
                vj = v_v[dsl]
                ij = idx_v[dsl]
                fj = j * 16 + iota16
                kill = takev & (((fj >> 3) == g0s) | (ij == p0v))
                vj2 = jnp.where(kill, _NEG_INF, vj)
                v_v[dsl] = vj2
                better = vj2 > bmax
                return (jnp.where(better, vj2, bmax),
                        jnp.where(better, fj, bflat))

            bmax, bflat = lax.fori_loop(
                0, _NCHUNK, sw,
                (jnp.full((16,), _NEG_INF, jnp.float32),
                 jnp.zeros((16,), jnp.int32)))
            m = _bf_max(bmax)
            fm = _bf_min_i(jnp.where(bmax == m, bflat, _BIG_I))
            return m, fm

        def body(t, st):
            mxv, fselv, bsumv, cntv = st
            takev = mxv > _NEG_INF
            fs = jnp.where(takev, fselv, 0)[0]
            g0s = fs >> 3
            c0 = (fs >> 4) << 4
            l0i = iota16 * 0 + (fs & 15)
            ich = idx_v[pl.ds(c0, 16)]
            och = iou_v[pl.ds(c0, 16)]
            p0v = ich.at[l0i].get(mode="promise_in_bounds")
            i0v = och.at[l0i].get(mode="promise_in_bounds")
            gch = lab_v[pl.ds((g0s >> 4) << 4, 16)]
            labv = gch.at[iota16 * 0 + (g0s & 15)].get(
                mode="promise_in_bounds")

            sel_t = (iota16 == (t & 15)) & takev
            dst = pl.ds((t >> 4) << 4, 16)
            mp_v[dst] = jnp.where(sel_t, p0v, mp_v[dst])
            mlab_v[dst] = jnp.where(sel_t, labv, mlab_v[dst])
            movl_v[dst] = jnp.where(sel_t, i0v, movl_v[dst])
            mval_v[dst] = jnp.where(sel_t, 1.0, mval_v[dst])
            sel_g = (iota16 == (g0s & 15)) & takev
            dsg = pl.ds((g0s >> 4) << 4, 16)
            gm_v[dsg] = jnp.where(sel_g, 1.0, gm_v[dsg])

            bsumv = bsumv + jnp.where(takev, 1.0 - i0v, 0.0)
            cntv = cntv + jnp.where(takev, 1.0, 0.0)
            nmx, nfs = sweep(takev, g0s, p0v)
            return (nmx, nfs, bsumv, cntv)

        mx0, fs0 = sweep(iota16 < 0, jnp.int32(0), zi)
        _, _, bsumv, cntv = lax.fori_loop(
            0, 100, body, (mx0, fs0, zf, zf))

        sc_v[...] = jnp.where(iota16 == 0, bsumv,
                              jnp.where(iota16 == 1, cntv, 0.0))
        pltpu.sync_copy(mp_v, mp_hbm)
        pltpu.sync_copy(mlab_v, mlab_hbm)
        pltpu.sync_copy(movl_v, movl_hbm)
        pltpu.sync_copy(mval_v, mval_hbm)
        pltpu.sync_copy(gm_v, gm_hbm)
        pltpu.sync_copy(sc_v, scal_hbm)


def _loss_body(scores_ref, obj_ref, ap_ref, gt_ref, mp_ref, mlab_ref,
               movl_ref, mval_ref, gmask_ref, out_ref, acc_ref, *, nc):
    i = pl.program_id(0)
    bn = scores_ref.shape[0]
    num_classes = scores_ref.shape[1]

    niota = mp_ref[...] * 0 + i * bn + lax.broadcasted_iota(
        jnp.int32, (bn, 128), 0)
    eq = (niota == mp_ref[...]) & (mval_ref[...] > 0.0)
    eqf = jnp.where(eq, 1.0, 0.0)
    fgf = jnp.max(eqf, axis=1, keepdims=True)
    mlabel = jnp.sum(jnp.where(eq, mlab_ref[...], 0), axis=1, keepdims=True)
    movl = jnp.sum(eqf * movl_ref[...], axis=1, keepdims=True)
    tval = jnp.maximum(movl, 0.1) * fgf

    x = scores_ref[...]
    eqc = lax.broadcasted_iota(jnp.int32, (bn, num_classes), 1) == mlabel
    t = jnp.where(eqc, tval, 0.0) * fgf
    prob = jax.nn.sigmoid(x)
    w = _VFL_ALPHA * prob * prob * (1.0 - t) + t
    bce = jnp.maximum(x, 0.0) - x * t + jnp.log1p(jnp.exp(-jnp.abs(x)))
    cls_sum = jnp.sum(bce * w)

    ax = ap_ref[:, 0:1]
    ay = ap_ref[:, 1:2]
    inside, dmax, _, _ = _gt_geom(gt_ref, ax, ay)
    dc = inside & (dmax <= _DUP_RADIUS) & (gmask_ref[...] > 0.0)
    dupany = jnp.max(jnp.where(dc, 1.0, 0.0), axis=1, keepdims=True)
    dup = dupany * (1.0 - fgf)

    ox = obj_ref[...]
    bobj = (jnp.maximum(ox, 0.0) - ox * fgf
            + jnp.log1p(jnp.exp(-jnp.abs(ox))))
    obj_sum = jnp.sum(bobj * (1.0 - dup))

    iota128 = lax.broadcasted_iota(jnp.int32, (1, 128), 1)
    part = (cls_sum * jnp.where(iota128 == 0, 1.0, 0.0)
            + obj_sum * jnp.where(iota128 == 1, 1.0, 0.0))

    @pl.when(i == 0)
    def _init():
        acc_ref[...] = jnp.zeros_like(acc_ref)

    acc_ref[...] = acc_ref[...] + part

    @pl.when(i == nc - 1)
    def _fin():
        out_ref[...] = acc_ref[...]


def kernel(pred_scores, pred_boxes, pred_objectness, anchor_points,
           gt_boxes, gt_labels, valid_class_mask):
    n, num_classes = pred_scores.shape
    g = gt_boxes.shape[0]
    nc = n // _BN
    obj2d = pred_objectness.reshape(n, 1)
    gt_t = gt_boxes.T
    lab2d = gt_labels.reshape(1, g)
    vcm2d = valid_class_mask.astype(jnp.float32).reshape(1, num_classes)

    anyc = pl.pallas_call(
        _anyc_body,
        grid=(nc,),
        in_specs=[
            pl.BlockSpec((_BN, 2), lambda i: (i, 0)),
            pl.BlockSpec((4, g), lambda i: (0, 0)),
        ],
        out_specs=pl.BlockSpec((1, g), lambda i: (0, 0)),
        out_shape=jax.ShapeDtypeStruct((1, g), jnp.float32),
        scratch_shapes=[pltpu.VMEM((1, g), jnp.float32)],
    )(anchor_points, gt_t)

    vals8, idx8, iou8 = pl.pallas_call(
        functools.partial(_topk_body, nc=nc, num_classes=num_classes),
        grid=(nc,),
        in_specs=[
            pl.BlockSpec((_BN, num_classes), lambda i: (i, 0)),
            pl.BlockSpec((_BN, 4), lambda i: (i, 0)),
            pl.BlockSpec((_BN, 1), lambda i: (i, 0)),
            pl.BlockSpec((_BN, 2), lambda i: (i, 0)),
            pl.BlockSpec((4, g), lambda i: (0, 0)),
            pl.BlockSpec((1, g), lambda i: (0, 0)),
            pl.BlockSpec((1, num_classes), lambda i: (0, 0)),
            pl.BlockSpec((1, g), lambda i: (0, 0)),
        ],
        out_specs=[
            pl.BlockSpec((8, g), lambda i: (0, 0)),
            pl.BlockSpec((8, g), lambda i: (0, 0)),
            pl.BlockSpec((8, g), lambda i: (0, 0)),
        ],
        out_shape=[
            jax.ShapeDtypeStruct((8, g), jnp.float32),
            jax.ShapeDtypeStruct((8, g), jnp.int32),
            jax.ShapeDtypeStruct((8, g), jnp.float32),
        ],
        scratch_shapes=[
            pltpu.VMEM((16, g), jnp.float32),
            pltpu.VMEM((16, g), jnp.int32),
            pltpu.VMEM((16, g), jnp.float32),
        ],
    )(pred_scores, pred_boxes, obj2d, anchor_points, gt_t, lab2d, vcm2d, anyc)

    valsf = vals8.T.reshape(8 * g)
    idxf = idx8.T.reshape(8 * g)
    iouf = iou8.T.reshape(8 * g)
    labf = jnp.pad(gt_labels.reshape(g).astype(jnp.int32), (0, _GPAD - g))

    greedy = functools.partial(
        pl.kernel,
        mesh=plsc.VectorSubcoreMesh(core_axis_name="c", subcore_axis_name="s"),
        out_type=[
            jax.ShapeDtypeStruct((128,), jnp.int32),
            jax.ShapeDtypeStruct((128,), jnp.int32),
            jax.ShapeDtypeStruct((128,), jnp.float32),
            jax.ShapeDtypeStruct((128,), jnp.float32),
            jax.ShapeDtypeStruct((_GPAD,), jnp.float32),
            jax.ShapeDtypeStruct((16,), jnp.float32),
        ],
        scratch_types=[
            pltpu.VMEM((8 * g,), jnp.float32),
            pltpu.VMEM((8 * g,), jnp.int32),
            pltpu.VMEM((8 * g,), jnp.float32),
            pltpu.VMEM((_GPAD,), jnp.int32),
            pltpu.VMEM((128,), jnp.int32),
            pltpu.VMEM((128,), jnp.int32),
            pltpu.VMEM((128,), jnp.float32),
            pltpu.VMEM((128,), jnp.float32),
            pltpu.VMEM((_GPAD,), jnp.float32),
            pltpu.VMEM((16,), jnp.float32),
        ],
    )(_greedy_sc_body)
    mp1, mlab1, movl1, mval1, gm1, scal1 = greedy(valsf, idxf, iouf, labf)
    mp = mp1.reshape(1, 128)
    mlab = mlab1.reshape(1, 128)
    movl = movl1.reshape(1, 128)
    mval = mval1.reshape(1, 128)
    gmask = gm1[:g].reshape(1, g)
    scal = scal1.reshape(1, 16)

    sums = pl.pallas_call(
        functools.partial(_loss_body, nc=nc),
        grid=(nc,),
        in_specs=[
            pl.BlockSpec((_BN, num_classes), lambda i: (i, 0)),
            pl.BlockSpec((_BN, 1), lambda i: (i, 0)),
            pl.BlockSpec((_BN, 2), lambda i: (i, 0)),
            pl.BlockSpec((4, g), lambda i: (0, 0)),
            pl.BlockSpec((1, 128), lambda i: (0, 0)),
            pl.BlockSpec((1, 128), lambda i: (0, 0)),
            pl.BlockSpec((1, 128), lambda i: (0, 0)),
            pl.BlockSpec((1, 128), lambda i: (0, 0)),
            pl.BlockSpec((1, g), lambda i: (0, 0)),
        ],
        out_specs=pl.BlockSpec((1, 128), lambda i: (0, 0)),
        out_shape=jax.ShapeDtypeStruct((1, 128), jnp.float32),
        scratch_shapes=[pltpu.VMEM((1, 128), jnp.float32)],
    )(pred_scores, obj2d, anchor_points, gt_t, mp, mlab, movl, mval, gmask)

    box_sum = scal[0, 0]
    cnt = scal[0, 1]
    num_fg = jnp.maximum(cnt, 1.0)
    return (sums[0, 0] + _BOX_WEIGHT * box_sum + sums[0, 1]) / num_fg

# --- scband reference (transcript-rebuilt; emitter-appended) ---
"""Pipeline reference for scband-prompt-detection-loss-386547057293 (READ-ONLY COPY).

The authoritative reference and input builder live on the scoring server;
editing this copy changes nothing except your own understanding.
"""

import jax, jax.numpy as jnp
import numpy as np

N = 20000
C = 80
G = 100
CANDIDATE_TOPK = 8
CENTER_RADIUS = 0.75
DUP_RADIUS = 1.25
VFL_ALPHA = 0.75
VFL_GAMMA = 2.0
BOX_WEIGHT = 2.5


def _sigmoid_np(x):
    return 1.0 / (1.0 + np.exp(-x.astype(np.float64)))


def _iou_np(boxes, gt):
    x1 = np.maximum(boxes[:, 0], gt[0]); y1 = np.maximum(boxes[:, 1], gt[1])
    x2 = np.minimum(boxes[:, 2], gt[2]); y2 = np.minimum(boxes[:, 3], gt[3])
    inter = np.clip(x2 - x1, 0, None) * np.clip(y2 - y1, 0, None)
    area_a = np.clip(boxes[:, 2] - boxes[:, 0], 0, None) * np.clip(boxes[:, 3] - boxes[:, 1], 0, None)
    area_b = np.clip(gt[2] - gt[0], 0, None) * np.clip(gt[3] - gt[1], 0, None)
    return inter / (area_a + area_b - inter + 1e-7)


def _sigmoid_jnp(x):
    return 1.0 / (1.0 + jnp.exp(-x))


def _assign(pred_scores, pred_boxes, pred_objectness, anchor_points, gt_boxes, gt_labels, valid_class_mask):
    # Traceable fixed-shape equivalent of PromptOneToOneAssigner.assign: per-GT
    # candidate selection with masked metrics, stable global pair ordering, and
    # sequential greedy one-to-one matching over the fixed-size pair list.
    num_points, num_classes = pred_scores.shape
    num_gt = gt_boxes.shape[0]
    po = _sigmoid_jnp(pred_objectness)
    cls_idx = jnp.clip(gt_labels, 0, num_classes - 1)
    valid_gt = (gt_labels >= 0) & (gt_labels < num_classes) & valid_class_mask[cls_idx]

    def per_gt(box, cls, vgt):
        inside = ((anchor_points[:, 0] >= box[0]) & (anchor_points[:, 0] <= box[2])
                  & (anchor_points[:, 1] >= box[1]) & (anchor_points[:, 1] <= box[3]))
        center = (box[:2] + box[2:]) * 0.5
        half = jnp.clip((box[2:] - box[:2]) * 0.5, 1.0)
        delta = jnp.abs(anchor_points - center) / half
        dmax = delta.max(axis=1)
        cand_center = inside & (dmax <= CENTER_RADIUS)
        cand = jnp.where(jnp.any(cand_center), cand_center, inside)
        ious = _iou_jnp(pred_boxes, jnp.broadcast_to(box, pred_boxes.shape))
        cls_scores = _sigmoid_jnp(pred_scores[:, cls])
        quality = jnp.sqrt(jnp.clip(po * cls_scores, 0.0))
        center_prior = jnp.exp(-0.5 * (delta ** 2).sum(axis=1))
        metric = quality * ious ** 2 * center_prior ** 2
        metric = jnp.where(cand & vgt, metric, -jnp.inf)
        order = jnp.argsort(-metric)[:CANDIDATE_TOPK]
        pair_metric = metric[order]
        pair_valid = jnp.isfinite(pair_metric)
        dup_cand = inside & (dmax <= DUP_RADIUS)
        return order, pair_metric, pair_valid, dup_cand

    orders, pair_metrics, pair_valids, dup_cands = jax.vmap(per_gt)(gt_boxes, cls_idx, valid_gt)
    flat_p = orders.reshape(-1)
    flat_g = jnp.broadcast_to(jnp.arange(num_gt)[:, None], orders.shape).reshape(-1)
    flat_m = pair_metrics.reshape(-1)
    flat_v = pair_valids.reshape(-1)
    sort_idx = jnp.argsort(-flat_m)
    flat_p = flat_p[sort_idx]
    flat_g = flat_g[sort_idx]
    flat_v = flat_v[sort_idx]

    def greedy(state, pair):
        fg, mgt, ovl, dup, used_p, used_g = state
        p, g, v = pair
        take = v & jnp.logical_not(used_p[p]) & jnp.logical_not(used_g[g])
        iou_pg = _iou_jnp(pred_boxes[p][None, :], jnp.take(gt_boxes, g, axis=0)[None, :])[0]
        fg = fg.at[p].set(jnp.where(take, True, fg[p]))
        mgt = mgt.at[p].set(jnp.where(take, g.astype(mgt.dtype), mgt[p]))
        ovl = ovl.at[p].set(jnp.where(take, iou_pg, ovl[p]))
        dup_new = jnp.logical_or(dup, dup_cands[g]).at[p].set(False)
        dup = jnp.where(take, dup_new, dup)
        used_p = used_p.at[p].set(used_p[p] | take)
        used_g = used_g.at[g].set(used_g[g] | take)
        return (fg, mgt, ovl, dup, used_p, used_g), None

    init = (jnp.zeros(num_points, bool),
            jnp.full(num_points, -1, jnp.int32),
            jnp.zeros(num_points, jnp.float32),
            jnp.zeros(num_points, bool),
            jnp.zeros(num_points, bool),
            jnp.zeros(num_gt, bool))
    (fg_mask, matched_gt, overlaps, duplicate_mask, _, _), _ = jax.lax.scan(
        greedy, init, (flat_p, flat_g, flat_v))
    duplicate_mask = duplicate_mask & ~fg_mask
    matched_labels = jnp.take(gt_labels, jnp.clip(matched_gt, 0))
    one_hot = jax.nn.one_hot(matched_labels, num_classes, dtype=jnp.float32)
    target_scores = one_hot * (fg_mask.astype(jnp.float32) * jnp.clip(overlaps, 0.1))[:, None]
    return target_scores, fg_mask, matched_gt, duplicate_mask


def _iou_jnp(a, b):
    x1 = jnp.maximum(a[:, 0], b[:, 0]); y1 = jnp.maximum(a[:, 1], b[:, 1])
    x2 = jnp.minimum(a[:, 2], b[:, 2]); y2 = jnp.minimum(a[:, 3], b[:, 3])
    inter = jnp.clip(x2 - x1, 0.0) * jnp.clip(y2 - y1, 0.0)
    area_a = jnp.clip(a[:, 2] - a[:, 0], 0.0) * jnp.clip(a[:, 3] - a[:, 1], 0.0)
    area_b = jnp.clip(b[:, 2] - b[:, 0], 0.0) * jnp.clip(b[:, 3] - b[:, 1], 0.0)
    return inter / (area_a + area_b - inter + 1e-7)


def _bce_logits(x, t):
    return jnp.clip(x, 0.0) - x * t + jnp.log1p(jnp.exp(-jnp.abs(x)))


def setup_inputs(seed: int = 0):
    key = jax.random.key(seed)
    ks = jax.random.split(key, 7)
    raw = jax.random.uniform(ks[0], (N, 4))
    cx = raw[:, 0] * 608 + 16; cy = raw[:, 1] * 608 + 16
    w = raw[:, 2] * 96 + 8; h = raw[:, 3] * 96 + 8
    pred_boxes = jnp.stack([cx - w / 2, cy - h / 2, cx + w / 2, cy + h / 2], axis=1).astype(jnp.float32)
    pred_scores = jax.random.normal(ks[1], (N, C), jnp.float32)
    pred_objectness = jax.random.normal(ks[2], (N,), jnp.float32)
    anchor_points = (jax.random.uniform(ks[3], (N, 2)) * 640.0).astype(jnp.float32)
    graw = jax.random.uniform(ks[4], (G, 4))
    gcx = graw[:, 0] * 576 + 32; gcy = graw[:, 1] * 576 + 32
    gw = graw[:, 2] * 160 + 16; gh = graw[:, 3] * 160 + 16
    gt_boxes = jnp.stack([gcx - gw / 2, gcy - gh / 2, gcx + gw / 2, gcy + gh / 2], axis=1).astype(jnp.float32)
    gt_labels = jax.random.randint(ks[5], (G,), 0, C, dtype=jnp.int32)
    valid_class_mask = jnp.ones((C,), dtype=bool)
    return {
        'pred_scores': pred_scores,
        'pred_boxes': pred_boxes,
        'pred_objectness': pred_objectness,
        'anchor_points': anchor_points,
        'gt_boxes': gt_boxes,
        'gt_labels': gt_labels,
        'valid_class_mask': valid_class_mask,
    }


def reference(pred_scores, pred_boxes, pred_objectness, anchor_points, gt_boxes, gt_labels, valid_class_mask):
    target_scores, fg, mg_raw, dup = _assign(pred_scores, pred_boxes, pred_objectness,
                                             anchor_points, gt_boxes, gt_labels, valid_class_mask)
    mg = jnp.clip(mg_raw, 0).astype(jnp.int32)
    fg_f = fg.astype(jnp.float32)
    num_fg = jnp.maximum(fg_f.sum(), 1.0)
    # varifocal classification loss
    prob = jax.nn.sigmoid(pred_scores)
    weight = VFL_ALPHA * prob ** VFL_GAMMA * (1.0 - target_scores) + target_scores
    loss_cls = (_bce_logits(pred_scores, target_scores) * weight).sum() / num_fg
    # IoU box loss on matched foreground
    target_boxes = jnp.take(gt_boxes, mg, axis=0) * fg_f[:, None]
    iou = _iou_jnp(pred_boxes, target_boxes)
    loss_box = ((1.0 - iou) * fg_f).sum() / num_fg
    # objectness BCE, duplicate anchors ignored
    obj_w = (~dup).astype(jnp.float32)
    loss_obj = (_bce_logits(pred_objectness, fg_f) * obj_w).sum() / num_fg
    return loss_cls + BOX_WEIGHT * loss_box + loss_obj

if __name__ == "__main__":
    import jax
    _d = setup_inputs()
    print(jax.jit(kernel)(*tuple(_d.values())))

</pallas_src>

<mosaic_0001>
#map = affine_map<(d0, d1) -> (0)>
module attributes {stable_mosaic.version = 14 : i64} {
  func.func @_greedy_sc_body(%arg0: i32, %arg1: i32, %arg2: memref<800xf32, #tpu.memory_space<hbm>>, %arg3: memref<800xi32, #tpu.memory_space<hbm>>, %arg4: memref<800xf32, #tpu.memory_space<hbm>>, %arg5: memref<112xi32, #tpu.memory_space<hbm>>, %arg6: memref<128xi32, #tpu.memory_space<hbm>>, %arg7: memref<128xi32, #tpu.memory_space<hbm>>, %arg8: memref<128xf32, #tpu.memory_space<hbm>>, %arg9: memref<128xf32, #tpu.memory_space<hbm>>, %arg10: memref<112xf32, #tpu.memory_space<hbm>>, %arg11: memref<16xf32, #tpu.memory_space<hbm>>, %arg12: memref<800xf32, #tpu.memory_space<vmem>>, %arg13: memref<800xi32, #tpu.memory_space<vmem>>, %arg14: memref<800xf32, #tpu.memory_space<vmem>>, %arg15: memref<112xi32, #tpu.memory_space<vmem>>, %arg16: memref<128xi32, #tpu.memory_space<vmem>>, %arg17: memref<128xi32, #tpu.memory_space<vmem>>, %arg18: memref<128xf32, #tpu.memory_space<vmem>>, %arg19: memref<128xf32, #tpu.memory_space<vmem>>, %arg20: memref<112xf32, #tpu.memory_space<vmem>>, %arg21: memref<16xf32, #tpu.memory_space<vmem>>) attributes {dimension_semantics = [#tpu.dimension_semantics<core_parallel>, #tpu.dimension_semantics<subcore_parallel>], iteration_bounds = array<i64: 2, 16>, scalar_prefetch = 0 : i64, scratch_operands = 10 : i64, tpu.core_type = #tpu.core_type<sc_vector_subcore>, window_params = [{transform_indices = #map}, {transform_indices = #map}, {transform_indices = #map}, {transform_indices = #map}, {transform_indices = #map}, {transform_indices = #map}, {transform_indices = #map}, {transform_indices = #map}, {transform_indices = #map}, {transform_indices = #map}]} {
    %eq3A = arith.constant 0 : i32
    %eq3A_0 = arith.cmpi eq, %arg0, %eq3A : i32
    %eq3A_1 = arith.constant 0 : i32
    %eq3A_2 = arith.cmpi eq, %arg1, %eq3A_1 : i32
    %and3A = arith.andi %eq3A_0, %eq3A_2 : i1
    %convert_element_type3A = arith.extui %and3A : i1 to i32
    %cond3A = arith.constant 0 : i32
    %cond3A_3 = arith.cmpi ne, %convert_element_type3A, %cond3A : i32
    scf.if %cond3A_3 {
      "tpu.region"() ({
        %run_scoped3A = tpu.sem_alloc : memref<!tpu.dma_semaphore, #tpu.memory_space<semaphore_mem>>
        tpu.enqueue_dma source(%arg2 : memref<800xf32, #tpu.memory_space<hbm>>) target(%arg12 : memref<800xf32, #tpu.memory_space<vmem>>) target_semaphore(%run_scoped3A : memref<!tpu.dma_semaphore, #tpu.memory_space<semaphore_mem>>)
        tpu.wait_dma2 semaphore(%run_scoped3A : memref<!tpu.dma_semaphore, #tpu.memory_space<semaphore_mem>>) src(%arg2 : memref<800xf32, #tpu.memory_space<hbm>>) dst(%arg12 : memref<800xf32, #tpu.memory_space<vmem>>)
        tpu.yield
      }) : () -> ()
      "tpu.region"() ({
        %run_scoped3A = tpu.sem_alloc : memref<!tpu.dma_semaphore, #tpu.memory_space<semaphore_mem>>
        tpu.enqueue_dma source(%arg3 : memref<800xi32, #tpu.memory_space<hbm>>) target(%arg13 : memref<800xi32, #tpu.memory_space<vmem>>) target_semaphore(%run_scoped3A : memref<!tpu.dma_semaphore, #tpu.memory_space<semaphore_mem>>)
        tpu.wait_dma2 semaphore(%run_scoped3A : memref<!tpu.dma_semaphore, #tpu.memory_space<semaphore_mem>>) src(%arg3 : memref<800xi32, #tpu.memory_space<hbm>>) dst(%arg13 : memref<800xi32, #tpu.memory_space<vmem>>)
        tpu.yield
      }) : () -> ()
      "tpu.region"() ({
        %run_scoped3A = tpu.sem_alloc : memref<!tpu.dma_semaphore, #tpu.memory_space<semaphore_mem>>
        tpu.enqueue_dma source(%arg4 : memref<800xf32, #tpu.memory_space<hbm>>) target(%arg14 : memref<800xf32, #tpu.memory_space<vmem>>) target_semaphore(%run_scoped3A : memref<!tpu.dma_semaphore, #tpu.memory_space<semaphore_mem>>)
        tpu.wait_dma2 semaphore(%run_scoped3A : memref<!tpu.dma_semaphore, #tpu.memory_space<semaphore_mem>>) src(%arg4 : memref<800xf32, #tpu.memory_space<hbm>>) dst(%arg14 : memref<800xf32, #tpu.memory_space<vmem>>)
        tpu.yield
      }) : () -> ()
      "tpu.region"() ({
        %run_scoped3A = tpu.sem_alloc : memref<!tpu.dma_semaphore, #tpu.memory_space<semaphore_mem>>
        tpu.enqueue_dma source(%arg5 : memref<112xi32, #tpu.memory_space<hbm>>) target(%arg15 : memref<112xi32, #tpu.memory_space<vmem>>) target_semaphore(%run_scoped3A : memref<!tpu.dma_semaphore, #tpu.memory_space<semaphore_mem>>)
        tpu.wait_dma2 semaphore(%run_scoped3A : memref<!tpu.dma_semaphore, #tpu.memory_space<semaphore_mem>>) src(%arg5 : memref<112xi32, #tpu.memory_space<hbm>>) dst(%arg15 : memref<112xi32, #tpu.memory_space<vmem>>)
        tpu.yield
      }) : () -> ()
      %broadcast_in_dim3A = arith.constant 0.000000e+00 : f32
      %broadcast_in_dim3A_4 = vector.broadcast %broadcast_in_dim3A : f32 to vector<16xf32>
      %broadcast_in_dim3A_5 = arith.constant 0 : i32
      %broadcast_in_dim3A_6 = vector.broadcast %broadcast_in_dim3A_5 : i32 to vector<16xi32>
      %swap3A = arith.constant 0 : index
      %swap3A_7 = tpu.vector_load %arg16[%swap3A] {strides = array<i32>} : memref<128xi32, #tpu.memory_space<vmem>>, vector<16xi32>,
      %swap3A_8 = vector.shape_cast %swap3A_7 : vector<16xi32> to vector<16xi32>
      %swap3A_9 = vector.shape_cast %broadcast_in_dim3A_6 : vector<16xi32> to vector<16xi32>
      tpu.vector_store %arg16[%swap3A], %swap3A_9 {strides = array<i32>} : memref<128xi32, #tpu.memory_space<vmem>>, vector<16xi32>,
      %swap3A_10 = arith.constant 0 : index
      %swap3A_11 = tpu.vector_load %arg17[%swap3A_10] {strides = array<i32>} : memref<128xi32, #tpu.memory_space<vmem>>, vector<16xi32>,
      %swap3A_12 = vector.shape_cast %swap3A_11 : vector<16xi32> to vector<16xi32>
      %swap3A_13 = vector.shape_cast %broadcast_in_dim3A_6 : vector<16xi32> to vector<16xi32>
      tpu.vector_store %arg17[%swap3A_10], %swap3A_13 {strides = array<i32>} : memref<128xi32, #tpu.memory_space<vmem>>, vector<16xi32>,
      %swap3A_14 = arith.constant 0 : index
      %swap3A_15 = tpu.vector_load %arg18[%swap3A_14] {strides = array<i32>} : memref<128xf32, #tpu.memory_space<vmem>>, vector<16xf32>,
      %swap3A_16 = vector.shape_cast %swap3A_15 : vector<16xf32> to vector<16xf32>
      %swap3A_17 = vector.shape_cast %broadcast_in_dim3A_4 : vector<16xf32> to vector<16xf32>
      tpu.vector_store %arg18[%swap3A_14], %swap3A_17 {strides = array<i32>} : memref<128xf32, #tpu.memory_space<vmem>>, vector<16xf32>,
      %swap3A_18 = arith.constant 0 : index
      %swap3A_19 = tpu.vector_load %arg19[%swap3A_18] {strides = array<i32>} : memref<128xf32, #tpu.memory_space<vmem>>, vector<16xf32>,
      %swap3A_20 = vector.shape_cast %swap3A_19 : vector<16xf32> to vector<16xf32>
      %swap3A_21 = vector.shape_cast %broadcast_in_dim3A_4 : vector<16xf32> to vector<16xf32>
      tpu.vector_store %arg19[%swap3A_18], %swap3A_21 {strides = array<i32>} : memref<128xf32, #tpu.memory_space<vmem>>, vector<16xf32>,
      %swap3A_22 = arith.constant 16 : index
      %swap3A_23 = tpu.vector_load %arg16[%swap3A_22] {strides = array<i32>} : memref<128xi32, #tpu.memory_space<vmem>>, vector<16xi32>,
      %swap3A_24 = vector.shape_cast %swap3A_23 : vector<16xi32> to vector<16xi32>
      %swap3A_25 = vector.shape_cast %broadcast_in_dim3A_6 : vector<16xi32> to vector<16xi32>
      tpu.vector_store %arg16[%swap3A_22], %swap3A_25 {strides = array<i32>} : memref<128xi32, #tpu.memory_space<vmem>>, vector<16xi32>,
      %swap3A_26 = arith.constant 16 : index
      %swap3A_27 = tpu.vector_load %arg17[%swap3A_26] {strides = array<i32>} : memref<128xi32, #tpu.memory_space<vmem>>, vector<16xi32>,
      %swap3A_28 = vector.shape_cast %swap3A_27 : vector<16xi32> to vector<16xi32>
      %swap3A_29 = vector.shape_cast %broadcast_in_dim3A_6 : vector<16xi32> to vector<16xi32>
      tpu.vector_store %arg17[%swap3A_26], %swap3A_29 {strides = array<i32>} : memref<128xi32, #tpu.memory_space<vmem>>, vector<16xi32>,
      %swap3A_30 = arith.constant 16 : index
      %swap3A_31 = tpu.vector_load %arg18[%swap3A_30] {strides = array<i32>} : memref<128xf32, #tpu.memory_space<vmem>>, vector<16xf32>,
      %swap3A_32 = vector.shape_cast %swap3A_31 : vector<16xf32> to vector<16xf32>
      %swap3A_33 = vector.shape_cast %broadcast_in_dim3A_4 : vector<16xf32> to vector<16xf32>
      tpu.vector_store %arg18[%swap3A_30], %swap3A_33 {strides = array<i32>} : memref<128xf32, #tpu.memory_space<vmem>>, vector<16xf32>,
      %swap3A_34 = arith.constant 16 : index
      %swap3A_35 = tpu.vector_load %arg19[%swap3A_34] {strides = array<i32>} : memref<128xf32, #tpu.memory_space<vmem>>, vector<16xf32>,
      %swap3A_36 = vector.shape_cast %swap3A_35 : vector<16xf32> to vector<16xf32>
      %swap3A_37 = vector.shape_cast %broadcast_in_dim3A_4 : vector<16xf32> to vector<16xf32>
      tpu.vector_store %arg19[%swap3A_34], %swap3A_37 {strides = array<i32>} : memref<128xf32, #tpu.memory_space<vmem>>, vector<16xf32>,
      %swap3A_38 = arith.constant 32 : index
      %swap3A_39 = tpu.vector_load %arg16[%swap3A_38] {strides = array<i32>} : memref<128xi32, #tpu.memory_space<vmem>>, vector<16xi32>,
      %swap3A_40 = vector.shape_cast %swap3A_39 : vector<16xi32> to vector<16xi32>
      %swap3A_41 = vector.shape_cast %broadcast_in_dim3A_6 : vector<16xi32> to vector<16xi32>
      tpu.vector_store %arg16[%swap3A_38], %swap3A_41 {strides = array<i32>} : memref<128xi32, #tpu.memory_space<vmem>>, vector<16xi32>,
      %swap3A_42 = arith.constant 32 : index
      %swap3A_43 = tpu.vector_load %arg17[%swap3A_42] {strides = array<i32>} : memref<128xi32, #tpu.memory_space<vmem>>, vector<16xi32>,
      %swap3A_44 = vector.shape_cast %swap3A_43 : vector<16xi32> to vector<16xi32>
      %swap3A_45 = vector.shape_cast %broadcast_in_dim3A_6 : vector<16xi32> to vector<16xi32>
      tpu.vector_store %arg17[%swap3A_42], %swap3A_45 {strides = array<i32>} : memref<128xi32, #tpu.memory_space<vmem>>, vector<16xi32>,
      %swap3A_46 = arith.constant 32 : index
      %swap3A_47 = tpu.vector_load %arg18[%swap3A_46] {strides = array<i32>} : memref<128xf32, #tpu.memory_space<vmem>>, vector<16xf32>,
      %swap3A_48 = vector.shape_cast %swap3A_47 : vector<16xf32> to vector<16xf32>
      %swap3A_49 = vector.shape_cast %broadcast_in_dim3A_4 : vector<16xf32> to vector<16xf32>
      tpu.vector_store %arg18[%swap3A_46], %swap3A_49 {strides = array<i32>} : memref<128xf32, #tpu.memory_space<vmem>>, vector<16xf32>,
      %swap3A_50 = arith.constant 32 : index
      %swap3A_51 = tpu.vector_load %arg19[%swap3A_50] {strides = array<i32>} : memref<128xf32, #tpu.memory_space<vmem>>, vector<16xf32>,
      %swap3A_52 = vector.shape_cast %swap3A_51 : vector<16xf32> to vector<16xf32>
      %swap3A_53 = vector.shape_cast %broadcast_in_dim3A_4 : vector<16xf32> to vector<16xf32>
      tpu.vector_store %arg19[%swap3A_50], %swap3A_53 {strides = array<i32>} : memref<128xf32, #tpu.memory_space<vmem>>, vector<16xf32>,
      %swap3A_54 = arith.constant 48 : index
      %swap3A_55 = tpu.vector_load %arg16[%swap3A_54] {strides = array<i32>} : memref<128xi32, #tpu.memory_space<vmem>>, vector<16xi32>,
      %swap3A_56 = vector.shape_cast %swap3A_55 : vector<16xi32> to vector<16xi32>
      %swap3A_57 = vector.shape_cast %broadcast_in_dim3A_6 : vector<16xi32> to vector<16xi32>
      tpu.vector_store %arg16[%swap3A_54], %swap3A_57 {strides = array<i32>} : memref<128xi32, #tpu.memory_space<vmem>>, vector<16xi32>,
      %swap3A_58 = arith.constant 48 : index
      %swap3A_59 = tpu.vector_load %arg17[%swap3A_58] {strides = array<i32>} : memref<128xi32, #tpu.memory_space<vmem>>, vector<16xi32>,
      %swap3A_60 = vector.shape_cast %swap3A_59 : vector<16xi32> to vector<16xi32>
      %swap3A_61 = vector.shape_cast %broadcast_in_dim3A_6 : vector<16xi32> to vector<16xi32>
      tpu.vector_store %arg17[%swap3A_58], %swap3A_61 {strides = array<i32>} : memref<128xi32, #tpu.memory_space<vmem>>, vector<16xi32>,
      %swap3A_62 = arith.constant 48 : index
      %swap3A_63 = tpu.vector_load %arg18[%swap3A_62] {strides = array<i32>} : memref<128xf32, #tpu.memory_space<vmem>>, vector<16xf32>,
      %swap3A_64 = vector.shape_cast %swap3A_63 : vector<16xf32> to vector<16xf32>
      %swap3A_65 = vector.shape_cast %broadcast_in_dim3A_4 : vector<16xf32> to vector<16xf32>
      tpu.vector_store %arg18[%swap3A_62], %swap3A_65 {strides = array<i32>} : memref<128xf32, #tpu.memory_space<vmem>>, vector<16xf32>,
      %swap3A_66 = arith.constant 48 : index
      %swap3A_67 = tpu.vector_load %arg19[%swap3A_66] {strides = array<i32>} : memref<128xf32, #tpu.memory_space<vmem>>, vector<16xf32>,
      %swap3A_68 = vector.shape_cast %swap3A_67 : vector<16xf32> to vector<16xf32>
      %swap3A_69 = vector.shape_cast %broadcast_in_dim3A_4 : vector<16xf32> to vector<16xf32>
      tpu.vector_store %arg19[%swap3A_66], %swap3A_69 {strides = array<i32>} : memref<128xf32, #tpu.memory_space<vmem>>, vector<16xf32>,
      %swap3A_70 = arith.constant 64 : index
      %swap3A_71 = tpu.vector_load %arg16[%swap3A_70] {strides = array<i32>} : memref<128xi32, #tpu.memory_space<vmem>>, vector<16xi32>,
      %swap3A_72 = vector.shape_cast %swap3A_71 : vector<16xi32> to vector<16xi32>
      %swap3A_73 = vector.shape_cast %broadcast_in_dim3A_6 : vector<16xi32> to vector<16xi32>
      tpu.vector_store %arg16[%swap3A_70], %swap3A_73 {strides = array<i32>} : memref<128xi32, #tpu.memory_space<vmem>>, vector<16xi32>,
      %swap3A_74 = arith.constant 64 : index
      %swap3A_75 = tpu.vector_load %arg17[%swap3A_74] {strides = array<i32>} : memref<128xi32, #tpu.memory_space<vmem>>, vector<16xi32>,
      %swap3A_76 = vector.shape_cast %swap3A_75 : vector<16xi32> to vector<16xi32>
      %swap3A_77 = vector.shape_cast %broadcast_in_dim3A_6 : vector<16xi32> to vector<16xi32>
      tpu.vector_store %arg17[%swap3A_74], %swap3A_77 {strides = array<i32>} : memref<128xi32, #tpu.memory_space<vmem>>, vector<16xi32>,
      %swap3A_78 = arith.constant 64 : index
      %swap3A_79 = tpu.vector_load %arg18[%swap3A_78] {strides = array<i32>} : memref<128xf32, #tpu.memory_space<vmem>>, vector<16xf32>,
      %swap3A_80 = vector.shape_cast %swap3A_79 : vector<16xf32> to vector<16xf32>
      %swap3A_81 = vector.shape_cast %broadcast_in_dim3A_4 : vector<16xf32> to vector<16xf32>
      tpu.vector_store %arg18[%swap3A_78], %swap3A_81 {strides = array<i32>} : memref<128xf32, #tpu.memory_space<vmem>>, vector<16xf32>,
      %swap3A_82 = arith.constant 64 : index
      %swap3A_83 = tpu.vector_load %arg19[%swap3A_82] {strides = array<i32>} : memref<128xf32, #tpu.memory_space<vmem>>, vector<16xf32>,
      %swap3A_84 = vector.shape_cast %swap3A_83 : vector<16xf32> to vector<16xf32>
      %swap3A_85 = vector.shape_cast %broadcast_in_dim3A_4 : vector<16xf32> to vector<16xf32>
      tpu.vector_store %arg19[%swap3A_82], %swap3A_85 {strides = array<i32>} : memref<128xf32, #tpu.memory_space<vmem>>, vector<16xf32>,
      %swap3A_86 = arith.constant 80 : index
      %swap3A_87 = tpu.vector_load %arg16[%swap3A_86] {strides = array<i32>} : memref<128xi32, #tpu.memory_space<vmem>>, vector<16xi32>,
      %swap3A_88 = vector.shape_cast %swap3A_87 : vector<16xi32> to vector<16xi32>
      %swap3A_89 = vector.shape_cast %broadcast_in_dim3A_6 : vector<16xi32> to vector<16xi32>
      tpu.vector_store %arg16[%swap3A_86], %swap3A_89 {strides = array<i32>} : memref<128xi32, #tpu.memory_space<vmem>>, vector<16xi32>,
      %swap3A_90 = arith.constant 80 : index
      %swap3A_91 = tpu.vector_load %arg17[%swap3A_90] {strides = array<i32>} : memref<128xi32, #tpu.memory_space<vmem>>, vector<16xi32>,
      %swap3A_92 = vector.shape_cast %swap3A_91 : vector<16xi32> to vector<16xi32>
      %swap3A_93 = vector.shape_cast %broadcast_in_dim3A_6 : vector<16xi32> to vector<16xi32>
      tpu.vector_store %arg17[%swap3A_90], %swap3A_93 {strides = array<i32>} : memref<128xi32, #tpu.memory_space<vmem>>, vector<16xi32>,
      %swap3A_94 = arith.constant 80 : index
      %swap3A_95 = tpu.vector_load %arg18[%swap3A_94] {strides = array<i32>} : memref<128xf32, #tpu.memory_space<vmem>>, vector<16xf32>,
      %swap3A_96 = vector.shape_cast %swap3A_95 : vector<16xf32> to vector<16xf32>
      %swap3A_97 = vector.shape_cast %broadcast_in_dim3A_4 : vector<16xf32> to vector<16xf32>
      tpu.vector_store %arg18[%swap3A_94], %swap3A_97 {strides = array<i32>} : memref<128xf32, #tpu.memory_space<vmem>>, vector<16xf32>,
      %swap3A_98 = arith.constant 80 : index
      %swap3A_99 = tpu.vector_load %arg19[%swap3A_98] {strides = array<i32>} : memref<128xf32, #tpu.memory_space<vmem>>, vector<16xf32>,
      %swap3A_100 = vector.shape_cast %swap3A_99 : vector<16xf32> to vector<16xf32>
      %swap3A_101 = vector.shape_cast %broadcast_in_dim3A_4 : vector<16xf32> to vector<16xf32>
      tpu.vector_store %arg19[%swap3A_98], %swap3A_101 {strides = array<i32>} : memref<128xf32, #tpu.memory_space<vmem>>, vector<16xf32>,
      %swap3A_102 = arith.constant 96 : index
      %swap3A_103 = tpu.vector_load %arg16[%swap3A_102] {strides = array<i32>} : memref<128xi32, #tpu.memory_space<vmem>>, vector<16xi32>,
      %swap3A_104 = vector.shape_cast %swap3A_103 : vector<16xi32> to vector<16xi32>
      %swap3A_105 = vector.shape_cast %broadcast_in_dim3A_6 : vector<16xi32> to vector<16xi32>
      tpu.vector_store %arg16[%swap3A_102], %swap3A_105 {strides = array<i32>} : memref<128xi32, #tpu.memory_space<vmem>>, vector<16xi32>,
      %swap3A_106 = arith.constant 96 : index
      %swap3A_107 = tpu.vector_load %arg17[%swap3A_106] {strides = array<i32>} : memref<128xi32, #tpu.memory_space<vmem>>, vector<16xi32>,
      %swap3A_108 = vector.shape_cast %swap3A_107 : vector<16xi32> to vector<16xi32>
      %swap3A_109 = vector.shape_cast %broadcast_in_dim3A_6 : vector<16xi32> to vector<16xi32>
      tpu.vector_store %arg17[%swap3A_106], %swap3A_109 {strides = array<i32>} : memref<128xi32, #tpu.memory_space<vmem>>, vector<16xi32>,
      %swap3A_110 = arith.constant 96 : index
      %swap3A_111 = tpu.vector_load %arg18[%swap3A_110] {strides = array<i32>} : memref<128xf32, #tpu.memory_space<vmem>>, vector<16xf32>,
      %swap3A_112 = vector.shape_cast %swap3A_111 : vector<16xf32> to vector<16xf32>
      %swap3A_113 = vector.shape_cast %broadcast_in_dim3A_4 : vector<16xf32> to vector<16xf32>
      tpu.vector_store %arg18[%swap3A_110], %swap3A_113 {strides = array<i32>} : memref<128xf32, #tpu.memory_space<vmem>>, vector<16xf32>,
      %swap3A_114 = arith.constant 96 : index
      %swap3A_115 = tpu.vector_load %arg19[%swap3A_114] {strides = array<i32>} : memref<128xf32, #tpu.memory_space<vmem>>, vector<16xf32>,
      %swap3A_116 = vector.shape_cast %swap3A_115 : vector<16xf32> to vector<16xf32>
      %swap3A_117 = vector.shape_cast %broadcast_in_dim3A_4 : vector<16xf32> to vector<16xf32>
      tpu.vector_store %arg19[%swap3A_114], %swap3A_117 {strides = array<i32>} : memref<128xf32, #tpu.memory_space<vmem>>, vector<16xf32>,
      %swap3A_118 = arith.constant 112 : index
      %swap3A_119 = tpu.vector_load %arg16[%swap3A_118] {strides = array<i32>} : memref<128xi32, #tpu.memory_space<vmem>>, vector<16xi32>,
      %swap3A_120 = vector.shape_cast %swap3A_119 : vector<16xi32> to vector<16xi32>
      %swap3A_121 = vector.shape_cast %broadcast_in_dim3A_6 : vector<16xi32> to vector<16xi32>
      tpu.vector_store %arg16[%swap3A_118], %swap3A_121 {strides = array<i32>} : memref<128xi32, #tpu.memory_space<vmem>>, vector<16xi32>,
      %swap3A_122 = arith.constant 112 : index
      %swap3A_123 = tpu.vector_load %arg17[%swap3A_122] {strides = array<i32>} : memref<128xi32, #tpu.memory_space<vmem>>, vector<16xi32>,
      %swap3A_124 = vector.shape_cast %swap3A_123 : vector<16xi32> to vector<16xi32>
      %swap3A_125 = vector.shape_cast %broadcast_in_dim3A_6 : vector<16xi32> to vector<16xi32>
      tpu.vector_store %arg17[%swap3A_122], %swap3A_125 {strides = array<i32>} : memref<128xi32, #tpu.memory_space<vmem>>, vector<16xi32>,
      %swap3A_126 = arith.constant 112 : index
      %swap3A_127 = tpu.vector_load %arg18[%swap3A_126] {strides = array<i32>} : memref<128xf32, #tpu.memory_space<vmem>>, vector<16xf32>,
      %swap3A_128 = vector.shape_cast %swap3A_127 : vector<16xf32> to vector<16xf32>
      %swap3A_129 = vector.shape_cast %broadcast_in_dim3A_4 : vector<16xf32> to vector<16xf32>
      tpu.vector_store %arg18[%swap3A_126], %swap3A_129 {strides = array<i32>} : memref<128xf32, #tpu.memory_space<vmem>>, vector<16xf32>,
      %swap3A_130 = arith.constant 112 : index
      %swap3A_131 = tpu.vector_load %arg19[%swap3A_130] {strides = array<i32>} : memref<128xf32, #tpu.memory_space<vmem>>, vector<16xf32>,
      %swap3A_132 = vector.shape_cast %swap3A_131 : vector<16xf32> to vector<16xf32>
      %swap3A_133 = vector.shape_cast %broadcast_in_dim3A_4 : vector<16xf32> to vector<16xf32>
      tpu.vector_store %arg19[%swap3A_130], %swap3A_133 {strides = array<i32>} : memref<128xf32, #tpu.memory_space<vmem>>, vector<16xf32>,
      %swap3A_134 = arith.constant 0 : index
      %swap3A_135 = tpu.vector_load %arg20[%swap3A_134] {strides = array<i32>} : memref<112xf32, #tpu.memory_space<vmem>>, vector<16xf32>,
      %swap3A_136 = vector.shape_cast %swap3A_135 : vector<16xf32> to vector<16xf32>
      %swap3A_137 = vector.shape_cast %broadcast_in_dim3A_4 : vector<16xf32> to vector<16xf32>
      tpu.vector_store %arg20[%swap3A_134], %swap3A_137 {strides = array<i32>} : memref<112xf32, #tpu.memory_space<vmem>>, vector<16xf32>,
      %swap3A_138 = arith.constant 16 : index
      %swap3A_139 = tpu.vector_load %arg20[%swap3A_138] {strides = array<i32>} : memref<112xf32, #tpu.memory_space<vmem>>, vector<16xf32>,
      %swap3A_140 = vector.shape_cast %swap3A_139 : vector<16xf32> to vector<16xf32>
      %swap3A_141 = vector.shape_cast %broadcast_in_dim3A_4 : vector<16xf32> to vector<16xf32>
      tpu.vector_store %arg20[%swap3A_138], %swap3A_141 {strides = array<i32>} : memref<112xf32, #tpu.memory_space<vmem>>, vector<16xf32>,
      %swap3A_142 = arith.constant 32 : index
      %swap3A_143 = tpu.vector_load %arg20[%swap3A_142] {strides = array<i32>} : memref<112xf32, #tpu.memory_space<vmem>>, vector<16xf32>,
      %swap3A_144 = vector.shape_cast %swap3A_143 : vector<16xf32> to vector<16xf32>
      %swap3A_145 = vector.shape_cast %broadcast_in_dim3A_4 : vector<16xf32> to vector<16xf32>
      tpu.vector_store %arg20[%swap3A_142], %swap3A_145 {strides = array<i32>} : memref<112xf32, #tpu.memory_space<vmem>>, vector<16xf32>,
      %swap3A_146 = arith.constant 48 : index
      %swap3A_147 = tpu.vector_load %arg20[%swap3A_146] {strides = array<i32>} : memref<112xf32, #tpu.memory_space<vmem>>, vector<16xf32>,
      %swap3A_148 = vector.shape_cast %swap3A_147 : vector<16xf32> to vector<16xf32>
      %swap3A_149 = vector.shape_cast %broadcast_in_dim3A_4 : vector<16xf32> to vector<16xf32>
      tpu.vector_store %arg20[%swap3A_146], %swap3A_149 {strides = array<i32>} : memref<112xf32, #tpu.memory_space<vmem>>, vector<16xf32>,
      %swap3A_150 = arith.constant 64 : index
      %swap3A_151 = tpu.vector_load %arg20[%swap3A_150] {strides = array<i32>} : memref<112xf32, #tpu.memory_space<vmem>>, vector<16xf32>,
      %swap3A_152 = vector.shape_cast %swap3A_151 : vector<16xf32> to vector<16xf32>
      %swap3A_153 = vector.shape_cast %broadcast_in_dim3A_4 : vector<16xf32> to vector<16xf32>
      tpu.vector_store %arg20[%swap3A_150], %swap3A_153 {strides = array<i32>} : memref<112xf32, #tpu.memory_space<vmem>>, vector<16xf32>,
      %swap3A_154 = arith.constant 80 : index
      %swap3A_155 = tpu.vector_load %arg20[%swap3A_154] {strides = array<i32>} : memref<112xf32, #tpu.memory_space<vmem>>, vector<16xf32>,
      %swap3A_156 = vector.shape_cast %swap3A_155 : vector<16xf32> to vector<16xf32>
      %swap3A_157 = vector.shape_cast %broadcast_in_dim3A_4 : vector<16xf32> to vector<16xf32>
      tpu.vector_store %arg20[%swap3A_154], %swap3A_157 {strides = array<i32>} : memref<112xf32, #tpu.memory_space<vmem>>, vector<16xf32>,
      %swap3A_158 = arith.constant 96 : index
      %swap3A_159 = tpu.vector_load %arg20[%swap3A_158] {strides = array<i32>} : memref<112xf32, #tpu.memory_space<vmem>>, vector<16xf32>,
      %swap3A_160 = vector.shape_cast %swap3A_159 : vector<16xf32> to vector<16xf32>
      %swap3A_161 = vector.shape_cast %broadcast_in_dim3A_4 : vector<16xf32> to vector<16xf32>
      tpu.vector_store %arg20[%swap3A_158], %swap3A_161 {strides = array<i32>} : memref<112xf32, #tpu.memory_space<vmem>>, vector<16xf32>,
      %iota3A = tpu.iota {dimensions = array<i32: 0>} : vector<16xi32>
      %lt3A = arith.constant 0 : i32
      %lt3A_162 = vector.broadcast %lt3A : i32 to vector<16xi32>
      %lt3A_163 = arith.cmpi slt, %iota3A, %lt3A_162 : vector<16xi32>
      %broadcast_in_dim3A_164 = arith.constant 0xFF800000 : f32
      %broadcast_in_dim3A_165 = vector.broadcast %broadcast_in_dim3A_164 : f32 to vector<16xf32>
      %broadcast_in_dim3A_166 = arith.constant 0 : i32
      %broadcast_in_dim3A_167 = vector.broadcast %broadcast_in_dim3A_166 : i32 to vector<16xi32>
      %scan3A = arith.constant 0 : i32
      %scan3A_168 = arith.constant 0 : i32
      %scan3A_169 = arith.constant 50 : i32
      %scan3A_170 = arith.addi %scan3A_168, %scan3A_169 : i32
      %scan3A_171 = arith.constant 1 : i32
      %scan3A_172:2 = scf.for %scan3A_303 = %scan3A_168 to %scan3A_170 step %scan3A_171 iter_args(%scan3A_304 = %broadcast_in_dim3A_165, %scan3A_305 = %broadcast_in_dim3A_167) -> (vector<16xf32>, vector<16xi32>)  : i32 {
        %mul3A = arith.constant 16 : i32
        %mul3A_306 = arith.muli %scan3A_303, %mul3A : i32
        %get3A = arith.index_cast %mul3A_306 : i32 to index
        %get3A_307 = tpu.vector_load %arg12[%get3A] {strides = array<i32>} : memref<800xf32, #tpu.memory_space<vmem>>, vector<16xf32>,
        %get3A_308 = vector.shape_cast %get3A_307 : vector<16xf32> to vector<16xf32>
        %get3A_309 = arith.index_cast %mul3A_306 : i32 to index
        %get3A_310 = tpu.vector_load %arg13[%get3A_309] {strides = array<i32>} : memref<800xi32, #tpu.memory_space<vmem>>, vector<16xi32>,
        %get3A_311 = vector.shape_cast %get3A_310 : vector<16xi32> to vector<16xi32>
        %mul3A_312 = arith.constant 16 : i32
        %mul3A_313 = arith.muli %scan3A_303, %mul3A_312 : i32
        %add3A_314 = vector.broadcast %mul3A_313 : i32 to vector<16xi32>
        %add3A_315 = arith.addi %add3A_314, %iota3A : vector<16xi32>
        %shift_right_arithmetic3A = arith.constant 3 : i32
        %shift_right_arithmetic3A_316 = vector.broadcast %shift_right_arithmetic3A : i32 to vector<16xi32>
        %shift_right_arithmetic3A_317 = arith.shrsi %add3A_315, %shift_right_arithmetic3A_316 : vector<16xi32>
        %eq3A_318 = vector.broadcast %scan3A : i32 to vector<16xi32>
        %eq3A_319 = arith.cmpi eq, %shift_right_arithmetic3A_317, %eq3A_318 : vector<16xi32>
        %eq3A_320 = arith.cmpi eq, %get3A_311, %broadcast_in_dim3A_6 : vector<16xi32>
        %or3A = arith.ori %eq3A_319, %eq3A_320 : vector<16xi1>
        %and3A_321 = arith.andi %lt3A_163, %or3A : vector<16xi1>
        %jit3A_322 = arith.constant 0xFF800000 : f32
        %broadcast_in_dim3A_323 = vector.broadcast %jit3A_322 : f32 to vector<16xf32>
        %select_n3A_324 = arith.select %and3A_321, %broadcast_in_dim3A_323, %get3A_308 : vector<16xi1>, vector<16xf32>
        %swap3A_325 = arith.index_cast %mul3A_306 : i32 to index
        %swap3A_326 = tpu.vector_load %arg12[%swap3A_325] {strides = array<i32>} : memref<800xf32, #tpu.memory_space<vmem>>, vector<16xf32>,
        %swap3A_327 = vector.shape_cast %swap3A_326 : vector<16xf32> to vector<16xf32>
        %swap3A_328 = vector.shape_cast %select_n3A_324 : vector<16xf32> to vector<16xf32>
        tpu.vector_store %arg12[%swap3A_325], %swap3A_328 {strides = array<i32>} : memref<800xf32, #tpu.memory_space<vmem>>, vector<16xf32>,
        %gt3A = arith.cmpf ogt, %select_n3A_324, %scan3A_304 : vector<16xf32>
        %select_n3A_329 = arith.select %gt3A, %select_n3A_324, %scan3A_304 : vector<16xi1>, vector<16xf32>
        %select_n3A_330 = arith.select %gt3A, %add3A_315, %scan3A_305 : vector<16xi1>, vector<16xi32>
        scf.yield %select_n3A_329, %select_n3A_330 : vector<16xf32>, vector<16xi32>
      }
      %scan3A_173 = arith.constant 50 : i32
      %xor3A = arith.constant 8 : i32
      %xor3A_174 = vector.broadcast %xor3A : i32 to vector<16xi32>
      %xor3A_175 = arith.xori %iota3A, %xor3A_174 : vector<16xi32>
      %lt3A_176 = arith.constant 0 : i32
      %lt3A_177 = vector.broadcast %lt3A_176 : i32 to vector<16xi32>
      %lt3A_178 = arith.cmpi slt, %xor3A_175, %lt3A_177 : vector<16xi32>
      %add3A = arith.constant 16 : i32
      %add3A_179 = vector.broadcast %add3A : i32 to vector<16xi32>
      %add3A_180 = arith.addi %xor3A_175, %add3A_179 : vector<16xi32>
      %select_n3A = arith.select %lt3A_178, %add3A_180, %xor3A_175 : vector<16xi1>, vector<16xi32>
      %broadcast_in_dim3A_181 = vector.shape_cast %select_n3A : vector<16xi32> to vector<16x1xi32>
      %gather3A = vector.shape_cast %broadcast_in_dim3A_181 : vector<16x1xi32> to vector<16xi32>
      %gather3A_182 = tpu.dynamic_gather %scan3A_172#0[%gather3A] in [0] : vector<16xf32>, vector<16xi32> -> vector<16xf32>
      %max3A = arith.maximumf %scan3A_172#0, %gather3A_182 : vector<16xf32>
      %xor3A_183 = arith.constant 4 : i32
      %xor3A_184 = vector.broadcast %xor3A_183 : i32 to vector<16xi32>
      %xor3A_185 = arith.xori %iota3A, %xor3A_184 : vector<16xi32>
      %lt3A_186 = arith.constant 0 : i32
      %lt3A_187 = vector.broadcast %lt3A_186 : i32 to vector<16xi32>
      %lt3A_188 = arith.cmpi slt, %xor3A_185, %lt3A_187 : vector<16xi32>
      %add3A_189 = arith.constant 16 : i32
      %add3A_190 = vector.broadcast %add3A_189 : i32 to vector<16xi32>
      %add3A_191 = arith.addi %xor3A_185, %add3A_190 : vector<16xi32>
      %select_n3A_192 = arith.select %lt3A_188, %add3A_191, %xor3A_185 : vector<16xi1>, vector<16xi32>
      %broadcast_in_dim3A_193 = vector.shape_cast %select_n3A_192 : vector<16xi32> to vector<16x1xi32>
      %gather3A_194 = vector.shape_cast %broadcast_in_dim3A_193 : vector<16x1xi32> to vector<16xi32>
      %gather3A_195 = tpu.dynamic_gather %max3A[%gather3A_194] in [0] : vector<16xf32>, vector<16xi32> -> vector<16xf32>
      %max3A_196 = arith.maximumf %max3A, %gather3A_195 : vector<16xf32>
      %xor3A_197 = arith.constant 2 : i32
      %xor3A_198 = vector.broadcast %xor3A_197 : i32 to vector<16xi32>
      %xor3A_199 = arith.xori %iota3A, %xor3A_198 : vector<16xi32>
      %lt3A_200 = arith.constant 0 : i32
      %lt3A_201 = vector.broadcast %lt3A_200 : i32 to vector<16xi32>
      %lt3A_202 = arith.cmpi slt, %xor3A_199, %lt3A_201 : vector<16xi32>
      %add3A_203 = arith.constant 16 : i32
      %add3A_204 = vector.broadcast %add3A_203 : i32 to vector<16xi32>
      %add3A_205 = arith.addi %xor3A_199, %add3A_204 : vector<16xi32>
      %select_n3A_206 = arith.select %lt3A_202, %add3A_205, %xor3A_199 : vector<16xi1>, vector<16xi32>
      %broadcast_in_dim3A_207 = vector.shape_cast %select_n3A_206 : vector<16xi32> to vector<16x1xi32>
      %gather3A_208 = vector.shape_cast %broadcast_in_dim3A_207 : vector<16x1xi32> to vector<16xi32>
      %gather3A_209 = tpu.dynamic_gather %max3A_196[%gather3A_208] in [0] : vector<16xf32>, vector<16xi32> -> vector<16xf32>
      %max3A_210 = arith.maximumf %max3A_196, %gather3A_209 : vector<16xf32>
      %xor3A_211 = arith.constant 1 : i32
      %xor3A_212 = vector.broadcast %xor3A_211 : i32 to vector<16xi32>
      %xor3A_213 = arith.xori %iota3A, %xor3A_212 : vector<16xi32>
      %lt3A_214 = arith.constant 0 : i32
      %lt3A_215 = vector.broadcast %lt3A_214 : i32 to vector<16xi32>
      %lt3A_216 = arith.cmpi slt, %xor3A_213, %lt3A_215 : vector<16xi32>
      %add3A_217 = arith.constant 16 : i32
      %add3A_218 = vector.broadcast %add3A_217 : i32 to vector<16xi32>
      %add3A_219 = arith.addi %xor3A_213, %add3A_218 : vector<16xi32>
      %select_n3A_220 = arith.select %lt3A_216, %add3A_219, %xor3A_213 : vector<16xi1>, vector<16xi32>
      %broadcast_in_dim3A_221 = vector.shape_cast %select_n3A_220 : vector<16xi32> to vector<16x1xi32>
      %gather3A_222 = vector.shape_cast %broadcast_in_dim3A_221 : vector<16x1xi32> to vector<16xi32>
      %gather3A_223 = tpu.dynamic_gather %max3A_210[%gather3A_222] in [0] : vector<16xf32>, vector<16xi32> -> vector<16xf32>
      %max3A_224 = arith.maximumf %max3A_210, %gather3A_223 : vector<16xf32>
      %eq3A_225 = arith.cmpf oeq, %scan3A_172#0, %max3A_224 : vector<16xf32>
      %jit3A = arith.constant 1073741824 : i32
      %broadcast_in_dim3A_226 = vector.broadcast %jit3A : i32 to vector<16xi32>
      %select_n3A_227 = arith.select %eq3A_225, %scan3A_172#1, %broadcast_in_dim3A_226 : vector<16xi1>, vector<16xi32>
      %xor3A_228 = arith.constant 8 : i32
      %xor3A_229 = vector.broadcast %xor3A_228 : i32 to vector<16xi32>
      %xor3A_230 = arith.xori %iota3A, %xor3A_229 : vector<16xi32>
      %lt3A_231 = arith.constant 0 : i32
      %lt3A_232 = vector.broadcast %lt3A_231 : i32 to vector<16xi32>
      %lt3A_233 = arith.cmpi slt, %xor3A_230, %lt3A_232 : vector<16xi32>
      %add3A_234 = arith.constant 16 : i32
      %add3A_235 = vector.broadcast %add3A_234 : i32 to vector<16xi32>
      %add3A_236 = arith.addi %xor3A_230, %add3A_235 : vector<16xi32>
      %select_n3A_237 = arith.select %lt3A_233, %add3A_236, %xor3A_230 : vector<16xi1>, vector<16xi32>
      %broadcast_in_dim3A_238 = vector.shape_cast %select_n3A_237 : vector<16xi32> to vector<16x1xi32>
      %gather3A_239 = vector.shape_cast %broadcast_in_dim3A_238 : vector<16x1xi32> to vector<16xi32>
      %gather3A_240 = tpu.dynamic_gather %select_n3A_227[%gather3A_239] in [0] : vector<16xi32>, vector<16xi32> -> vector<16xi32>
      %min3A = arith.minsi %select_n3A_227, %gather3A_240 : vector<16xi32>
      %xor3A_241 = arith.constant 4 : i32
      %xor3A_242 = vector.broadcast %xor3A_241 : i32 to vector<16xi32>
      %xor3A_243 = arith.xori %iota3A, %xor3A_242 : vector<16xi32>
      %lt3A_244 = arith.constant 0 : i32
      %lt3A_245 = vector.broadcast %lt3A_244 : i32 to vector<16xi32>
      %lt3A_246 = arith.cmpi slt, %xor3A_243, %lt3A_245 : vector<16xi32>
      %add3A_247 = arith.constant 16 : i32
      %add3A_248 = vector.broadcast %add3A_247 : i32 to vector<16xi32>
      %add3A_249 = arith.addi %xor3A_243, %add3A_248 : vector<16xi32>
      %select_n3A_250 = arith.select %lt3A_246, %add3A_249, %xor3A_243 : vector<16xi1>, vector<16xi32>
      %broadcast_in_dim3A_251 = vector.shape_cast %select_n3A_250 : vector<16xi32> to vector<16x1xi32>
      %gather3A_252 = vector.shape_cast %broadcast_in_dim3A_251 : vector<16x1xi32> to vector<16xi32>
      %gather3A_253 = tpu.dynamic_gather %min3A[%gather3A_252] in [0] : vector<16xi32>, vector<16xi32> -> vector<16xi32>
      %min3A_254 = arith.minsi %min3A, %gather3A_253 : vector<16xi32>
      %xor3A_255 = arith.constant 2 : i32
      %xor3A_256 = vector.broadcast %xor3A_255 : i32 to vector<16xi32>
      %xor3A_257 = arith.xori %iota3A, %xor3A_256 : vector<16xi32>
      %lt3A_258 = arith.constant 0 : i32
      %lt3A_259 = vector.broadcast %lt3A_258 : i32 to vector<16xi32>
      %lt3A_260 = arith.cmpi slt, %xor3A_257, %lt3A_259 : vector<16xi32>
      %add3A_261 = arith.constant 16 : i32
      %add3A_262 = vector.broadcast %add3A_261 : i32 to vector<16xi32>
      %add3A_263 = arith.addi %xor3A_257, %add3A_262 : vector<16xi32>
      %select_n3A_264 = arith.select %lt3A_260, %add3A_263, %xor3A_257 : vector<16xi1>, vector<16xi32>
      %broadcast_in_dim3A_265 = vector.shape_cast %select_n3A_264 : vector<16xi32> to vector<16x1xi32>
      %gather3A_266 = vector.shape_cast %broadcast_in_dim3A_265 : vector<16x1xi32> to vector<16xi32>
      %gather3A_267 = tpu.dynamic_gather %min3A_254[%gather3A_266] in [0] : vector<16xi32>, vector<16xi32> -> vector<16xi32>
      %min3A_268 = arith.minsi %min3A_254, %gather3A_267 : vector<16xi32>
      %xor3A_269 = arith.constant 1 : i32
      %xor3A_270 = vector.broadcast %xor3A_269 : i32 to vector<16xi32>
      %xor3A_271 = arith.xori %iota3A, %xor3A_270 : vector<16xi32>
      %lt3A_272 = arith.constant 0 : i32
      %lt3A_273 = vector.broadcast %lt3A_272 : i32 to vector<16xi32>
      %lt3A_274 = arith.cmpi slt, %xor3A_271, %lt3A_273 : vector<16xi32>
      %add3A_275 = arith.constant 16 : i32
      %add3A_276 = vector.broadcast %add3A_275 : i32 to vector<16xi32>
      %add3A_277 = arith.addi %xor3A_271, %add3A_276 : vector<16xi32>
      %select_n3A_278 = arith.select %lt3A_274, %add3A_277, %xor3A_271 : vector<16xi1>, vector<16xi32>
      %broadcast_in_dim3A_279 = vector.shape_cast %select_n3A_278 : vector<16xi32> to vector<16x1xi32>
      %gather3A_280 = vector.shape_cast %broadcast_in_dim3A_279 : vector<16x1xi32> to vector<16xi32>
      %gather3A_281 = tpu.dynamic_gather %min3A_268[%gather3A_280] in [0] : vector<16xi32>, vector<16xi32> -> vector<16xi32>
      %min3A_282 = arith.minsi %min3A_268, %gather3A_281 : vector<16xi32>
      %scan3A_283 = arith.constant 0 : i32
      %scan3A_284 = arith.constant 100 : i32
      %scan3A_285 = arith.addi %scan3A_283, %scan3A_284 : i32
      %scan3A_286 = arith.constant 1 : i32
      %scan3A_287:4 = scf.for %scan3A_303 = %scan3A_283 to %scan3A_285 step %scan3A_286 iter_args(%scan3A_304 = %max3A_224, %scan3A_305 = %min3A_282, %scan3A_306 = %broadcast_in_dim3A_4, %scan3A_307 = %broadcast_in_dim3A_4) -> (vector<16xf32>, vector<16xi32>, vector<16xf32>, vector<16xf32>)  : i32 {
        %gt3A = arith.constant 0xFF800000 : f32
        %gt3A_308 = vector.broadcast %gt3A : f32 to vector<16xf32>
        %gt3A_309 = arith.cmpf ogt, %scan3A_304, %gt3A_308 : vector<16xf32>
        %jit3A_310 = arith.constant 0 : i32
        %broadcast_in_dim3A_311 = vector.broadcast %jit3A_310 : i32 to vector<16xi32>
        %select_n3A_312 = arith.select %gt3A_309, %scan3A_305, %broadcast_in_dim3A_311 : vector<16xi1>, vector<16xi32>
        %slice3A = vector.extract_strided_slice %select_n3A_312 {offsets = [0], sizes = [1], strides = [1]} : vector<16xi32> to vector<1xi32>
        %squeeze3A = vector.extract %slice3A[0] : i32 from vector<1xi32>
        %shift_right_arithmetic3A = arith.constant 3 : i32
        %shift_right_arithmetic3A_313 = arith.shrsi %squeeze3A, %shift_right_arithmetic3A : i32
        %shift_right_arithmetic3A_314 = arith.constant 4 : i32
        %shift_right_arithmetic3A_315 = arith.shrsi %squeeze3A, %shift_right_arithmetic3A_314 : i32
        %shift_left3A = arith.constant 4 : i32
        %shift_left3A_316 = arith.shli %shift_right_arithmetic3A_315, %shift_left3A : i32
        %mul3A = arith.constant 0 : i32
        %mul3A_317 = vector.broadcast %mul3A : i32 to vector<16xi32>
        %mul3A_318 = arith.muli %iota3A, %mul3A_317 : vector<16xi32>
        %and3A_319 = arith.constant 15 : i32
        %and3A_320 = arith.andi %squeeze3A, %and3A_319 : i32
        %add3A_321 = vector.broadcast %and3A_320 : i32 to vector<16xi32>
        %add3A_322 = arith.addi %mul3A_318, %add3A_321 : vector<16xi32>
        %get3A = arith.index_cast %shift_left3A_316 : i32 to index
        %get3A_323 = tpu.vector_load %arg13[%get3A] {strides = array<i32>} : memref<800xi32, #tpu.memory_space<vmem>>, vector<16xi32>,
        %get3A_324 = vector.shape_cast %get3A_323 : vector<16xi32> to vector<16xi32>
        %get3A_325 = arith.index_cast %shift_left3A_316 : i32 to index
        %get3A_326 = tpu.vector_load %arg14[%get3A_325] {strides = array<i32>} : memref<800xf32, #tpu.memory_space<vmem>>, vector<16xf32>,
        %get3A_327 = vector.shape_cast %get3A_326 : vector<16xf32> to vector<16xf32>
        %lt3A_328 = arith.constant 0 : i32
        %lt3A_329 = vector.broadcast %lt3A_328 : i32 to vector<16xi32>
        %lt3A_330 = arith.cmpi slt, %add3A_322, %lt3A_329 : vector<16xi32>
        %add3A_331 = arith.constant 16 : i32
        %add3A_332 = vector.broadcast %add3A_331 : i32 to vector<16xi32>
        %add3A_333 = arith.addi %add3A_322, %add3A_332 : vector<16xi32>
        %select_n3A_334 = arith.select %lt3A_330, %add3A_333, %add3A_322 : vector<16xi1>, vector<16xi32>
        %broadcast_in_dim3A_335 = vector.shape_cast %select_n3A_334 : vector<16xi32> to vector<16x1xi32>
        %gather3A_336 = vector.shape_cast %broadcast_in_dim3A_335 : vector<16x1xi32> to vector<16xi32>
        %gather3A_337 = tpu.dynamic_gather %get3A_324[%gather3A_336] in [0] : vector<16xi32>, vector<16xi32> -> vector<16xi32>
        %lt3A_338 = arith.constant 0 : i32
        %lt3A_339 = vector.broadcast %lt3A_338 : i32 to vector<16xi32>
        %lt3A_340 = arith.cmpi slt, %add3A_322, %lt3A_339 : vector<16xi32>
        %add3A_341 = arith.constant 16 : i32
        %add3A_342 = vector.broadcast %add3A_341 : i32 to vector<16xi32>
        %add3A_343 = arith.addi %add3A_322, %add3A_342 : vector<16xi32>
        %select_n3A_344 = arith.select %lt3A_340, %add3A_343, %add3A_322 : vector<16xi1>, vector<16xi32>
        %broadcast_in_dim3A_345 = vector.shape_cast %select_n3A_344 : vector<16xi32> to vector<16x1xi32>
        %gather3A_346 = vector.shape_cast %broadcast_in_dim3A_345 : vector<16x1xi32> to vector<16xi32>
        %gather3A_347 = tpu.dynamic_gather %get3A_327[%gather3A_346] in [0] : vector<16xf32>, vector<16xi32> -> vector<16xf32>
        %shift_right_arithmetic3A_348 = arith.constant 4 : i32
        %shift_right_arithmetic3A_349 = arith.shrsi %shift_right_arithmetic3A_313, %shift_right_arithmetic3A_348 : i32
        %shift_left3A_350 = arith.constant 4 : i32
        %shift_left3A_351 = arith.shli %shift_right_arithmetic3A_349, %shift_left3A_350 : i32
        %get3A_352 = arith.index_cast %shift_left3A_351 : i32 to index
        %get3A_353 = tpu.vector_load %arg15[%get3A_352] {strides = array<i32>} : memref<112xi32, #tpu.memory_space<vmem>>, vector<16xi32>,
        %get3A_354 = vector.shape_cast %get3A_353 : vector<16xi32> to vector<16xi32>
        %mul3A_355 = arith.constant 0 : i32
        %mul3A_356 = vector.broadcast %mul3A_355 : i32 to vector<16xi32>
        %mul3A_357 = arith.muli %iota3A, %mul3A_356 : vector<16xi32>
        %and3A_358 = arith.constant 15 : i32
        %and3A_359 = arith.andi %shift_right_arithmetic3A_313, %and3A_358 : i32
        %add3A_360 = vector.broadcast %and3A_359 : i32 to vector<16xi32>
        %add3A_361 = arith.addi %mul3A_357, %add3A_360 : vector<16xi32>
        %lt3A_362 = arith.constant 0 : i32
        %lt3A_363 = vector.broadcast %lt3A_362 : i32 to vector<16xi32>
        %lt3A_364 = arith.cmpi slt, %add3A_361, %lt3A_363 : vector<16xi32>
        %add3A_365 = arith.constant 16 : i32
        %add3A_366 = vector.broadcast %add3A_365 : i32 to vector<16xi32>
        %add3A_367 = arith.addi %add3A_361, %add3A_366 : vector<16xi32>
        %select_n3A_368 = arith.select %lt3A_364, %add3A_367, %add3A_361 : vector<16xi1>, vector<16xi32>
        %broadcast_in_dim3A_369 = vector.shape_cast %select_n3A_368 : vector<16xi32> to vector<16x1xi32>
        %gather3A_370 = vector.shape_cast %broadcast_in_dim3A_369 : vector<16x1xi32> to vector<16xi32>
        %gather3A_371 = tpu.dynamic_gather %get3A_354[%gather3A_370] in [0] : vector<16xi32>, vector<16xi32> -> vector<16xi32>
        %and3A_372 = arith.constant 15 : i32
        %and3A_373 = arith.andi %scan3A_303, %and3A_372 : i32
        %eq3A_374 = vector.broadcast %and3A_373 : i32 to vector<16xi32>
        %eq3A_375 = arith.cmpi eq, %iota3A, %eq3A_374 : vector<16xi32>
        %and3A_376 = arith.andi %eq3A_375, %gt3A_309 : vector<16xi1>
        %shift_right_arithmetic3A_377 = arith.constant 4 : i32
        %shift_right_arithmetic3A_378 = arith.shrsi %scan3A_303, %shift_right_arithmetic3A_377 : i32
        %shift_left3A_379 = arith.constant 4 : i32
        %shift_left3A_380 = arith.shli %shift_right_arithmetic3A_378, %shift_left3A_379 : i32
        %get3A_381 = arith.index_cast %shift_left3A_380 : i32 to index
        %get3A_382 = tpu.vector_load %arg16[%get3A_381] {strides = array<i32>} : memref<128xi32, #tpu.memory_space<vmem>>, vector<16xi32>,
        %get3A_383 = vector.shape_cast %get3A_382 : vector<16xi32> to vector<16xi32>
        %select_n3A_384 = arith.select %and3A_376, %gather3A_337, %get3A_383 : vector<16xi1>, vector<16xi32>
        %swap3A_385 = arith.index_cast %shift_left3A_380 : i32 to index
        %swap3A_386 = tpu.vector_load %arg16[%swap3A_385] {strides = array<i32>} : memref<128xi32, #tpu.memory_space<vmem>>, vector<16xi32>,
        %swap3A_387 = vector.shape_cast %swap3A_386 : vector<16xi32> to vector<16xi32>
        %swap3A_388 = vector.shape_cast %select_n3A_384 : vector<16xi32> to vector<16xi32>
        tpu.vector_store %arg16[%swap3A_385], %swap3A_388 {strides = array<i32>} : memref<128xi32, #tpu.memory_space<vmem>>, vector<16xi32>,
        %get3A_389 = arith.index_cast %shift_left3A_380 : i32 to index
        %get3A_390 = tpu.vector_load %arg17[%get3A_389] {strides = array<i32>} : memref<128xi32, #tpu.memory_space<vmem>>, vector<16xi32>,
        %get3A_391 = vector.shape_cast %get3A_390 : vector<16xi32> to vector<16xi32>
        %select_n3A_392 = arith.select %and3A_376, %gather3A_371, %get3A_391 : vector<16xi1>, vector<16xi32>
        %swap3A_393 = arith.index_cast %shift_left3A_380 : i32 to index
        %swap3A_394 = tpu.vector_load %arg17[%swap3A_393] {strides = array<i32>} : memref<128xi32, #tpu.memory_space<vmem>>, vector<16xi32>,
        %swap3A_395 = vector.shape_cast %swap3A_394 : vector<16xi32> to vector<16xi32>
        %swap3A_396 = vector.shape_cast %select_n3A_392 : vector<16xi32> to vector<16xi32>
        tpu.vector_store %arg17[%swap3A_393], %swap3A_396 {strides = array<i32>} : memref<128xi32, #tpu.memory_space<vmem>>, vector<16xi32>,
        %get3A_397 = arith.index_cast %shift_left3A_380 : i32 to index
        %get3A_398 = tpu.vector_load %arg18[%get3A_397] {strides = array<i32>} : memref<128xf32, #tpu.memory_space<vmem>>, vector<16xf32>,
        %get3A_399 = vector.shape_cast %get3A_398 : vector<16xf32> to vector<16xf32>
        %select_n3A_400 = arith.select %and3A_376, %gather3A_347, %get3A_399 : vector<16xi1>, vector<16xf32>
        %swap3A_401 = arith.index_cast %shift_left3A_380 : i32 to index
        %swap3A_402 = tpu.vector_load %arg18[%swap3A_401] {strides = array<i32>} : memref<128xf32, #tpu.memory_space<vmem>>, vector<16xf32>,
        %swap3A_403 = vector.shape_cast %swap3A_402 : vector<16xf32> to vector<16xf32>
        %swap3A_404 = vector.shape_cast %select_n3A_400 : vector<16xf32> to vector<16xf32>
        tpu.vector_store %arg18[%swap3A_401], %swap3A_404 {strides = array<i32>} : memref<128xf32, #tpu.memory_space<vmem>>, vector<16xf32>,
        %get3A_405 = arith.index_cast %shift_left3A_380 : i32 to index
        %get3A_406 = tpu.vector_load %arg19[%get3A_405] {strides = array<i32>} : memref<128xf32, #tpu.memory_space<vmem>>, vector<16xf32>,
        %get3A_407 = vector.shape_cast %get3A_406 : vector<16xf32> to vector<16xf32>
        %jit3A_408 = arith.constant 1.000000e+00 : f32
        %broadcast_in_dim3A_409 = vector.broadcast %jit3A_408 : f32 to vector<16xf32>
        %select_n3A_410 = arith.select %and3A_376, %broadcast_in_dim3A_409, %get3A_407 : vector<16xi1>, vector<16xf32>
        %swap3A_411 = arith.index_cast %shift_left3A_380 : i32 to index
        %swap3A_412 = tpu.vector_load %arg19[%swap3A_411] {strides = array<i32>} : memref<128xf32, #tpu.memory_space<vmem>>, vector<16xf32>,
        %swap3A_413 = vector.shape_cast %swap3A_412 : vector<16xf32> to vector<16xf32>
        %swap3A_414 = vector.shape_cast %select_n3A_410 : vector<16xf32> to vector<16xf32>
        tpu.vector_store %arg19[%swap3A_411], %swap3A_414 {strides = array<i32>} : memref<128xf32, #tpu.memory_space<vmem>>, vector<16xf32>,
        %and3A_415 = arith.constant 15 : i32
        %and3A_416 = arith.andi %shift_right_arithmetic3A_313, %and3A_415 : i32
        %eq3A_417 = vector.broadcast %and3A_416 : i32 to vector<16xi32>
        %eq3A_418 = arith.cmpi eq, %iota3A, %eq3A_417 : vector<16xi32>
        %and3A_419 = arith.andi %eq3A_418, %gt3A_309 : vector<16xi1>
        %shift_right_arithmetic3A_420 = arith.constant 4 : i32
        %shift_right_arithmetic3A_421 = arith.shrsi %shift_right_arithmetic3A_313, %shift_right_arithmetic3A_420 : i32
        %shift_left3A_422 = arith.constant 4 : i32
        %shift_left3A_423 = arith.shli %shift_right_arithmetic3A_421, %shift_left3A_422 : i32
        %get3A_424 = arith.index_cast %shift_left3A_423 : i32 to index
        %get3A_425 = tpu.vector_load %arg20[%get3A_424] {strides = array<i32>} : memref<112xf32, #tpu.memory_space<vmem>>, vector<16xf32>,
        %get3A_426 = vector.shape_cast %get3A_425 : vector<16xf32> to vector<16xf32>
        %jit3A_427 = arith.constant 1.000000e+00 : f32
        %broadcast_in_dim3A_428 = vector.broadcast %jit3A_427 : f32 to vector<16xf32>
        %select_n3A_429 = arith.select %and3A_419, %broadcast_in_dim3A_428, %get3A_426 : vector<16xi1>, vector<16xf32>
        %swap3A_430 = arith.index_cast %shift_left3A_423 : i32 to index
        %swap3A_431 = tpu.vector_load %arg20[%swap3A_430] {strides = array<i32>} : memref<112xf32, #tpu.memory_space<vmem>>, vector<16xf32>,
        %swap3A_432 = vector.shape_cast %swap3A_431 : vector<16xf32> to vector<16xf32>
        %swap3A_433 = vector.shape_cast %select_n3A_429 : vector<16xf32> to vector<16xf32>
        tpu.vector_store %arg20[%swap3A_430], %swap3A_433 {strides = array<i32>} : memref<112xf32, #tpu.memory_space<vmem>>, vector<16xf32>,
        %sub3A = arith.constant 1.000000e+00 : f32
        %sub3A_434 = vector.broadcast %sub3A : f32 to vector<16xf32>
        %sub3A_435 = arith.subf %sub3A_434, %gather3A_347 : vector<16xf32>
        %jit3A_436 = arith.constant 0.000000e+00 : f32
        %broadcast_in_dim3A_437 = vector.broadcast %jit3A_436 : f32 to vector<16xf32>
        %select_n3A_438 = arith.select %gt3A_309, %sub3A_435, %broadcast_in_dim3A_437 : vector<16xi1>, vector<16xf32>
        %add3A_439 = arith.addf %scan3A_306, %select_n3A_438 : vector<16xf32>
        %jit3A_440 = arith.constant 1.000000e+00 : f32
        %jit3A_441 = arith.constant 0.000000e+00 : f32
        %broadcast_in_dim3A_442 = vector.broadcast %jit3A_440 : f32 to vector<16xf32>
        %broadcast_in_dim3A_443 = vector.broadcast %jit3A_441 : f32 to vector<16xf32>
        %select_n3A_444 = arith.select %gt3A_309, %broadcast_in_dim3A_442, %broadcast_in_dim3A_443 : vector<16xi1>, vector<16xf32>
        %add3A_445 = arith.addf %scan3A_307, %select_n3A_444 : vector<16xf32>
        %broadcast_in_dim3A_446 = arith.constant 0xFF800000 : f32
        %broadcast_in_dim3A_447 = vector.broadcast %broadcast_in_dim3A_446 : f32 to vector<16xf32>
        %broadcast_in_dim3A_448 = arith.constant 0 : i32
        %broadcast_in_dim3A_449 = vector.broadcast %broadcast_in_dim3A_448 : i32 to vector<16xi32>
        %scan3A_450 = arith.constant 0 : i32
        %scan3A_451 = arith.constant 50 : i32
        %scan3A_452 = arith.addi %scan3A_450, %scan3A_451 : i32
        %scan3A_453 = arith.constant 1 : i32
        %scan3A_454:2 = scf.for %scan3A_572 = %scan3A_450 to %scan3A_452 step %scan3A_453 iter_args(%scan3A_573 = %broadcast_in_dim3A_447, %scan3A_574 = %broadcast_in_dim3A_449) -> (vector<16xf32>, vector<16xi32>)  : i32 {
          %mul3A_575 = arith.constant 16 : i32
          %mul3A_576 = arith.muli %scan3A_572, %mul3A_575 : i32
          %get3A_577 = arith.index_cast %mul3A_576 : i32 to index
          %get3A_578 = tpu.vector_load %arg12[%get3A_577] {strides = array<i32>} : memref<800xf32, #tpu.memory_space<vmem>>, vector<16xf32>,
          %get3A_579 = vector.shape_cast %get3A_578 : vector<16xf32> to vector<16xf32>
          %get3A_580 = arith.index_cast %mul3A_576 : i32 to index
          %get3A_581 = tpu.vector_load %arg13[%get3A_580] {strides = array<i32>} : memref<800xi32, #tpu.memory_space<vmem>>, vector<16xi32>,
          %get3A_582 = vector.shape_cast %get3A_581 : vector<16xi32> to vector<16xi32>
          %mul3A_583 = arith.constant 16 : i32
          %mul3A_584 = arith.muli %scan3A_572, %mul3A_583 : i32
          %add3A_585 = vector.broadcast %mul3A_584 : i32 to vector<16xi32>
          %add3A_586 = arith.addi %add3A_585, %iota3A : vector<16xi32>
          %shift_right_arithmetic3A_587 = arith.constant 3 : i32
          %shift_right_arithmetic3A_588 = vector.broadcast %shift_right_arithmetic3A_587 : i32 to vector<16xi32>
          %shift_right_arithmetic3A_589 = arith.shrsi %add3A_586, %shift_right_arithmetic3A_588 : vector<16xi32>
          %eq3A_590 = vector.broadcast %shift_right_arithmetic3A_313 : i32 to vector<16xi32>
          %eq3A_591 = arith.cmpi eq, %shift_right_arithmetic3A_589, %eq3A_590 : vector<16xi32>
          %eq3A_592 = arith.cmpi eq, %get3A_582, %gather3A_337 : vector<16xi32>
          %or3A = arith.ori %eq3A_591, %eq3A_592 : vector<16xi1>
          %and3A_593 = arith.andi %gt3A_309, %or3A : vector<16xi1>
          %jit3A_594 = arith.constant 0xFF800000 : f32
          %broadcast_in_dim3A_595 = vector.broadcast %jit3A_594 : f32 to vector<16xf32>
          %select_n3A_596 = arith.select %and3A_593, %broadcast_in_dim3A_595, %get3A_579 : vector<16xi1>, vector<16xf32>
          %swap3A_597 = arith.index_cast %mul3A_576 : i32 to index
          %swap3A_598 = tpu.vector_load %arg12[%swap3A_597] {strides = array<i32>} : memref<800xf32, #tpu.memory_space<vmem>>, vector<16xf32>,
          %swap3A_599 = vector.shape_cast %swap3A_598 : vector<16xf32> to vector<16xf32>
          %swap3A_600 = vector.shape_cast %select_n3A_596 : vector<16xf32> to vector<16xf32>
          tpu.vector_store %arg12[%swap3A_597], %swap3A_600 {strides = array<i32>} : memref<800xf32, #tpu.memory_space<vmem>>, vector<16xf32>,
          %gt3A_601 = arith.cmpf ogt, %select_n3A_596, %scan3A_573 : vector<16xf32>
          %select_n3A_602 = arith.select %gt3A_601, %select_n3A_596, %scan3A_573 : vector<16xi1>, vector<16xf32>
          %select_n3A_603 = arith.select %gt3A_601, %add3A_586, %scan3A_574 : vector<16xi1>, vector<16xi32>
          scf.yield %select_n3A_602, %select_n3A_603 : vector<16xf32>, vector<16xi32>
        }
        %scan3A_455 = arith.constant 50 : i32
        %xor3A_456 = arith.constant 8 : i32
        %xor3A_457 = vector.broadcast %xor3A_456 : i32 to vector<16xi32>
        %xor3A_458 = arith.xori %iota3A, %xor3A_457 : vector<16xi32>
        %lt3A_459 = arith.constant 0 : i32
        %lt3A_460 = vector.broadcast %lt3A_459 : i32 to vector<16xi32>
        %lt3A_461 = arith.cmpi slt, %xor3A_458, %lt3A_460 : vector<16xi32>
        %add3A_462 = arith.constant 16 : i32
        %add3A_463 = vector.broadcast %add3A_462 : i32 to vector<16xi32>
        %add3A_464 = arith.addi %xor3A_458, %add3A_463 : vector<16xi32>
        %select_n3A_465 = arith.select %lt3A_461, %add3A_464, %xor3A_458 : vector<16xi1>, vector<16xi32>
        %broadcast_in_dim3A_466 = vector.shape_cast %select_n3A_465 : vector<16xi32> to vector<16x1xi32>
        %gather3A_467 = vector.shape_cast %broadcast_in_dim3A_466 : vector<16x1xi32> to vector<16xi32>
        %gather3A_468 = tpu.dynamic_gather %scan3A_454#0[%gather3A_467] in [0] : vector<16xf32>, vector<16xi32> -> vector<16xf32>
        %max3A_469 = arith.maximumf %scan3A_454#0, %gather3A_468 : vector<16xf32>
        %xor3A_470 = arith.constant 4 : i32
        %xor3A_471 = vector.broadcast %xor3A_470 : i32 to vector<16xi32>
        %xor3A_472 = arith.xori %iota3A, %xor3A_471 : vector<16xi32>
        %lt3A_473 = arith.constant 0 : i32
        %lt3A_474 = vector.broadcast %lt3A_473 : i32 to vector<16xi32>
        %lt3A_475 = arith.cmpi slt, %xor3A_472, %lt3A_474 : vector<16xi32>
        %add3A_476 = arith.constant 16 : i32
        %add3A_477 = vector.broadcast %add3A_476 : i32 to vector<16xi32>
        %add3A_478 = arith.addi %xor3A_472, %add3A_477 : vector<16xi32>
        %select_n3A_479 = arith.select %lt3A_475, %add3A_478, %xor3A_472 : vector<16xi1>, vector<16xi32>
        %broadcast_in_dim3A_480 = vector.shape_cast %select_n3A_479 : vector<16xi32> to vector<16x1xi32>
        %gather3A_481 = vector.shape_cast %broadcast_in_dim3A_480 : vector<16x1xi32> to vector<16xi32>
        %gather3A_482 = tpu.dynamic_gather %max3A_469[%gather3A_481] in [0] : vector<16xf32>, vector<16xi32> -> vector<16xf32>
        %max3A_483 = arith.maximumf %max3A_469, %gather3A_482 : vector<16xf32>
        %xor3A_484 = arith.constant 2 : i32
        %xor3A_485 = vector.broadcast %xor3A_484 : i32 to vector<16xi32>
        %xor3A_486 = arith.xori %iota3A, %xor3A_485 : vector<16xi32>
        %lt3A_487 = arith.constant 0 : i32
        %lt3A_488 = vector.broadcast %lt3A_487 : i32 to vector<16xi32>
        %lt3A_489 = arith.cmpi slt, %xor3A_486, %lt3A_488 : vector<16xi32>
        %add3A_490 = arith.constant 16 : i32
        %add3A_491 = vector.broadcast %add3A_490 : i32 to vector<16xi32>
        %add3A_492 = arith.addi %xor3A_486, %add3A_491 : vector<16xi32>
        %select_n3A_493 = arith.select %lt3A_489, %add3A_492, %xor3A_486 : vector<16xi1>, vector<16xi32>
        %broadcast_in_dim3A_494 = vector.shape_cast %select_n3A_493 : vector<16xi32> to vector<16x1xi32>
        %gather3A_495 = vector.shape_cast %broadcast_in_dim3A_494 : vector<16x1xi32> to vector<16xi32>
        %gather3A_496 = tpu.dynamic_gather %max3A_483[%gather3A_495] in [0] : vector<16xf32>, vector<16xi32> -> vector<16xf32>
        %max3A_497 = arith.maximumf %max3A_483, %gather3A_496 : vector<16xf32>
        %xor3A_498 = arith.constant 1 : i32
        %xor3A_499 = vector.broadcast %xor3A_498 : i32 to vector<16xi32>
        %xor3A_500 = arith.xori %iota3A, %xor3A_499 : vector<16xi32>
        %lt3A_501 = arith.constant 0 : i32
        %lt3A_502 = vector.broadcast %lt3A_501 : i32 to vector<16xi32>
        %lt3A_503 = arith.cmpi slt, %xor3A_500, %lt3A_502 : vector<16xi32>
        %add3A_504 = arith.constant 16 : i32
        %add3A_505 = vector.broadcast %add3A_504 : i32 to vector<16xi32>
        %add3A_506 = arith.addi %xor3A_500, %add3A_505 : vector<16xi32>
        %select_n3A_507 = arith.select %lt3A_503, %add3A_506, %xor3A_500 : vector<16xi1>, vector<16xi32>
        %broadcast_in_dim3A_508 = vector.shape_cast %select_n3A_507 : vector<16xi32> to vector<16x1xi32>
        %gather3A_509 = vector.shape_cast %broadcast_in_dim3A_508 : vector<16x1xi32> to vector<16xi32>
        %gather3A_510 = tpu.dynamic_gather %max3A_497[%gather3A_509] in [0] : vector<16xf32>, vector<16xi32> -> vector<16xf32>
        %max3A_511 = arith.maximumf %max3A_497, %gather3A_510 : vector<16xf32>
        %eq3A_512 = arith.cmpf oeq, %scan3A_454#0, %max3A_511 : vector<16xf32>
        %jit3A_513 = arith.constant 1073741824 : i32
        %broadcast_in_dim3A_514 = vector.broadcast %jit3A_513 : i32 to vector<16xi32>
        %select_n3A_515 = arith.select %eq3A_512, %scan3A_454#1, %broadcast_in_dim3A_514 : vector<16xi1>, vector<16xi32>
        %xor3A_516 = arith.constant 8 : i32
        %xor3A_517 = vector.broadcast %xor3A_516 : i32 to vector<16xi32>
        %xor3A_518 = arith.xori %iota3A, %xor3A_517 : vector<16xi32>
        %lt3A_519 = arith.constant 0 : i32
        %lt3A_520 = vector.broadcast %lt3A_519 : i32 to vector<16xi32>
        %lt3A_521 = arith.cmpi slt, %xor3A_518, %lt3A_520 : vector<16xi32>
        %add3A_522 = arith.constant 16 : i32
        %add3A_523 = vector.broadcast %add3A_522 : i32 to vector<16xi32>
        %add3A_524 = arith.addi %xor3A_518, %add3A_523 : vector<16xi32>
        %select_n3A_525 = arith.select %lt3A_521, %add3A_524, %xor3A_518 : vector<16xi1>, vector<16xi32>
        %broadcast_in_dim3A_526 = vector.shape_cast %select_n3A_525 : vector<16xi32> to vector<16x1xi32>
        %gather3A_527 = vector.shape_cast %broadcast_in_dim3A_526 : vector<16x1xi32> to vector<16xi32>
        %gather3A_528 = tpu.dynamic_gather %select_n3A_515[%gather3A_527] in [0] : vector<16xi32>, vector<16xi32> -> vector<16xi32>
        %min3A_529 = arith.minsi %select_n3A_515, %gather3A_528 : vector<16xi32>
        %xor3A_530 = arith.constant 4 : i32
        %xor3A_531 = vector.broadcast %xor3A_530 : i32 to vector<16xi32>
        %xor3A_532 = arith.xori %iota3A, %xor3A_531 : vector<16xi32>
        %lt3A_533 = arith.constant 0 : i32
        %lt3A_534 = vector.broadcast %lt3A_533 : i32 to vector<16xi32>
        %lt3A_535 = arith.cmpi slt, %xor3A_532, %lt3A_534 : vector<16xi32>
        %add3A_536 = arith.constant 16 : i32
        %add3A_537 = vector.broadcast %add3A_536 : i32 to vector<16xi32>
        %add3A_538 = arith.addi %xor3A_532, %add3A_537 : vector<16xi32>
        %select_n3A_539 = arith.select %lt3A_535, %add3A_538, %xor3A_532 : vector<16xi1>, vector<16xi32>
        %broadcast_in_dim3A_540 = vector.shape_cast %select_n3A_539 : vector<16xi32> to vector<16x1xi32>
        %gather3A_541 = vector.shape_cast %broadcast_in_dim3A_540 : vector<16x1xi32> to vector<16xi32>
        %gather3A_542 = tpu.dynamic_gather %min3A_529[%gather3A_541] in [0] : vector<16xi32>, vector<16xi32> -> vector<16xi32>
        %min3A_543 = arith.minsi %min3A_529, %gather3A_542 : vector<16xi32>
        %xor3A_544 = arith.constant 2 : i32
        %xor3A_545 = vector.broadcast %xor3A_544 : i32 to vector<16xi32>
        %xor3A_546 = arith.xori %iota3A, %xor3A_545 : vector<16xi32>
        %lt3A_547 = arith.constant 0 : i32
        %lt3A_548 = vector.broadcast %lt3A_547 : i32 to vector<16xi32>
        %lt3A_549 = arith.cmpi slt, %xor3A_546, %lt3A_548 : vector<16xi32>
        %add3A_550 = arith.constant 16 : i32
        %add3A_551 = vector.broadcast %add3A_550 : i32 to vector<16xi32>
        %add3A_552 = arith.addi %xor3A_546, %add3A_551 : vector<16xi32>
        %select_n3A_553 = arith.select %lt3A_549, %add3A_552, %xor3A_546 : vector<16xi1>, vector<16xi32>
        %broadcast_in_dim3A_554 = vector.shape_cast %select_n3A_553 : vector<16xi32> to vector<16x1xi32>
        %gather3A_555 = vector.shape_cast %broadcast_in_dim3A_554 : vector<16x1xi32> to vector<16xi32>
        %gather3A_556 = tpu.dynamic_gather %min3A_543[%gather3A_555] in [0] : vector<16xi32>, vector<16xi32> -> vector<16xi32>
        %min3A_557 = arith.minsi %min3A_543, %gather3A_556 : vector<16xi32>
        %xor3A_558 = arith.constant 1 : i32
        %xor3A_559 = vector.broadcast %xor3A_558 : i32 to vector<16xi32>
        %xor3A_560 = arith.xori %iota3A, %xor3A_559 : vector<16xi32>
        %lt3A_561 = arith.constant 0 : i32
        %lt3A_562 = vector.broadcast %lt3A_561 : i32 to vector<16xi32>
        %lt3A_563 = arith.cmpi slt, %xor3A_560, %lt3A_562 : vector<16xi32>
        %add3A_564 = arith.constant 16 : i32
        %add3A_565 = vector.broadcast %add3A_564 : i32 to vector<16xi32>
        %add3A_566 = arith.addi %xor3A_560, %add3A_565 : vector<16xi32>
        %select_n3A_567 = arith.select %lt3A_563, %add3A_566, %xor3A_560 : vector<16xi1>, vector<16xi32>
        %broadcast_in_dim3A_568 = vector.shape_cast %select_n3A_567 : vector<16xi32> to vector<16x1xi32>
        %gather3A_569 = vector.shape_cast %broadcast_in_dim3A_568 : vector<16x1xi32> to vector<16xi32>
        %gather3A_570 = tpu.dynamic_gather %min3A_557[%gather3A_569] in [0] : vector<16xi32>, vector<16xi32> -> vector<16xi32>
        %min3A_571 = arith.minsi %min3A_557, %gather3A_570 : vector<16xi32>
        scf.yield %max3A_511, %min3A_571, %add3A_439, %add3A_445 : vector<16xf32>, vector<16xi32>, vector<16xf32>, vector<16xf32>
      }
      %scan3A_288 = arith.constant 100 : i32
      %eq3A_289 = arith.constant 0 : i32
      %eq3A_290 = vector.broadcast %eq3A_289 : i32 to vector<16xi32>
      %eq3A_291 = arith.cmpi eq, %iota3A, %eq3A_290 : vector<16xi32>
      %eq3A_292 = arith.constant 1 : i32
      %eq3A_293 = vector.broadcast %eq3A_292 : i32 to vector<16xi32>
      %eq3A_294 = arith.cmpi eq, %iota3A, %eq3A_293 : vector<16xi32>
      %jit3A_295 = arith.constant 0.000000e+00 : f32
      %broadcast_in_dim3A_296 = vector.broadcast %jit3A_295 : f32 to vector<16xf32>
      %select_n3A_297 = arith.select %eq3A_294, %scan3A_287#3, %broadcast_in_dim3A_296 : vector<16xi1>, vector<16xf32>
      %select_n3A_298 = arith.select %eq3A_291, %scan3A_287#2, %select_n3A_297 : vector<16xi1>, vector<16xf32>
      %swap3A_299 = arith.constant 0 : index
      %swap3A_300 = tpu.vector_load %arg21[%swap3A_299] {strides = array<i32>} : memref<16xf32, #tpu.memory_space<vmem>>, vector<16xf32>,
      %swap3A_301 = vector.shape_cast %swap3A_300 : vector<16xf32> to vector<16xf32>
      %swap3A_302 = vector.shape_cast %select_n3A_298 : vector<16xf32> to vector<16xf32>
      tpu.vector_store %arg21[%swap3A_299], %swap3A_302 {strides = array<i32>} : memref<16xf32, #tpu.memory_space<vmem>>, vector<16xf32>,
      "tpu.region"() ({
        %run_scoped3A = tpu.sem_alloc : memref<!tpu.dma_semaphore, #tpu.memory_space<semaphore_mem>>
        tpu.enqueue_dma source(%arg16 : memref<128xi32, #tpu.memory_space<vmem>>) target(%arg6 : memref<128xi32, #tpu.memory_space<hbm>>) target_semaphore(%run_scoped3A : memref<!tpu.dma_semaphore, #tpu.memory_space<semaphore_mem>>)
        tpu.wait_dma2 semaphore(%run_scoped3A : memref<!tpu.dma_semaphore, #tpu.memory_space<semaphore_mem>>) src(%arg16 : memref<128xi32, #tpu.memory_space<vmem>>) dst(%arg6 : memref<128xi32, #tpu.memory_space<hbm>>)
        tpu.yield
      }) : () -> ()
      "tpu.region"() ({
        %run_scoped3A = tpu.sem_alloc : memref<!tpu.dma_semaphore, #tpu.memory_space<semaphore_mem>>
        tpu.enqueue_dma source(%arg17 : memref<128xi32, #tpu.memory_space<vmem>>) target(%arg7 : memref<128xi32, #tpu.memory_space<hbm>>) target_semaphore(%run_scoped3A : memref<!tpu.dma_semaphore, #tpu.memory_space<semaphore_mem>>)
        tpu.wait_dma2 semaphore(%run_scoped3A : memref<!tpu.dma_semaphore, #tpu.memory_space<semaphore_mem>>) src(%arg17 : memref<128xi32, #tpu.memory_space<vmem>>) dst(%arg7 : memref<128xi32, #tpu.memory_space<hbm>>)
        tpu.yield
      }) : () -> ()
      "tpu.region"() ({
        %run_scoped3A = tpu.sem_alloc : memref<!tpu.dma_semaphore, #tpu.memory_space<semaphore_mem>>
        tpu.enqueue_dma source(%arg18 : memref<128xf32, #tpu.memory_space<vmem>>) target(%arg8 : memref<128xf32, #tpu.memory_space<hbm>>) target_semaphore(%run_scoped3A : memref<!tpu.dma_semaphore, #tpu.memory_space<semaphore_mem>>)
        tpu.wait_dma2 semaphore(%run_scoped3A : memref<!tpu.dma_semaphore, #tpu.memory_space<semaphore_mem>>) src(%arg18 : memref<128xf32, #tpu.memory_space<vmem>>) dst(%arg8 : memref<128xf32, #tpu.memory_space<hbm>>)
        tpu.yield
      }) : () -> ()
      "tpu.region"() ({
        %run_scoped3A = tpu.sem_alloc : memref<!tpu.dma_semaphore, #tpu.memory_space<semaphore_mem>>
        tpu.enqueue_dma source(%arg19 : memref<128xf32, #tpu.memory_space<vmem>>) target(%arg9 : memref<128xf32, #tpu.memory_space<hbm>>) target_semaphore(%run_scoped3A : memref<!tpu.dma_semaphore, #tpu.memory_space<semaphore_mem>>)
        tpu.wait_dma2 semaphore(%run_scoped3A : memref<!tpu.dma_semaphore, #tpu.memory_space<semaphore_mem>>) src(%arg19 : memref<128xf32, #tpu.memory_space<vmem>>) dst(%arg9 : memref<128xf32, #tpu.memory_space<hbm>>)
        tpu.yield
      }) : () -> ()
      "tpu.region"() ({
        %run_scoped3A = tpu.sem_alloc : memref<!tpu.dma_semaphore, #tpu.memory_space<semaphore_mem>>
        tpu.enqueue_dma source(%arg20 : memref<112xf32, #tpu.memory_space<vmem>>) target(%arg10 : memref<112xf32, #tpu.memory_space<hbm>>) target_semaphore(%run_scoped3A : memref<!tpu.dma_semaphore, #tpu.memory_space<semaphore_mem>>)
        tpu.wait_dma2 semaphore(%run_scoped3A : memref<!tpu.dma_semaphore, #tpu.memory_space<semaphore_mem>>) src(%arg20 : memref<112xf32, #tpu.memory_space<vmem>>) dst(%arg10 : memref<112xf32, #tpu.memory_space<hbm>>)
        tpu.yield
      }) : () -> ()
      "tpu.region"() ({
        %run_scoped3A = tpu.sem_alloc : memref<!tpu.dma_semaphore, #tpu.memory_space<semaphore_mem>>
        tpu.enqueue_dma source(%arg21 : memref<16xf32, #tpu.memory_space<vmem>>) target(%arg11 : memref<16xf32, #tpu.memory_space<hbm>>) target_semaphore(%run_scoped3A : memref<!tpu.dma_semaphore, #tpu.memory_space<semaphore_mem>>)
        tpu.wait_dma2 semaphore(%run_scoped3A : memref<!tpu.dma_semaphore, #tpu.memory_space<semaphore_mem>>) src(%arg21 : memref<16xf32, #tpu.memory_space<vmem>>) dst(%arg11 : memref<16xf32, #tpu.memory_space<hbm>>)
        tpu.yield
      }) : () -> ()
    } else {
    }
    return
  }
}

module attributes {stable_mosaic.version = 14 : i64} {
  func.func @_anyc_body(%arg0: i32, %arg1: memref<2000x2xf32, #tpu.memory_space<vmem>>, %arg2: memref<4x100xf32, #tpu.memory_space<vmem>>, %arg3: memref<1x100xf32, #tpu.memory_space<vmem>>, %arg4: memref<1x100xf32, #tpu.memory_space<vmem>>) attributes {dimension_semantics = [#tpu.dimension_semantics<arbitrary>], iteration_bounds = array<i64: 10>, scalar_prefetch = 0 : i64, scratch_operands = 1 : i64, tpu.core_type = #tpu.core_type<tc>, window_params = [{transform_indices = @transform_0, window_bounds = array<i64: 2000, 2>}, {pipeline_mode = #tpu.pipeline_mode<synchronous>, transform_indices = @transform_1, window_bounds = array<i64: 4, 100>}, {pipeline_mode = #tpu.pipeline_mode<synchronous>, transform_indices = @transform_2, window_bounds = array<i64: 1, 100>}]} {
    %get3A = arith.constant 0 : index
    %get3A_0 = arith.constant 0 : index
    %get3A_1 = vector.load %arg1[%get3A, %get3A_0] : memref<2000x2xf32, #tpu.memory_space<vmem>>, vector<2000x1xf32>
    %get3A_2 = arith.constant 0 : index
    %get3A_3 = arith.constant 1 : index
    %get3A_4 = vector.load %arg1[%get3A_2, %get3A_3] : memref<2000x2xf32, #tpu.memory_space<vmem>>, vector<2000x1xf32>
    %get3A_5 = arith.constant 0 : index
    %get3A_6 = arith.constant 0 : index
    %get3A_7 = vector.load %arg2[%get3A_5, %get3A_6] : memref<4x100xf32, #tpu.memory_space<vmem>>, vector<1x100xf32>
    %get3A_8 = arith.constant 1 : index
    %get3A_9 = arith.constant 0 : index
    %get3A_10 = vector.load %arg2[%get3A_8, %get3A_9] : memref<4x100xf32, #tpu.memory_space<vmem>>, vector<1x100xf32>
    %get3A_11 = arith.constant 2 : index
    %get3A_12 = arith.constant 0 : index
    %get3A_13 = vector.load %arg2[%get3A_11, %get3A_12] : memref<4x100xf32, #tpu.memory_space<vmem>>, vector<1x100xf32>
    %get3A_14 = arith.constant 3 : index
    %get3A_15 = arith.constant 0 : index
    %get3A_16 = vector.load %arg2[%get3A_14, %get3A_15] : memref<4x100xf32, #tpu.memory_space<vmem>>, vector<1x100xf32>
    %ge3A = vector.broadcast %get3A_1 : vector<2000x1xf32> to vector<2000x100xf32>
    %ge3A_17 = vector.broadcast %get3A_7 : vector<1x100xf32> to vector<2000x100xf32>
    %ge3A_18 = arith.cmpf oge, %ge3A, %ge3A_17 : vector<2000x100xf32>
    %le3A = vector.broadcast %get3A_1 : vector<2000x1xf32> to vector<2000x100xf32>
    %le3A_19 = vector.broadcast %get3A_13 : vector<1x100xf32> to vector<2000x100xf32>
    %le3A_20 = arith.cmpf ole, %le3A, %le3A_19 : vector<2000x100xf32>
    %and3A = arith.andi %ge3A_18, %le3A_20 : vector<2000x100xi1>
    %ge3A_21 = vector.broadcast %get3A_4 : vector<2000x1xf32> to vector<2000x100xf32>
    %ge3A_22 = vector.broadcast %get3A_10 : vector<1x100xf32> to vector<2000x100xf32>
    %ge3A_23 = arith.cmpf oge, %ge3A_21, %ge3A_22 : vector<2000x100xf32>
    %and3A_24 = arith.andi %and3A, %ge3A_23 : vector<2000x100xi1>
    %le3A_25 = vector.broadcast %get3A_4 : vector<2000x1xf32> to vector<2000x100xf32>
    %le3A_26 = vector.broadcast %get3A_16 : vector<1x100xf32> to vector<2000x100xf32>
    %le3A_27 = arith.cmpf ole, %le3A_25, %le3A_26 : vector<2000x100xf32>
    %and3A_28 = arith.andi %and3A_24, %le3A_27 : vector<2000x100xi1>
    %add3A = arith.addf %get3A_7, %get3A_13 : vector<1x100xf32>
    %mul3A = arith.constant 5.000000e-01 : f32
    %mul3A_29 = vector.broadcast %mul3A : f32 to vector<1x100xf32>
    %mul3A_30 = arith.mulf %add3A, %mul3A_29 : vector<1x100xf32>
    %add3A_31 = arith.addf %get3A_10, %get3A_16 : vector<1x100xf32>
    %mul3A_32 = arith.constant 5.000000e-01 : f32
    %mul3A_33 = vector.broadcast %mul3A_32 : f32 to vector<1x100xf32>
    %mul3A_34 = arith.mulf %add3A_31, %mul3A_33 : vector<1x100xf32>
    %sub3A = arith.subf %get3A_13, %get3A_7 : vector<1x100xf32>
    %mul3A_35 = arith.constant 5.000000e-01 : f32
    %mul3A_36 = vector.broadcast %mul3A_35 : f32 to vector<1x100xf32>
    %mul3A_37 = arith.mulf %sub3A, %mul3A_36 : vector<1x100xf32>
    %max3A = arith.constant 1.000000e+00 : f32
    %max3A_38 = vector.broadcast %max3A : f32 to vector<1x100xf32>
    %max3A_39 = arith.maximumf %mul3A_37, %max3A_38 : vector<1x100xf32>
    %sub3A_40 = arith.subf %get3A_16, %get3A_10 : vector<1x100xf32>
    %mul3A_41 = arith.constant 5.000000e-01 : f32
    %mul3A_42 = vector.broadcast %mul3A_41 : f32 to vector<1x100xf32>
    %mul3A_43 = arith.mulf %sub3A_40, %mul3A_42 : vector<1x100xf32>
    %max3A_44 = arith.constant 1.000000e+00 : f32
    %max3A_45 = vector.broadcast %max3A_44 : f32 to vector<1x100xf32>
    %max3A_46 = arith.maximumf %mul3A_43, %max3A_45 : vector<1x100xf32>
    %sub3A_47 = vector.broadcast %get3A_1 : vector<2000x1xf32> to vector<2000x100xf32>
    %sub3A_48 = vector.broadcast %mul3A_30 : vector<1x100xf32> to vector<2000x100xf32>
    %sub3A_49 = arith.subf %sub3A_47, %sub3A_48 : vector<2000x100xf32>
    %abs3A = math.absf %sub3A_49 : vector<2000x100xf32>
    %div3A = vector.broadcast %max3A_39 : vector<1x100xf32> to vector<2000x100xf32>
    %div3A_50 = arith.divf %abs3A, %div3A : vector<2000x100xf32>
    %sub3A_51 = vector.broadcast %get3A_4 : vector<2000x1xf32> to vector<2000x100xf32>
    %sub3A_52 = vector.broadcast %mul3A_34 : vector<1x100xf32> to vector<2000x100xf32>
    %sub3A_53 = arith.subf %sub3A_51, %sub3A_52 : vector<2000x100xf32>
    %abs3A_54 = math.absf %sub3A_53 : vector<2000x100xf32>
    %div3A_55 = vector.broadcast %max3A_46 : vector<1x100xf32> to vector<2000x100xf32>
    %div3A_56 = arith.divf %abs3A_54, %div3A_55 : vector<2000x100xf32>
    %max3A_57 = arith.maximumf %div3A_50, %div3A_56 : vector<2000x100xf32>
    %le3A_58 = arith.constant 7.500000e-01 : f32
    %le3A_59 = vector.broadcast %le3A_58 : f32 to vector<2000x100xf32>
    %le3A_60 = arith.cmpf ole, %max3A_57, %le3A_59 : vector<2000x100xf32>
    %and3A_61 = arith.andi %and3A_28, %le3A_60 : vector<2000x100xi1>
    %jit3A = arith.constant 1.000000e+00 : f32
    %jit3A_62 = arith.constant 0.000000e+00 : f32
    %broadcast_in_dim3A = vector.broadcast %jit3A : f32 to vector<2000x100xf32>
    %broadcast_in_dim3A_63 = vector.broadcast %jit3A_62 : f32 to vector<2000x100xf32>
    %select_n3A = arith.select %and3A_61, %broadcast_in_dim3A, %broadcast_in_dim3A_63 : vector<2000x100xi1>, vector<2000x100xf32>
    %reduce_max3A = arith.constant dense<0xFF800000> : vector<100xf32>
    %reduce_max3A_64 = vector.multi_reduction <maximumf>, %select_n3A, %reduce_max3A [0] : vector<2000x100xf32> to vector<100xf32>
    %broadcast_in_dim3A_65 = vector.shape_cast %reduce_max3A_64 : vector<100xf32> to vector<1x100xf32>
    %eq3A = arith.constant 0 : i32
    %eq3A_66 = arith.cmpi eq, %arg0, %eq3A : i32
    %convert_element_type3A = arith.extui %eq3A_66 : i1 to i32
    %cond3A = arith.constant 0 : i32
    %cond3A_67 = arith.cmpi ne, %convert_element_type3A, %cond3A : i32
    scf.if %cond3A_67 {
      %broadcast_in_dim3A_79 = arith.constant 0.000000e+00 : f32
      %broadcast_in_dim3A_80 = vector.broadcast %broadcast_in_dim3A_79 : f32 to vector<1x100xf32>
      %swap3A_81 = arith.constant 0 : index
      %swap3A_82 = arith.constant 0 : index
      %swap3A_83 = vector.load %arg4[%swap3A_81, %swap3A_82] : memref<1x100xf32, #tpu.memory_space<vmem>>, vector<1x100xf32>
      tpu.vector_store %arg4[%swap3A_81, %swap3A_82], %broadcast_in_dim3A_80 {strides = array<i32>} : memref<1x100xf32, #tpu.memory_space<vmem>>, vector<1x100xf32>,
    } else {
    }
    %get3A_68 = arith.constant 0 : index
    %get3A_69 = arith.constant 0 : index
    %get3A_70 = vector.load %arg4[%get3A_68, %get3A_69] : memref<1x100xf32, #tpu.memory_space<vmem>>, vector<1x100xf32>
    %max3A_71 = arith.maximumf %get3A_70, %broadcast_in_dim3A_65 : vector<1x100xf32>
    %swap3A = arith.constant 0 : index
    %swap3A_72 = arith.constant 0 : index
    %swap3A_73 = vector.load %arg4[%swap3A, %swap3A_72] : memref<1x100xf32, #tpu.memory_space<vmem>>, vector<1x100xf32>
    tpu.vector_store %arg4[%swap3A, %swap3A_72], %max3A_71 {strides = array<i32>} : memref<1x100xf32, #tpu.memory_space<vmem>>, vector<1x100xf32>,
    %eq3A_74 = arith.constant 9 : i32
    %eq3A_75 = arith.cmpi eq, %arg0, %eq3A_74 : i32
    %convert_element_type3A_76 = arith.extui %eq3A_75 : i1 to i32
    %cond3A_77 = arith.constant 0 : i32
    %cond3A_78 = arith.cmpi ne, %convert_element_type3A_76, %cond3A_77 : i32
    scf.if %cond3A_78 {
      %get3A_79 = arith.constant 0 : index
      %get3A_80 = arith.constant 0 : index
      %get3A_81 = vector.load %arg4[%get3A_79, %get3A_80] : memref<1x100xf32, #tpu.memory_space<vmem>>, vector<1x100xf32>
      %swap3A_82 = arith.constant 0 : index
      %swap3A_83 = arith.constant 0 : index
      %swap3A_84 = vector.load %arg3[%swap3A_82, %swap3A_83] : memref<1x100xf32, #tpu.memory_space<vmem>>, vector<1x100xf32>
      tpu.vector_store %arg3[%swap3A_82, %swap3A_83], %get3A_81 {strides = array<i32>} : memref<1x100xf32, #tpu.memory_space<vmem>>, vector<1x100xf32>,
    } else {
    }
    return
  }
  func.func @transform_0(%arg0: i32) -> (i32, i32) {
    %c0_i32 = arith.constant 0 : i32
    %c0_i32_0 = arith.constant 0 : i32
    return %arg0, %c0_i32 : i32, i32
  }
  func.func @transform_1(%arg0: i32) -> (i32, i32) {
    %c0_i32 = arith.constant 0 : i32
    %c0_i32_0 = arith.constant 0 : i32
    %c0_i32_1 = arith.constant 0 : i32
    return %c0_i32, %c0_i32_0 : i32, i32
  }
  func.func @transform_2(%arg0: i32) -> (i32, i32) {
    %c0_i32 = arith.constant 0 : i32
    %c0_i32_0 = arith.constant 0 : i32
    %c0_i32_1 = arith.constant 0 : i32
    return %c0_i32, %c0_i32_0 : i32, i32
  }
}

module attributes {stable_mosaic.version = 14 : i64} {
  func.func @_topk_body(%arg0: i32, %arg1: memref<2000x80xf32, #tpu.memory_space<vmem>>, %arg2: memref<2000x4xf32, #tpu.memory_space<vmem>>, %arg3: memref<2000x1xf32, #tpu.memory_space<vmem>>, %arg4: memref<2000x2xf32, #tpu.memory_space<vmem>>, %arg5: memref<4x100xf32, #tpu.memory_space<vmem>>, %arg6: memref<1x100xi32, #tpu.memory_space<vmem>>, %arg7: memref<1x80xf32, #tpu.memory_space<vmem>>, %arg8: memref<1x100xf32, #tpu.memory_space<vmem>>, %arg9: memref<8x100xf32, #tpu.memory_space<vmem>>, %arg10: memref<8x100xi32, #tpu.memory_space<vmem>>, %arg11: memref<8x100xf32, #tpu.memory_space<vmem>>, %arg12: memref<16x100xf32, #tpu.memory_space<vmem>>, %arg13: memref<16x100xi32, #tpu.memory_space<vmem>>, %arg14: memref<16x100xf32, #tpu.memory_space<vmem>>) attributes {dimension_semantics = [#tpu.dimension_semantics<arbitrary>], iteration_bounds = array<i64: 10>, scalar_prefetch = 0 : i64, scratch_operands = 3 : i64, tpu.core_type = #tpu.core_type<tc>, window_params = [{transform_indices = @transform_0, window_bounds = array<i64: 2000, 80>}, {transform_indices = @transform_1, window_bounds = array<i64: 2000, 4>}, {transform_indices = @transform_2, window_bounds = array<i64: 2000, 1>}, {transform_indices = @transform_3, window_bounds = array<i64: 2000, 2>}, {pipeline_mode = #tpu.pipeline_mode<synchronous>, transform_indices = @transform_4, window_bounds = array<i64: 4, 100>}, {pipeline_mode = #tpu.pipeline_mode<synchronous>, transform_indices = @transform_5, window_bounds = array<i64: 1, 100>}, {pipeline_mode = #tpu.pipeline_mode<synchronous>, transform_indices = @transform_6, window_bounds = array<i64: 1, 80>}, {pipeline_mode = #tpu.pipeline_mode<synchronous>, transform_indices = @transform_7, window_bounds = array<i64: 1, 100>}, {pipeline_mode = #tpu.pipeline_mode<synchronous>, transform_indices = @transform_8, window_bounds = array<i64: 8, 100>}, {pipeline_mode = #tpu.pipeline_mode<synchronous>, transform_indices = @transform_9, window_bounds = array<i64: 8, 100>}, {pipeline_mode = #tpu.pipeline_mode<synchronous>, transform_indices = @transform_10, window_bounds = array<i64: 8, 100>}]} {
    %get3A = arith.constant 0 : index
    %get3A_0 = arith.constant 0 : index
    %get3A_1 = vector.load %arg4[%get3A, %get3A_0] : memref<2000x2xf32, #tpu.memory_space<vmem>>, vector<2000x1xf32>
    %get3A_2 = arith.constant 0 : index
    %get3A_3 = arith.constant 1 : index
    %get3A_4 = vector.load %arg4[%get3A_2, %get3A_3] : memref<2000x2xf32, #tpu.memory_space<vmem>>, vector<2000x1xf32>
    %get3A_5 = arith.constant 0 : index
    %get3A_6 = arith.constant 0 : index
    %get3A_7 = vector.load %arg5[%get3A_5, %get3A_6] : memref<4x100xf32, #tpu.memory_space<vmem>>, vector<1x100xf32>
    %get3A_8 = arith.constant 1 : index
    %get3A_9 = arith.constant 0 : index
    %get3A_10 = vector.load %arg5[%get3A_8, %get3A_9] : memref<4x100xf32, #tpu.memory_space<vmem>>, vector<1x100xf32>
    %get3A_11 = arith.constant 2 : index
    %get3A_12 = arith.constant 0 : index
    %get3A_13 = vector.load %arg5[%get3A_11, %get3A_12] : memref<4x100xf32, #tpu.memory_space<vmem>>, vector<1x100xf32>
    %get3A_14 = arith.constant 3 : index
    %get3A_15 = arith.constant 0 : index
    %get3A_16 = vector.load %arg5[%get3A_14, %get3A_15] : memref<4x100xf32, #tpu.memory_space<vmem>>, vector<1x100xf32>
    %ge3A = vector.broadcast %get3A_1 : vector<2000x1xf32> to vector<2000x100xf32>
    %ge3A_17 = vector.broadcast %get3A_7 : vector<1x100xf32> to vector<2000x100xf32>
    %ge3A_18 = arith.cmpf oge, %ge3A, %ge3A_17 : vector<2000x100xf32>
    %le3A = vector.broadcast %get3A_1 : vector<2000x1xf32> to vector<2000x100xf32>
    %le3A_19 = vector.broadcast %get3A_13 : vector<1x100xf32> to vector<2000x100xf32>
    %le3A_20 = arith.cmpf ole, %le3A, %le3A_19 : vector<2000x100xf32>
    %and3A = arith.andi %ge3A_18, %le3A_20 : vector<2000x100xi1>
    %ge3A_21 = vector.broadcast %get3A_4 : vector<2000x1xf32> to vector<2000x100xf32>
    %ge3A_22 = vector.broadcast %get3A_10 : vector<1x100xf32> to vector<2000x100xf32>
    %ge3A_23 = arith.cmpf oge, %ge3A_21, %ge3A_22 : vector<2000x100xf32>
    %and3A_24 = arith.andi %and3A, %ge3A_23 : vector<2000x100xi1>
    %le3A_25 = vector.broadcast %get3A_4 : vector<2000x1xf32> to vector<2000x100xf32>
    %le3A_26 = vector.broadcast %get3A_16 : vector<1x100xf32> to vector<2000x100xf32>
    %le3A_27 = arith.cmpf ole, %le3A_25, %le3A_26 : vector<2000x100xf32>
    %and3A_28 = arith.andi %and3A_24, %le3A_27 : vector<2000x100xi1>
    %add3A = arith.addf %get3A_7, %get3A_13 : vector<1x100xf32>
    %mul3A = arith.constant 5.000000e-01 : f32
    %mul3A_29 = vector.broadcast %mul3A : f32 to vector<1x100xf32>
    %mul3A_30 = arith.mulf %add3A, %mul3A_29 : vector<1x100xf32>
    %add3A_31 = arith.addf %get3A_10, %get3A_16 : vector<1x100xf32>
    %mul3A_32 = arith.constant 5.000000e-01 : f32
    %mul3A_33 = vector.broadcast %mul3A_32 : f32 to vector<1x100xf32>
    %mul3A_34 = arith.mulf %add3A_31, %mul3A_33 : vector<1x100xf32>
    %sub3A = arith.subf %get3A_13, %get3A_7 : vector<1x100xf32>
    %mul3A_35 = arith.constant 5.000000e-01 : f32
    %mul3A_36 = vector.broadcast %mul3A_35 : f32 to vector<1x100xf32>
    %mul3A_37 = arith.mulf %sub3A, %mul3A_36 : vector<1x100xf32>
    %max3A = arith.constant 1.000000e+00 : f32
    %max3A_38 = vector.broadcast %max3A : f32 to vector<1x100xf32>
    %max3A_39 = arith.maximumf %mul3A_37, %max3A_38 : vector<1x100xf32>
    %sub3A_40 = arith.subf %get3A_16, %get3A_10 : vector<1x100xf32>
    %mul3A_41 = arith.constant 5.000000e-01 : f32
    %mul3A_42 = vector.broadcast %mul3A_41 : f32 to vector<1x100xf32>
    %mul3A_43 = arith.mulf %sub3A_40, %mul3A_42 : vector<1x100xf32>
    %max3A_44 = arith.constant 1.000000e+00 : f32
    %max3A_45 = vector.broadcast %max3A_44 : f32 to vector<1x100xf32>
    %max3A_46 = arith.maximumf %mul3A_43, %max3A_45 : vector<1x100xf32>
    %sub3A_47 = vector.broadcast %get3A_1 : vector<2000x1xf32> to vector<2000x100xf32>
    %sub3A_48 = vector.broadcast %mul3A_30 : vector<1x100xf32> to vector<2000x100xf32>
    %sub3A_49 = arith.subf %sub3A_47, %sub3A_48 : vector<2000x100xf32>
    %abs3A = math.absf %sub3A_49 : vector<2000x100xf32>
    %div3A = vector.broadcast %max3A_39 : vector<1x100xf32> to vector<2000x100xf32>
    %div3A_50 = arith.divf %abs3A, %div3A : vector<2000x100xf32>
    %sub3A_51 = vector.broadcast %get3A_4 : vector<2000x1xf32> to vector<2000x100xf32>
    %sub3A_52 = vector.broadcast %mul3A_34 : vector<1x100xf32> to vector<2000x100xf32>
    %sub3A_53 = arith.subf %sub3A_51, %sub3A_52 : vector<2000x100xf32>
    %abs3A_54 = math.absf %sub3A_53 : vector<2000x100xf32>
    %div3A_55 = vector.broadcast %max3A_46 : vector<1x100xf32> to vector<2000x100xf32>
    %div3A_56 = arith.divf %abs3A_54, %div3A_55 : vector<2000x100xf32>
    %max3A_57 = arith.maximumf %div3A_50, %div3A_56 : vector<2000x100xf32>
    %mul3A_58 = arith.mulf %div3A_50, %div3A_50 : vector<2000x100xf32>
    %mul3A_59 = arith.mulf %div3A_56, %div3A_56 : vector<2000x100xf32>
    %add3A_60 = arith.addf %mul3A_58, %mul3A_59 : vector<2000x100xf32>
    %le3A_61 = arith.constant 7.500000e-01 : f32
    %le3A_62 = vector.broadcast %le3A_61 : f32 to vector<2000x100xf32>
    %le3A_63 = arith.cmpf ole, %max3A_57, %le3A_62 : vector<2000x100xf32>
    %and3A_64 = arith.andi %and3A_28, %le3A_63 : vector<2000x100xi1>
    %jit3A = arith.constant 1.000000e+00 : f32
    %jit3A_65 = arith.constant 0.000000e+00 : f32
    %broadcast_in_dim3A = vector.broadcast %jit3A : f32 to vector<2000x100xf32>
    %broadcast_in_dim3A_66 = vector.broadcast %jit3A_65 : f32 to vector<2000x100xf32>
    %select_n3A = arith.select %and3A_64, %broadcast_in_dim3A, %broadcast_in_dim3A_66 : vector<2000x100xi1>, vector<2000x100xf32>
    %jit3A_67 = arith.constant 1.000000e+00 : f32
    %jit3A_68 = arith.constant 0.000000e+00 : f32
    %broadcast_in_dim3A_69 = vector.broadcast %jit3A_67 : f32 to vector<2000x100xf32>
    %broadcast_in_dim3A_70 = vector.broadcast %jit3A_68 : f32 to vector<2000x100xf32>
    %select_n3A_71 = arith.select %and3A_28, %broadcast_in_dim3A_69, %broadcast_in_dim3A_70 : vector<2000x100xi1>, vector<2000x100xf32>
    %get3A_72 = arith.constant 0 : index
    %get3A_73 = arith.constant 0 : index
    %get3A_74 = vector.load %arg8[%get3A_72, %get3A_73] : memref<1x100xf32, #tpu.memory_space<vmem>>, vector<1x100xf32>
    %mul3A_75 = vector.broadcast %get3A_74 : vector<1x100xf32> to vector<2000x100xf32>
    %mul3A_76 = arith.mulf %mul3A_75, %select_n3A : vector<2000x100xf32>
    %sub3A_77 = arith.constant 1.000000e+00 : f32
    %sub3A_78 = vector.broadcast %sub3A_77 : f32 to vector<1x100xf32>
    %sub3A_79 = arith.subf %sub3A_78, %get3A_74 : vector<1x100xf32>
    %mul3A_80 = vector.broadcast %sub3A_79 : vector<1x100xf32> to vector<2000x100xf32>
    %mul3A_81 = arith.mulf %mul3A_80, %select_n3A_71 : vector<2000x100xf32>
    %add3A_82 = arith.addf %mul3A_76, %mul3A_81 : vector<2000x100xf32>
    %mul3A_83 = arith.constant -5.000000e-01 : f32
    %mul3A_84 = vector.broadcast %mul3A_83 : f32 to vector<2000x100xf32>
    %mul3A_85 = arith.mulf %mul3A_84, %add3A_60 : vector<2000x100xf32>
    %exp3A = math.exp %mul3A_85 : vector<2000x100xf32>
    %get3A_86 = arith.constant 0 : index
    %get3A_87 = arith.constant 0 : index
    %get3A_88 = vector.load %arg2[%get3A_86, %get3A_87] : memref<2000x4xf32, #tpu.memory_space<vmem>>, vector<2000x1xf32>
    %get3A_89 = arith.constant 0 : index
    %get3A_90 = arith.constant 1 : index
    %get3A_91 = vector.load %arg2[%get3A_89, %get3A_90] : memref<2000x4xf32, #tpu.memory_space<vmem>>, vector<2000x1xf32>
    %get3A_92 = arith.constant 0 : index
    %get3A_93 = arith.constant 2 : index
    %get3A_94 = vector.load %arg2[%get3A_92, %get3A_93] : memref<2000x4xf32, #tpu.memory_space<vmem>>, vector<2000x1xf32>
    %get3A_95 = arith.constant 0 : index
    %get3A_96 = arith.constant 3 : index
    %get3A_97 = vector.load %arg2[%get3A_95, %get3A_96] : memref<2000x4xf32, #tpu.memory_space<vmem>>, vector<2000x1xf32>
    %max3A_98 = vector.broadcast %get3A_88 : vector<2000x1xf32> to vector<2000x100xf32>
    %max3A_99 = vector.broadcast %get3A_7 : vector<1x100xf32> to vector<2000x100xf32>
    %max3A_100 = arith.maximumf %max3A_98, %max3A_99 : vector<2000x100xf32>
    %max3A_101 = vector.broadcast %get3A_91 : vector<2000x1xf32> to vector<2000x100xf32>
    %max3A_102 = vector.broadcast %get3A_10 : vector<1x100xf32> to vector<2000x100xf32>
    %max3A_103 = arith.maximumf %max3A_101, %max3A_102 : vector<2000x100xf32>
    %min3A = vector.broadcast %get3A_94 : vector<2000x1xf32> to vector<2000x100xf32>
    %min3A_104 = vector.broadcast %get3A_13 : vector<1x100xf32> to vector<2000x100xf32>
    %min3A_105 = arith.minimumf %min3A, %min3A_104 : vector<2000x100xf32>
    %min3A_106 = vector.broadcast %get3A_97 : vector<2000x1xf32> to vector<2000x100xf32>
    %min3A_107 = vector.broadcast %get3A_16 : vector<1x100xf32> to vector<2000x100xf32>
    %min3A_108 = arith.minimumf %min3A_106, %min3A_107 : vector<2000x100xf32>
    %sub3A_109 = arith.subf %min3A_105, %max3A_100 : vector<2000x100xf32>
    %max3A_110 = arith.constant 0.000000e+00 : f32
    %max3A_111 = vector.broadcast %max3A_110 : f32 to vector<2000x100xf32>
    %max3A_112 = arith.maximumf %sub3A_109, %max3A_111 : vector<2000x100xf32>
    %sub3A_113 = arith.subf %min3A_108, %max3A_103 : vector<2000x100xf32>
    %max3A_114 = arith.constant 0.000000e+00 : f32
    %max3A_115 = vector.broadcast %max3A_114 : f32 to vector<2000x100xf32>
    %max3A_116 = arith.maximumf %sub3A_113, %max3A_115 : vector<2000x100xf32>
    %mul3A_117 = arith.mulf %max3A_112, %max3A_116 : vector<2000x100xf32>
    %sub3A_118 = arith.subf %get3A_94, %get3A_88 : vector<2000x1xf32>
    %max3A_119 = arith.constant 0.000000e+00 : f32
    %max3A_120 = vector.broadcast %max3A_119 : f32 to vector<2000x1xf32>
    %max3A_121 = arith.maximumf %sub3A_118, %max3A_120 : vector<2000x1xf32>
    %sub3A_122 = arith.subf %get3A_97, %get3A_91 : vector<2000x1xf32>
    %max3A_123 = arith.constant 0.000000e+00 : f32
    %max3A_124 = vector.broadcast %max3A_123 : f32 to vector<2000x1xf32>
    %max3A_125 = arith.maximumf %sub3A_122, %max3A_124 : vector<2000x1xf32>
    %mul3A_126 = arith.mulf %max3A_121, %max3A_125 : vector<2000x1xf32>
    %sub3A_127 = arith.subf %get3A_13, %get3A_7 : vector<1x100xf32>
    %max3A_128 = arith.constant 0.000000e+00 : f32
    %max3A_129 = vector.broadcast %max3A_128 : f32 to vector<1x100xf32>
    %max3A_130 = arith.maximumf %sub3A_127, %max3A_129 : vector<1x100xf32>
    %sub3A_131 = arith.subf %get3A_16, %get3A_10 : vector<1x100xf32>
    %max3A_132 = arith.constant 0.000000e+00 : f32
    %max3A_133 = vector.broadcast %max3A_132 : f32 to vector<1x100xf32>
    %max3A_134 = arith.maximumf %sub3A_131, %max3A_133 : vector<1x100xf32>
    %mul3A_135 = arith.mulf %max3A_130, %max3A_134 : vector<1x100xf32>
    %add3A_136 = vector.broadcast %mul3A_126 : vector<2000x1xf32> to vector<2000x100xf32>
    %add3A_137 = vector.broadcast %mul3A_135 : vector<1x100xf32> to vector<2000x100xf32>
    %add3A_138 = arith.addf %add3A_136, %add3A_137 : vector<2000x100xf32>
    %sub3A_139 = arith.subf %add3A_138, %mul3A_117 : vector<2000x100xf32>
    %add3A_140 = arith.constant 1.000000e-07 : f32
    %add3A_141 = vector.broadcast %add3A_140 : f32 to vector<2000x100xf32>
    %add3A_142 = arith.addf %sub3A_139, %add3A_141 : vector<2000x100xf32>
    %div3A_143 = arith.divf %mul3A_117, %add3A_142 : vector<2000x100xf32>
    %get3A_144 = arith.constant 0 : index
    %get3A_145 = arith.constant 0 : index
    %get3A_146 = vector.load %arg6[%get3A_144, %get3A_145] : memref<1x100xi32, #tpu.memory_space<vmem>>, vector<1x100xi32>
    %iota3A = tpu.iota {dimensions = array<i32: 0>} : vector<80x100xi32>
    %eq3A = vector.broadcast %get3A_146 : vector<1x100xi32> to vector<80x100xi32>
    %eq3A_147 = arith.cmpi eq, %iota3A, %eq3A : vector<80x100xi32>
    %jit3A_148 = arith.constant 1.000000e+00 : f32
    %jit3A_149 = arith.constant 0.000000e+00 : f32
    %broadcast_in_dim3A_150 = vector.broadcast %jit3A_148 : f32 to vector<80x100xf32>
    %broadcast_in_dim3A_151 = vector.broadcast %jit3A_149 : f32 to vector<80x100xf32>
    %select_n3A_152 = arith.select %eq3A_147, %broadcast_in_dim3A_150, %broadcast_in_dim3A_151 : vector<80x100xi1>, vector<80x100xf32>
    %get3A_153 = arith.constant 0 : index
    %get3A_154 = arith.constant 0 : index
    %get3A_155 = vector.load %arg1[%get3A_153, %get3A_154] : memref<2000x80xf32, #tpu.memory_space<vmem>>, vector<2000x80xf32>
    %dot_general3A = arith.constant dense<0.000000e+00> : vector<2000x100xf32>
    %dot_general3A_156 = tpu.matmul %get3A_155, %select_n3A_152, %dot_general3A {dimension_numbers = #tpu.dot_dimension_numbers<[1], [0], [0], [1], [0, 0, 1, 1], [], []>, transpose_lhs_hint = false} : vector<2000x80xf32>, vector<80x100xf32>, vector<2000x100xf32> -> vector<2000x100xf32>
    %neg3A = arith.constant 0.000000e+00 : f32
    %neg3A_157 = vector.broadcast %neg3A : f32 to vector<2000x100xf32>
    %neg3A_158 = arith.subf %neg3A_157, %dot_general3A_156 : vector<2000x100xf32>
    %exp3A_159 = math.exp %neg3A_158 : vector<2000x100xf32>
    %add3A_160 = arith.constant 1.000000e+00 : f32
    %add3A_161 = vector.broadcast %add3A_160 : f32 to vector<2000x100xf32>
    %add3A_162 = arith.addf %add3A_161, %exp3A_159 : vector<2000x100xf32>
    %div3A_163 = arith.constant 1.000000e+00 : f32
    %div3A_164 = vector.broadcast %div3A_163 : f32 to vector<2000x100xf32>
    %div3A_165 = arith.divf %div3A_164, %add3A_162 : vector<2000x100xf32>
    %get3A_166 = arith.constant 0 : index
    %get3A_167 = arith.constant 0 : index
    %get3A_168 = vector.load %arg3[%get3A_166, %get3A_167] : memref<2000x1xf32, #tpu.memory_space<vmem>>, vector<2000x1xf32>
    %neg3A_169 = arith.constant 0.000000e+00 : f32
    %neg3A_170 = vector.broadcast %neg3A_169 : f32 to vector<2000x1xf32>
    %neg3A_171 = arith.subf %neg3A_170, %get3A_168 : vector<2000x1xf32>
    %exp3A_172 = math.exp %neg3A_171 : vector<2000x1xf32>
    %add3A_173 = arith.constant 1.000000e+00 : f32
    %add3A_174 = vector.broadcast %add3A_173 : f32 to vector<2000x1xf32>
    %add3A_175 = arith.addf %add3A_174, %exp3A_172 : vector<2000x1xf32>
    %div3A_176 = arith.constant 1.000000e+00 : f32
    %div3A_177 = vector.broadcast %div3A_176 : f32 to vector<2000x1xf32>
    %div3A_178 = arith.divf %div3A_177, %add3A_175 : vector<2000x1xf32>
    %get3A_179 = arith.constant 0 : index
    %get3A_180 = arith.constant 0 : index
    %get3A_181 = vector.load %arg7[%get3A_179, %get3A_180] : memref<1x80xf32, #tpu.memory_space<vmem>>, vector<1x80xf32>
    %dot_general3A_182 = arith.constant dense<0.000000e+00> : vector<1x100xf32>
    %dot_general3A_183 = tpu.matmul %get3A_181, %select_n3A_152, %dot_general3A_182 {dimension_numbers = #tpu.dot_dimension_numbers<[1], [0], [0], [1], [0, 0, 1, 1], [], []>, transpose_lhs_hint = false} : vector<1x80xf32>, vector<80x100xf32>, vector<1x100xf32> -> vector<1x100xf32>
    %ge3A_184 = arith.constant 0 : i32
    %ge3A_185 = vector.broadcast %ge3A_184 : i32 to vector<1x100xi32>
    %ge3A_186 = arith.cmpi sge, %get3A_146, %ge3A_185 : vector<1x100xi32>
    %lt3A = arith.constant 80 : i32
    %lt3A_187 = vector.broadcast %lt3A : i32 to vector<1x100xi32>
    %lt3A_188 = arith.cmpi slt, %get3A_146, %lt3A_187 : vector<1x100xi32>
    %and3A_189 = arith.andi %ge3A_186, %lt3A_188 : vector<1x100xi1>
    %jit3A_190 = arith.constant 1.000000e+00 : f32
    %jit3A_191 = arith.constant 0.000000e+00 : f32
    %broadcast_in_dim3A_192 = vector.broadcast %jit3A_190 : f32 to vector<1x100xf32>
    %broadcast_in_dim3A_193 = vector.broadcast %jit3A_191 : f32 to vector<1x100xf32>
    %select_n3A_194 = arith.select %and3A_189, %broadcast_in_dim3A_192, %broadcast_in_dim3A_193 : vector<1x100xi1>, vector<1x100xf32>
    %gt3A = arith.constant 0.000000e+00 : f32
    %gt3A_195 = vector.broadcast %gt3A : f32 to vector<1x100xf32>
    %gt3A_196 = arith.cmpf ogt, %dot_general3A_183, %gt3A_195 : vector<1x100xf32>
    %jit3A_197 = arith.constant 1.000000e+00 : f32
    %jit3A_198 = arith.constant 0.000000e+00 : f32
    %broadcast_in_dim3A_199 = vector.broadcast %jit3A_197 : f32 to vector<1x100xf32>
    %broadcast_in_dim3A_200 = vector.broadcast %jit3A_198 : f32 to vector<1x100xf32>
    %select_n3A_201 = arith.select %gt3A_196, %broadcast_in_dim3A_199, %broadcast_in_dim3A_200 : vector<1x100xi1>, vector<1x100xf32>
    %mul3A_202 = arith.mulf %select_n3A_194, %select_n3A_201 : vector<1x100xf32>
    %mul3A_203 = vector.broadcast %div3A_178 : vector<2000x1xf32> to vector<2000x100xf32>
    %mul3A_204 = arith.mulf %mul3A_203, %div3A_165 : vector<2000x100xf32>
    %max3A_205 = arith.constant 0.000000e+00 : f32
    %max3A_206 = vector.broadcast %max3A_205 : f32 to vector<2000x100xf32>
    %max3A_207 = arith.maximumf %mul3A_204, %max3A_206 : vector<2000x100xf32>
    %sqrt3A = math.sqrt %max3A_207 : vector<2000x100xf32>
    %mul3A_208 = arith.mulf %div3A_143, %div3A_143 : vector<2000x100xf32>
    %mul3A_209 = arith.mulf %sqrt3A, %mul3A_208 : vector<2000x100xf32>
    %mul3A_210 = arith.mulf %exp3A, %exp3A : vector<2000x100xf32>
    %mul3A_211 = arith.mulf %mul3A_209, %mul3A_210 : vector<2000x100xf32>
    %mul3A_212 = vector.broadcast %mul3A_202 : vector<1x100xf32> to vector<2000x100xf32>
    %mul3A_213 = arith.mulf %add3A_82, %mul3A_212 : vector<2000x100xf32>
    %gt3A_214 = arith.constant 0.000000e+00 : f32
    %gt3A_215 = vector.broadcast %gt3A_214 : f32 to vector<2000x100xf32>
    %gt3A_216 = arith.cmpf ogt, %mul3A_213, %gt3A_215 : vector<2000x100xf32>
    %jit3A_217 = arith.constant 0xFF800000 : f32
    %broadcast_in_dim3A_218 = vector.broadcast %jit3A_217 : f32 to vector<2000x100xf32>
    %select_n3A_219 = arith.select %gt3A_216, %mul3A_211, %broadcast_in_dim3A_218 : vector<2000x100xi1>, vector<2000x100xf32>
    %mul3A_220 = arith.constant 2000 : i32
    %mul3A_221 = arith.muli %arg0, %mul3A_220 : i32
    %iota3A_222 = tpu.iota {dimensions = array<i32: 0>} : vector<2000x100xi32>
    %add3A_223 = vector.broadcast %mul3A_221 : i32 to vector<2000x100xi32>
    %add3A_224 = arith.addi %add3A_223, %iota3A_222 : vector<2000x100xi32>
    %reduce_max3A = arith.constant dense<0xFF800000> : vector<100xf32>
    %reduce_max3A_225 = vector.multi_reduction <maximumf>, %select_n3A_219, %reduce_max3A [0] : vector<2000x100xf32> to vector<100xf32>
    %broadcast_in_dim3A_226 = vector.shape_cast %reduce_max3A_225 : vector<100xf32> to vector<1x100xf32>
    %eq3A_227 = vector.broadcast %broadcast_in_dim3A_226 : vector<1x100xf32> to vector<2000x100xf32>
    %eq3A_228 = arith.cmpf oeq, %select_n3A_219, %eq3A_227 : vector<2000x100xf32>
    %jit3A_229 = arith.constant 1073741824 : i32
    %broadcast_in_dim3A_230 = vector.broadcast %jit3A_229 : i32 to vector<2000x100xi32>
    %select_n3A_231 = arith.select %eq3A_228, %add3A_224, %broadcast_in_dim3A_230 : vector<2000x100xi1>, vector<2000x100xi32>
    %reduce_min3A = arith.constant dense<2147483647> : vector<100xi32>
    %reduce_min3A_232 = vector.multi_reduction <minsi>, %select_n3A_231, %reduce_min3A [0] : vector<2000x100xi32> to vector<100xi32>
    %broadcast_in_dim3A_233 = vector.shape_cast %reduce_min3A_232 : vector<100xi32> to vector<1x100xi32>
    %eq3A_234 = vector.broadcast %broadcast_in_dim3A_233 : vector<1x100xi32> to vector<2000x100xi32>
    %eq3A_235 = arith.cmpi eq, %add3A_224, %eq3A_234 : vector<2000x100xi32>
    %and3A_236 = arith.andi %eq3A_228, %eq3A_235 : vector<2000x100xi1>
    %swap3A = arith.constant 8 : index
    %swap3A_237 = arith.constant 0 : index
    %swap3A_238 = vector.load %arg12[%swap3A, %swap3A_237] : memref<16x100xf32, #tpu.memory_space<vmem>>, vector<1x100xf32>
    tpu.vector_store %arg12[%swap3A, %swap3A_237], %broadcast_in_dim3A_226 {strides = array<i32>} : memref<16x100xf32, #tpu.memory_space<vmem>>, vector<1x100xf32>,
    %swap3A_239 = arith.constant 8 : index
    %swap3A_240 = arith.constant 0 : index
    %swap3A_241 = vector.load %arg13[%swap3A_239, %swap3A_240] : memref<16x100xi32, #tpu.memory_space<vmem>>, vector<1x100xi32>
    tpu.vector_store %arg13[%swap3A_239, %swap3A_240], %broadcast_in_dim3A_233 {strides = array<i32>} : memref<16x100xi32, #tpu.memory_space<vmem>>, vector<1x100xi32>,
    %jit3A_242 = arith.constant 0.000000e+00 : f32
    %broadcast_in_dim3A_243 = vector.broadcast %jit3A_242 : f32 to vector<2000x100xf32>
    %select_n3A_244 = arith.select %and3A_236, %div3A_143, %broadcast_in_dim3A_243 : vector<2000x100xi1>, vector<2000x100xf32>
    %reduce_sum3A = arith.constant dense<0.000000e+00> : vector<100xf32>
    %reduce_sum3A_245 = vector.multi_reduction <add>, %select_n3A_244, %reduce_sum3A [0] : vector<2000x100xf32> to vector<100xf32>
    %broadcast_in_dim3A_246 = vector.shape_cast %reduce_sum3A_245 : vector<100xf32> to vector<1x100xf32>
    %swap3A_247 = arith.constant 8 : index
    %swap3A_248 = arith.constant 0 : index
    %swap3A_249 = vector.load %arg14[%swap3A_247, %swap3A_248] : memref<16x100xf32, #tpu.memory_space<vmem>>, vector<1x100xf32>
    tpu.vector_store %arg14[%swap3A_247, %swap3A_248], %broadcast_in_dim3A_246 {strides = array<i32>} : memref<16x100xf32, #tpu.memory_space<vmem>>, vector<1x100xf32>,
    %jit3A_250 = arith.constant 0xFF800000 : f32
    %broadcast_in_dim3A_251 = vector.broadcast %jit3A_250 : f32 to vector<2000x100xf32>
    %select_n3A_252 = arith.select %and3A_236, %broadcast_in_dim3A_251, %select_n3A_219 : vector<2000x100xi1>, vector<2000x100xf32>
    %reduce_max3A_253 = arith.constant dense<0xFF800000> : vector<100xf32>
    %reduce_max3A_254 = vector.multi_reduction <maximumf>, %select_n3A_252, %reduce_max3A_253 [0] : vector<2000x100xf32> to vector<100xf32>
    %broadcast_in_dim3A_255 = vector.shape_cast %reduce_max3A_254 : vector<100xf32> to vector<1x100xf32>
    %eq3A_256 = vector.broadcast %broadcast_in_dim3A_255 : vector<1x100xf32> to vector<2000x100xf32>
    %eq3A_257 = arith.cmpf oeq, %select_n3A_252, %eq3A_256 : vector<2000x100xf32>
    %jit3A_258 = arith.constant 1073741824 : i32
    %broadcast_in_dim3A_259 = vector.broadcast %jit3A_258 : i32 to vector<2000x100xi32>
    %select_n3A_260 = arith.select %eq3A_257, %add3A_224, %broadcast_in_dim3A_259 : vector<2000x100xi1>, vector<2000x100xi32>
    %reduce_min3A_261 = arith.constant dense<2147483647> : vector<100xi32>
    %reduce_min3A_262 = vector.multi_reduction <minsi>, %select_n3A_260, %reduce_min3A_261 [0] : vector<2000x100xi32> to vector<100xi32>
    %broadcast_in_dim3A_263 = vector.shape_cast %reduce_min3A_262 : vector<100xi32> to vector<1x100xi32>
    %eq3A_264 = vector.broadcast %broadcast_in_dim3A_263 : vector<1x100xi32> to vector<2000x100xi32>
    %eq3A_265 = arith.cmpi eq, %add3A_224, %eq3A_264 : vector<2000x100xi32>
    %and3A_266 = arith.andi %eq3A_257, %eq3A_265 : vector<2000x100xi1>
    %swap3A_267 = arith.constant 9 : index
    %swap3A_268 = arith.constant 0 : index
    %swap3A_269 = vector.load %arg12[%swap3A_267, %swap3A_268] : memref<16x100xf32, #tpu.memory_space<vmem>>, vector<1x100xf32>
    tpu.vector_store %arg12[%swap3A_267, %swap3A_268], %broadcast_in_dim3A_255 {strides = array<i32>} : memref<16x100xf32, #tpu.memory_space<vmem>>, vector<1x100xf32>,
    %swap3A_270 = arith.constant 9 : index
    %swap3A_271 = arith.constant 0 : index
    %swap3A_272 = vector.load %arg13[%swap3A_270, %swap3A_271] : memref<16x100xi32, #tpu.memory_space<vmem>>, vector<1x100xi32>
    tpu.vector_store %arg13[%swap3A_270, %swap3A_271], %broadcast_in_dim3A_263 {strides = array<i32>} : memref<16x100xi32, #tpu.memory_space<vmem>>, vector<1x100xi32>,
    %jit3A_273 = arith.constant 0.000000e+00 : f32
    %broadcast_in_dim3A_274 = vector.broadcast %jit3A_273 : f32 to vector<2000x100xf32>
    %select_n3A_275 = arith.select %and3A_266, %div3A_143, %broadcast_in_dim3A_274 : vector<2000x100xi1>, vector<2000x100xf32>
    %reduce_sum3A_276 = arith.constant dense<0.000000e+00> : vector<100xf32>
    %reduce_sum3A_277 = vector.multi_reduction <add>, %select_n3A_275, %reduce_sum3A_276 [0] : vector<2000x100xf32> to vector<100xf32>
    %broadcast_in_dim3A_278 = vector.shape_cast %reduce_sum3A_277 : vector<100xf32> to vector<1x100xf32>
    %swap3A_279 = arith.constant 9 : index
    %swap3A_280 = arith.constant 0 : index
    %swap3A_281 = vector.load %arg14[%swap3A_279, %swap3A_280] : memref<16x100xf32, #tpu.memory_space<vmem>>, vector<1x100xf32>
    tpu.vector_store %arg14[%swap3A_279, %swap3A_280], %broadcast_in_dim3A_278 {strides = array<i32>} : memref<16x100xf32, #tpu.memory_space<vmem>>, vector<1x100xf32>,
    %jit3A_282 = arith.constant 0xFF800000 : f32
    %broadcast_in_dim3A_283 = vector.broadcast %jit3A_282 : f32 to vector<2000x100xf32>
    %select_n3A_284 = arith.select %and3A_266, %broadcast_in_dim3A_283, %select_n3A_252 : vector<2000x100xi1>, vector<2000x100xf32>
    %reduce_max3A_285 = arith.constant dense<0xFF800000> : vector<100xf32>
    %reduce_max3A_286 = vector.multi_reduction <maximumf>, %select_n3A_284, %reduce_max3A_285 [0] : vector<2000x100xf32> to vector<100xf32>
    %broadcast_in_dim3A_287 = vector.shape_cast %reduce_max3A_286 : vector<100xf32> to vector<1x100xf32>
    %eq3A_288 = vector.broadcast %broadcast_in_dim3A_287 : vector<1x100xf32> to vector<2000x100xf32>
    %eq3A_289 = arith.cmpf oeq, %select_n3A_284, %eq3A_288 : vector<2000x100xf32>
    %jit3A_290 = arith.constant 1073741824 : i32
    %broadcast_in_dim3A_291 = vector.broadcast %jit3A_290 : i32 to vector<2000x100xi32>
    %select_n3A_292 = arith.select %eq3A_289, %add3A_224, %broadcast_in_dim3A_291 : vector<2000x100xi1>, vector<2000x100xi32>
    %reduce_min3A_293 = arith.constant dense<2147483647> : vector<100xi32>
    %reduce_min3A_294 = vector.multi_reduction <minsi>, %select_n3A_292, %reduce_min3A_293 [0] : vector<2000x100xi32> to vector<100xi32>
    %broadcast_in_dim3A_295 = vector.shape_cast %reduce_min3A_294 : vector<100xi32> to vector<1x100xi32>
    %eq3A_296 = vector.broadcast %broadcast_in_dim3A_295 : vector<1x100xi32> to vector<2000x100xi32>
    %eq3A_297 = arith.cmpi eq, %add3A_224, %eq3A_296 : vector<2000x100xi32>
    %and3A_298 = arith.andi %eq3A_289, %eq3A_297 : vector<2000x100xi1>
    %swap3A_299 = arith.constant 10 : index
    %swap3A_300 = arith.constant 0 : index
    %swap3A_301 = vector.load %arg12[%swap3A_299, %swap3A_300] : memref<16x100xf32, #tpu.memory_space<vmem>>, vector<1x100xf32>
    tpu.vector_store %arg12[%swap3A_299, %swap3A_300], %broadcast_in_dim3A_287 {strides = array<i32>} : memref<16x100xf32, #tpu.memory_space<vmem>>, vector<1x100xf32>,
    %swap3A_302 = arith.constant 10 : index
    %swap3A_303 = arith.constant 0 : index
    %swap3A_304 = vector.load %arg13[%swap3A_302, %swap3A_303] : memref<16x100xi32, #tpu.memory_space<vmem>>, vector<1x100xi32>
    tpu.vector_store %arg13[%swap3A_302, %swap3A_303], %broadcast_in_dim3A_295 {strides = array<i32>} : memref<16x100xi32, #tpu.memory_space<vmem>>, vector<1x100xi32>,
    %jit3A_305 = arith.constant 0.000000e+00 : f32
    %broadcast_in_dim3A_306 = vector.broadcast %jit3A_305 : f32 to vector<2000x100xf32>
    %select_n3A_307 = arith.select %and3A_298, %div3A_143, %broadcast_in_dim3A_306 : vector<2000x100xi1>, vector<2000x100xf32>
    %reduce_sum3A_308 = arith.constant dense<0.000000e+00> : vector<100xf32>
    %reduce_sum3A_309 = vector.multi_reduction <add>, %select_n3A_307, %reduce_sum3A_308 [0] : vector<2000x100xf32> to vector<100xf32>
    %broadcast_in_dim3A_310 = vector.shape_cast %reduce_sum3A_309 : vector<100xf32> to vector<1x100xf32>
    %swap3A_311 = arith.constant 10 : index
    %swap3A_312 = arith.constant 0 : index
    %swap3A_313 = vector.load %arg14[%swap3A_311, %swap3A_312] : memref<16x100xf32, #tpu.memory_space<vmem>>, vector<1x100xf32>
    tpu.vector_store %arg14[%swap3A_311, %swap3A_312], %broadcast_in_dim3A_310 {strides = array<i32>} : memref<16x100xf32, #tpu.memory_space<vmem>>, vector<1x100xf32>,
    %jit3A_314 = arith.constant 0xFF800000 : f32
    %broadcast_in_dim3A_315 = vector.broadcast %jit3A_314 : f32 to vector<2000x100xf32>
    %select_n3A_316 = arith.select %and3A_298, %broadcast_in_dim3A_315, %select_n3A_284 : vector<2000x100xi1>, vector<2000x100xf32>
    %reduce_max3A_317 = arith.constant dense<0xFF800000> : vector<100xf32>
    %reduce_max3A_318 = vector.multi_reduction <maximumf>, %select_n3A_316, %reduce_max3A_317 [0] : vector<2000x100xf32> to vector<100xf32>
    %broadcast_in_dim3A_319 = vector.shape_cast %reduce_max3A_318 : vector<100xf32> to vector<1x100xf32>
    %eq3A_320 = vector.broadcast %broadcast_in_dim3A_319 : vector<1x100xf32> to vector<2000x100xf32>
    %eq3A_321 = arith.cmpf oeq, %select_n3A_316, %eq3A_320 : vector<2000x100xf32>
    %jit3A_322 = arith.constant 1073741824 : i32
    %broadcast_in_dim3A_323 = vector.broadcast %jit3A_322 : i32 to vector<2000x100xi32>
    %select_n3A_324 = arith.select %eq3A_321, %add3A_224, %broadcast_in_dim3A_323 : vector<2000x100xi1>, vector<2000x100xi32>
    %reduce_min3A_325 = arith.constant dense<2147483647> : vector<100xi32>
    %reduce_min3A_326 = vector.multi_reduction <minsi>, %select_n3A_324, %reduce_min3A_325 [0] : vector<2000x100xi32> to vector<100xi32>
    %broadcast_in_dim3A_327 = vector.shape_cast %reduce_min3A_326 : vector<100xi32> to vector<1x100xi32>
    %eq3A_328 = vector.broadcast %broadcast_in_dim3A_327 : vector<1x100xi32> to vector<2000x100xi32>
    %eq3A_329 = arith.cmpi eq, %add3A_224, %eq3A_328 : vector<2000x100xi32>
    %and3A_330 = arith.andi %eq3A_321, %eq3A_329 : vector<2000x100xi1>
    %swap3A_331 = arith.constant 11 : index
    %swap3A_332 = arith.constant 0 : index
    %swap3A_333 = vector.load %arg12[%swap3A_331, %swap3A_332] : memref<16x100xf32, #tpu.memory_space<vmem>>, vector<1x100xf32>
    tpu.vector_store %arg12[%swap3A_331, %swap3A_332], %broadcast_in_dim3A_319 {strides = array<i32>} : memref<16x100xf32, #tpu.memory_space<vmem>>, vector<1x100xf32>,
    %swap3A_334 = arith.constant 11 : index
    %swap3A_335 = arith.constant 0 : index
    %swap3A_336 = vector.load %arg13[%swap3A_334, %swap3A_335] : memref<16x100xi32, #tpu.memory_space<vmem>>, vector<1x100xi32>
    tpu.vector_store %arg13[%swap3A_334, %swap3A_335], %broadcast_in_dim3A_327 {strides = array<i32>} : memref<16x100xi32, #tpu.memory_space<vmem>>, vector<1x100xi32>,
    %jit3A_337 = arith.constant 0.000000e+00 : f32
    %broadcast_in_dim3A_338 = vector.broadcast %jit3A_337 : f32 to vector<2000x100xf32>
    %select_n3A_339 = arith.select %and3A_330, %div3A_143, %broadcast_in_dim3A_338 : vector<2000x100xi1>, vector<2000x100xf32>
    %reduce_sum3A_340 = arith.constant dense<0.000000e+00> : vector<100xf32>
    %reduce_sum3A_341 = vector.multi_reduction <add>, %select_n3A_339, %reduce_sum3A_340 [0] : vector<2000x100xf32> to vector<100xf32>
    %broadcast_in_dim3A_342 = vector.shape_cast %reduce_sum3A_341 : vector<100xf32> to vector<1x100xf32>
    %swap3A_343 = arith.constant 11 : index
    %swap3A_344 = arith.constant 0 : index
    %swap3A_345 = vector.load %arg14[%swap3A_343, %swap3A_344] : memref<16x100xf32, #tpu.memory_space<vmem>>, vector<1x100xf32>
    tpu.vector_store %arg14[%swap3A_343, %swap3A_344], %broadcast_in_dim3A_342 {strides = array<i32>} : memref<16x100xf32, #tpu.memory_space<vmem>>, vector<1x100xf32>,
    %jit3A_346 = arith.constant 0xFF800000 : f32
    %broadcast_in_dim3A_347 = vector.broadcast %jit3A_346 : f32 to vector<2000x100xf32>
    %select_n3A_348 = arith.select %and3A_330, %broadcast_in_dim3A_347, %select_n3A_316 : vector<2000x100xi1>, vector<2000x100xf32>
    %reduce_max3A_349 = arith.constant dense<0xFF800000> : vector<100xf32>
    %reduce_max3A_350 = vector.multi_reduction <maximumf>, %select_n3A_348, %reduce_max3A_349 [0] : vector<2000x100xf32> to vector<100xf32>
    %broadcast_in_dim3A_351 = vector.shape_cast %reduce_max3A_350 : vector<100xf32> to vector<1x100xf32>
    %eq3A_352 = vector.broadcast %broadcast_in_dim3A_351 : vector<1x100xf32> to vector<2000x100xf32>
    %eq3A_353 = arith.cmpf oeq, %select_n3A_348, %eq3A_352 : vector<2000x100xf32>
    %jit3A_354 = arith.constant 1073741824 : i32
    %broadcast_in_dim3A_355 = vector.broadcast %jit3A_354 : i32 to vector<2000x100xi32>
    %select_n3A_356 = arith.select %eq3A_353, %add3A_224, %broadcast_in_dim3A_355 : vector<2000x100xi1>, vector<2000x100xi32>
    %reduce_min3A_357 = arith.constant dense<2147483647> : vector<100xi32>
    %reduce_min3A_358 = vector.multi_reduction <minsi>, %select_n3A_356, %reduce_min3A_357 [0] : vector<2000x100xi32> to vector<100xi32>
    %broadcast_in_dim3A_359 = vector.shape_cast %reduce_min3A_358 : vector<100xi32> to vector<1x100xi32>
    %eq3A_360 = vector.broadcast %broadcast_in_dim3A_359 : vector<1x100xi32> to vector<2000x100xi32>
    %eq3A_361 = arith.cmpi eq, %add3A_224, %eq3A_360 : vector<2000x100xi32>
    %and3A_362 = arith.andi %eq3A_353, %eq3A_361 : vector<2000x100xi1>
    %swap3A_363 = arith.constant 12 : index
    %swap3A_364 = arith.constant 0 : index
    %swap3A_365 = vector.load %arg12[%swap3A_363, %swap3A_364] : memref<16x100xf32, #tpu.memory_space<vmem>>, vector<1x100xf32>
    tpu.vector_store %arg12[%swap3A_363, %swap3A_364], %broadcast_in_dim3A_351 {strides = array<i32>} : memref<16x100xf32, #tpu.memory_space<vmem>>, vector<1x100xf32>,
    %swap3A_366 = arith.constant 12 : index
    %swap3A_367 = arith.constant 0 : index
    %swap3A_368 = vector.load %arg13[%swap3A_366, %swap3A_367] : memref<16x100xi32, #tpu.memory_space<vmem>>, vector<1x100xi32>
    tpu.vector_store %arg13[%swap3A_366, %swap3A_367], %broadcast_in_dim3A_359 {strides = array<i32>} : memref<16x100xi32, #tpu.memory_space<vmem>>, vector<1x100xi32>,
    %jit3A_369 = arith.constant 0.000000e+00 : f32
    %broadcast_in_dim3A_370 = vector.broadcast %jit3A_369 : f32 to vector<2000x100xf32>
    %select_n3A_371 = arith.select %and3A_362, %div3A_143, %broadcast_in_dim3A_370 : vector<2000x100xi1>, vector<2000x100xf32>
    %reduce_sum3A_372 = arith.constant dense<0.000000e+00> : vector<100xf32>
    %reduce_sum3A_373 = vector.multi_reduction <add>, %select_n3A_371, %reduce_sum3A_372 [0] : vector<2000x100xf32> to vector<100xf32>
    %broadcast_in_dim3A_374 = vector.shape_cast %reduce_sum3A_373 : vector<100xf32> to vector<1x100xf32>
    %swap3A_375 = arith.constant 12 : index
    %swap3A_376 = arith.constant 0 : index
    %swap3A_377 = vector.load %arg14[%swap3A_375, %swap3A_376] : memref<16x100xf32, #tpu.memory_space<vmem>>, vector<1x100xf32>
    tpu.vector_store %arg14[%swap3A_375, %swap3A_376], %broadcast_in_dim3A_374 {strides = array<i32>} : memref<16x100xf32, #tpu.memory_space<vmem>>, vector<1x100xf32>,
    %jit3A_378 = arith.constant 0xFF800000 : f32
    %broadcast_in_dim3A_379 = vector.broadcast %jit3A_378 : f32 to vector<2000x100xf32>
    %select_n3A_380 = arith.select %and3A_362, %broadcast_in_dim3A_379, %select_n3A_348 : vector<2000x100xi1>, vector<2000x100xf32>
    %reduce_max3A_381 = arith.constant dense<0xFF800000> : vector<100xf32>
    %reduce_max3A_382 = vector.multi_reduction <maximumf>, %select_n3A_380, %reduce_max3A_381 [0] : vector<2000x100xf32> to vector<100xf32>
    %broadcast_in_dim3A_383 = vector.shape_cast %reduce_max3A_382 : vector<100xf32> to vector<1x100xf32>
    %eq3A_384 = vector.broadcast %broadcast_in_dim3A_383 : vector<1x100xf32> to vector<2000x100xf32>
    %eq3A_385 = arith.cmpf oeq, %select_n3A_380, %eq3A_384 : vector<2000x100xf32>
    %jit3A_386 = arith.constant 1073741824 : i32
    %broadcast_in_dim3A_387 = vector.broadcast %jit3A_386 : i32 to vector<2000x100xi32>
    %select_n3A_388 = arith.select %eq3A_385, %add3A_224, %broadcast_in_dim3A_387 : vector<2000x100xi1>, vector<2000x100xi32>
    %reduce_min3A_389 = arith.constant dense<2147483647> : vector<100xi32>
    %reduce_min3A_390 = vector.multi_reduction <minsi>, %select_n3A_388, %reduce_min3A_389 [0] : vector<2000x100xi32> to vector<100xi32>
    %broadcast_in_dim3A_391 = vector.shape_cast %reduce_min3A_390 : vector<100xi32> to vector<1x100xi32>
    %eq3A_392 = vector.broadcast %broadcast_in_dim3A_391 : vector<1x100xi32> to vector<2000x100xi32>
    %eq3A_393 = arith.cmpi eq, %add3A_224, %eq3A_392 : vector<2000x100xi32>
    %and3A_394 = arith.andi %eq3A_385, %eq3A_393 : vector<2000x100xi1>
    %swap3A_395 = arith.constant 13 : index
    %swap3A_396 = arith.constant 0 : index
    %swap3A_397 = vector.load %arg12[%swap3A_395, %swap3A_396] : memref<16x100xf32, #tpu.memory_space<vmem>>, vector<1x100xf32>
    tpu.vector_store %arg12[%swap3A_395, %swap3A_396], %broadcast_in_dim3A_383 {strides = array<i32>} : memref<16x100xf32, #tpu.memory_space<vmem>>, vector<1x100xf32>,
    %swap3A_398 = arith.constant 13 : index
    %swap3A_399 = arith.constant 0 : index
    %swap3A_400 = vector.load %arg13[%swap3A_398, %swap3A_399] : memref<16x100xi32, #tpu.memory_space<vmem>>, vector<1x100xi32>
    tpu.vector_store %arg13[%swap3A_398, %swap3A_399], %broadcast_in_dim3A_391 {strides = array<i32>} : memref<16x100xi32, #tpu.memory_space<vmem>>, vector<1x100xi32>,
    %jit3A_401 = arith.constant 0.000000e+00 : f32
    %broadcast_in_dim3A_402 = vector.broadcast %jit3A_401 : f32 to vector<2000x100xf32>
    %select_n3A_403 = arith.select %and3A_394, %div3A_143, %broadcast_in_dim3A_402 : vector<2000x100xi1>, vector<2000x100xf32>
    %reduce_sum3A_404 = arith.constant dense<0.000000e+00> : vector<100xf32>
    %reduce_sum3A_405 = vector.multi_reduction <add>, %select_n3A_403, %reduce_sum3A_404 [0] : vector<2000x100xf32> to vector<100xf32>
    %broadcast_in_dim3A_406 = vector.shape_cast %reduce_sum3A_405 : vector<100xf32> to vector<1x100xf32>
    %swap3A_407 = arith.constant 13 : index
    %swap3A_408 = arith.constant 0 : index
    %swap3A_409 = vector.load %arg14[%swap3A_407, %swap3A_408] : memref<16x100xf32, #tpu.memory_space<vmem>>, vector<1x100xf32>
    tpu.vector_store %arg14[%swap3A_407, %swap3A_408], %broadcast_in_dim3A_406 {strides = array<i32>} : memref<16x100xf32, #tpu.memory_space<vmem>>, vector<1x100xf32>,
    %jit3A_410 = arith.constant 0xFF800000 : f32
    %broadcast_in_dim3A_411 = vector.broadcast %jit3A_410 : f32 to vector<2000x100xf32>
    %select_n3A_412 = arith.select %and3A_394, %broadcast_in_dim3A_411, %select_n3A_380 : vector<2000x100xi1>, vector<2000x100xf32>
    %reduce_max3A_413 = arith.constant dense<0xFF800000> : vector<100xf32>
    %reduce_max3A_414 = vector.multi_reduction <maximumf>, %select_n3A_412, %reduce_max3A_413 [0] : vector<2000x100xf32> to vector<100xf32>
    %broadcast_in_dim3A_415 = vector.shape_cast %reduce_max3A_414 : vector<100xf32> to vector<1x100xf32>
    %eq3A_416 = vector.broadcast %broadcast_in_dim3A_415 : vector<1x100xf32> to vector<2000x100xf32>
    %eq3A_417 = arith.cmpf oeq, %select_n3A_412, %eq3A_416 : vector<2000x100xf32>
    %jit3A_418 = arith.constant 1073741824 : i32
    %broadcast_in_dim3A_419 = vector.broadcast %jit3A_418 : i32 to vector<2000x100xi32>
    %select_n3A_420 = arith.select %eq3A_417, %add3A_224, %broadcast_in_dim3A_419 : vector<2000x100xi1>, vector<2000x100xi32>
    %reduce_min3A_421 = arith.constant dense<2147483647> : vector<100xi32>
    %reduce_min3A_422 = vector.multi_reduction <minsi>, %select_n3A_420, %reduce_min3A_421 [0] : vector<2000x100xi32> to vector<100xi32>
    %broadcast_in_dim3A_423 = vector.shape_cast %reduce_min3A_422 : vector<100xi32> to vector<1x100xi32>
    %eq3A_424 = vector.broadcast %broadcast_in_dim3A_423 : vector<1x100xi32> to vector<2000x100xi32>
    %eq3A_425 = arith.cmpi eq, %add3A_224, %eq3A_424 : vector<2000x100xi32>
    %and3A_426 = arith.andi %eq3A_417, %eq3A_425 : vector<2000x100xi1>
    %swap3A_427 = arith.constant 14 : index
    %swap3A_428 = arith.constant 0 : index
    %swap3A_429 = vector.load %arg12[%swap3A_427, %swap3A_428] : memref<16x100xf32, #tpu.memory_space<vmem>>, vector<1x100xf32>
    tpu.vector_store %arg12[%swap3A_427, %swap3A_428], %broadcast_in_dim3A_415 {strides = array<i32>} : memref<16x100xf32, #tpu.memory_space<vmem>>, vector<1x100xf32>,
    %swap3A_430 = arith.constant 14 : index
    %swap3A_431 = arith.constant 0 : index
    %swap3A_432 = vector.load %arg13[%swap3A_430, %swap3A_431] : memref<16x100xi32, #tpu.memory_space<vmem>>, vector<1x100xi32>
    tpu.vector_store %arg13[%swap3A_430, %swap3A_431], %broadcast_in_dim3A_423 {strides = array<i32>} : memref<16x100xi32, #tpu.memory_space<vmem>>, vector<1x100xi32>,
    %jit3A_433 = arith.constant 0.000000e+00 : f32
    %broadcast_in_dim3A_434 = vector.broadcast %jit3A_433 : f32 to vector<2000x100xf32>
    %select_n3A_435 = arith.select %and3A_426, %div3A_143, %broadcast_in_dim3A_434 : vector<2000x100xi1>, vector<2000x100xf32>
    %reduce_sum3A_436 = arith.constant dense<0.000000e+00> : vector<100xf32>
    %reduce_sum3A_437 = vector.multi_reduction <add>, %select_n3A_435, %reduce_sum3A_436 [0] : vector<2000x100xf32> to vector<100xf32>
    %broadcast_in_dim3A_438 = vector.shape_cast %reduce_sum3A_437 : vector<100xf32> to vector<1x100xf32>
    %swap3A_439 = arith.constant 14 : index
    %swap3A_440 = arith.constant 0 : index
    %swap3A_441 = vector.load %arg14[%swap3A_439, %swap3A_440] : memref<16x100xf32, #tpu.memory_space<vmem>>, vector<1x100xf32>
    tpu.vector_store %arg14[%swap3A_439, %swap3A_440], %broadcast_in_dim3A_438 {strides = array<i32>} : memref<16x100xf32, #tpu.memory_space<vmem>>, vector<1x100xf32>,
    %jit3A_442 = arith.constant 0xFF800000 : f32
    %broadcast_in_dim3A_443 = vector.broadcast %jit3A_442 : f32 to vector<2000x100xf32>
    %select_n3A_444 = arith.select %and3A_426, %broadcast_in_dim3A_443, %select_n3A_412 : vector<2000x100xi1>, vector<2000x100xf32>
    %reduce_max3A_445 = arith.constant dense<0xFF800000> : vector<100xf32>
    %reduce_max3A_446 = vector.multi_reduction <maximumf>, %select_n3A_444, %reduce_max3A_445 [0] : vector<2000x100xf32> to vector<100xf32>
    %broadcast_in_dim3A_447 = vector.shape_cast %reduce_max3A_446 : vector<100xf32> to vector<1x100xf32>
    %eq3A_448 = vector.broadcast %broadcast_in_dim3A_447 : vector<1x100xf32> to vector<2000x100xf32>
    %eq3A_449 = arith.cmpf oeq, %select_n3A_444, %eq3A_448 : vector<2000x100xf32>
    %jit3A_450 = arith.constant 1073741824 : i32
    %broadcast_in_dim3A_451 = vector.broadcast %jit3A_450 : i32 to vector<2000x100xi32>
    %select_n3A_452 = arith.select %eq3A_449, %add3A_224, %broadcast_in_dim3A_451 : vector<2000x100xi1>, vector<2000x100xi32>
    %reduce_min3A_453 = arith.constant dense<2147483647> : vector<100xi32>
    %reduce_min3A_454 = vector.multi_reduction <minsi>, %select_n3A_452, %reduce_min3A_453 [0] : vector<2000x100xi32> to vector<100xi32>
    %broadcast_in_dim3A_455 = vector.shape_cast %reduce_min3A_454 : vector<100xi32> to vector<1x100xi32>
    %eq3A_456 = vector.broadcast %broadcast_in_dim3A_455 : vector<1x100xi32> to vector<2000x100xi32>
    %eq3A_457 = arith.cmpi eq, %add3A_224, %eq3A_456 : vector<2000x100xi32>
    %and3A_458 = arith.andi %eq3A_449, %eq3A_457 : vector<2000x100xi1>
    %swap3A_459 = arith.constant 15 : index
    %swap3A_460 = arith.constant 0 : index
    %swap3A_461 = vector.load %arg12[%swap3A_459, %swap3A_460] : memref<16x100xf32, #tpu.memory_space<vmem>>, vector<1x100xf32>
    tpu.vector_store %arg12[%swap3A_459, %swap3A_460], %broadcast_in_dim3A_447 {strides = array<i32>} : memref<16x100xf32, #tpu.memory_space<vmem>>, vector<1x100xf32>,
    %swap3A_462 = arith.constant 15 : index
    %swap3A_463 = arith.constant 0 : index
    %swap3A_464 = vector.load %arg13[%swap3A_462, %swap3A_463] : memref<16x100xi32, #tpu.memory_space<vmem>>, vector<1x100xi32>
    tpu.vector_store %arg13[%swap3A_462, %swap3A_463], %broadcast_in_dim3A_455 {strides = array<i32>} : memref<16x100xi32, #tpu.memory_space<vmem>>, vector<1x100xi32>,
    %jit3A_465 = arith.constant 0.000000e+00 : f32
    %broadcast_in_dim3A_466 = vector.broadcast %jit3A_465 : f32 to vector<2000x100xf32>
    %select_n3A_467 = arith.select %and3A_458, %div3A_143, %broadcast_in_dim3A_466 : vector<2000x100xi1>, vector<2000x100xf32>
    %reduce_sum3A_468 = arith.constant dense<0.000000e+00> : vector<100xf32>
    %reduce_sum3A_469 = vector.multi_reduction <add>, %select_n3A_467, %reduce_sum3A_468 [0] : vector<2000x100xf32> to vector<100xf32>
    %broadcast_in_dim3A_470 = vector.shape_cast %reduce_sum3A_469 : vector<100xf32> to vector<1x100xf32>
    %swap3A_471 = arith.constant 15 : index
    %swap3A_472 = arith.constant 0 : index
    %swap3A_473 = vector.load %arg14[%swap3A_471, %swap3A_472] : memref<16x100xf32, #tpu.memory_space<vmem>>, vector<1x100xf32>
    tpu.vector_store %arg14[%swap3A_471, %swap3A_472], %broadcast_in_dim3A_470 {strides = array<i32>} : memref<16x100xf32, #tpu.memory_space<vmem>>, vector<1x100xf32>,
    %eq3A_474 = arith.constant 0 : i32
    %eq3A_475 = arith.cmpi eq, %arg0, %eq3A_474 : i32
    %convert_element_type3A = arith.extui %eq3A_475 : i1 to i32
    %cond3A = arith.constant 0 : i32
    %cond3A_476 = arith.cmpi ne, %convert_element_type3A, %cond3A : i32
    scf.if %cond3A_476 {
      %broadcast_in_dim3A_683 = arith.constant 0xFF800000 : f32
      %broadcast_in_dim3A_684 = vector.broadcast %broadcast_in_dim3A_683 : f32 to vector<8x100xf32>
      %swap3A_685 = arith.constant 0 : index
      %swap3A_686 = arith.constant 0 : index
      %swap3A_687 = vector.load %arg12[%swap3A_685, %swap3A_686] : memref<16x100xf32, #tpu.memory_space<vmem>>, vector<8x100xf32>
      tpu.vector_store %arg12[%swap3A_685, %swap3A_686], %broadcast_in_dim3A_684 {strides = array<i32>} : memref<16x100xf32, #tpu.memory_space<vmem>>, vector<8x100xf32>,
      %broadcast_in_dim3A_688 = arith.constant 1073741824 : i32
      %broadcast_in_dim3A_689 = vector.broadcast %broadcast_in_dim3A_688 : i32 to vector<8x100xi32>
      %swap3A_690 = arith.constant 0 : index
      %swap3A_691 = arith.constant 0 : index
      %swap3A_692 = vector.load %arg13[%swap3A_690, %swap3A_691] : memref<16x100xi32, #tpu.memory_space<vmem>>, vector<8x100xi32>
      tpu.vector_store %arg13[%swap3A_690, %swap3A_691], %broadcast_in_dim3A_689 {strides = array<i32>} : memref<16x100xi32, #tpu.memory_space<vmem>>, vector<8x100xi32>,
      %broadcast_in_dim3A_693 = arith.constant 0.000000e+00 : f32
      %broadcast_in_dim3A_694 = vector.broadcast %broadcast_in_dim3A_693 : f32 to vector<8x100xf32>
      %swap3A_695 = arith.constant 0 : index
      %swap3A_696 = arith.constant 0 : index
      %swap3A_697 = vector.load %arg14[%swap3A_695, %swap3A_696] : memref<16x100xf32, #tpu.memory_space<vmem>>, vector<8x100xf32>
      tpu.vector_store %arg14[%swap3A_695, %swap3A_696], %broadcast_in_dim3A_694 {strides = array<i32>} : memref<16x100xf32, #tpu.memory_space<vmem>>, vector<8x100xf32>,
    } else {
    }
    %get3A_477 = arith.constant 0 : index
    %get3A_478 = arith.constant 0 : index
    %get3A_479 = vector.load %arg12[%get3A_477, %get3A_478] : memref<16x100xf32, #tpu.memory_space<vmem>>, vector<16x100xf32>
    %get3A_480 = arith.constant 0 : index
    %get3A_481 = arith.constant 0 : index
    %get3A_482 = vector.load %arg13[%get3A_480, %get3A_481] : memref<16x100xi32, #tpu.memory_space<vmem>>, vector<16x100xi32>
    %get3A_483 = arith.constant 0 : index
    %get3A_484 = arith.constant 0 : index
    %get3A_485 = vector.load %arg14[%get3A_483, %get3A_484] : memref<16x100xf32, #tpu.memory_space<vmem>>, vector<16x100xf32>
    %reduce_max3A_486 = arith.constant dense<0xFF800000> : vector<100xf32>
    %reduce_max3A_487 = vector.multi_reduction <maximumf>, %get3A_479, %reduce_max3A_486 [0] : vector<16x100xf32> to vector<100xf32>
    %broadcast_in_dim3A_488 = vector.shape_cast %reduce_max3A_487 : vector<100xf32> to vector<1x100xf32>
    %eq3A_489 = vector.broadcast %broadcast_in_dim3A_488 : vector<1x100xf32> to vector<16x100xf32>
    %eq3A_490 = arith.cmpf oeq, %get3A_479, %eq3A_489 : vector<16x100xf32>
    %jit3A_491 = arith.constant 1073741824 : i32
    %broadcast_in_dim3A_492 = vector.broadcast %jit3A_491 : i32 to vector<16x100xi32>
    %select_n3A_493 = arith.select %eq3A_490, %get3A_482, %broadcast_in_dim3A_492 : vector<16x100xi1>, vector<16x100xi32>
    %reduce_min3A_494 = arith.constant dense<2147483647> : vector<100xi32>
    %reduce_min3A_495 = vector.multi_reduction <minsi>, %select_n3A_493, %reduce_min3A_494 [0] : vector<16x100xi32> to vector<100xi32>
    %broadcast_in_dim3A_496 = vector.shape_cast %reduce_min3A_495 : vector<100xi32> to vector<1x100xi32>
    %eq3A_497 = vector.broadcast %broadcast_in_dim3A_496 : vector<1x100xi32> to vector<16x100xi32>
    %eq3A_498 = arith.cmpi eq, %get3A_482, %eq3A_497 : vector<16x100xi32>
    %and3A_499 = arith.andi %eq3A_490, %eq3A_498 : vector<16x100xi1>
    %jit3A_500 = arith.constant 0.000000e+00 : f32
    %broadcast_in_dim3A_501 = vector.broadcast %jit3A_500 : f32 to vector<16x100xf32>
    %select_n3A_502 = arith.select %and3A_499, %get3A_485, %broadcast_in_dim3A_501 : vector<16x100xi1>, vector<16x100xf32>
    %reduce_sum3A_503 = arith.constant dense<0.000000e+00> : vector<100xf32>
    %reduce_sum3A_504 = vector.multi_reduction <add>, %select_n3A_502, %reduce_sum3A_503 [0] : vector<16x100xf32> to vector<100xf32>
    %broadcast_in_dim3A_505 = vector.shape_cast %reduce_sum3A_504 : vector<100xf32> to vector<1x100xf32>
    %jit3A_506 = arith.constant 0xFF800000 : f32
    %broadcast_in_dim3A_507 = vector.broadcast %jit3A_506 : f32 to vector<16x100xf32>
    %select_n3A_508 = arith.select %and3A_499, %broadcast_in_dim3A_507, %get3A_479 : vector<16x100xi1>, vector<16x100xf32>
    %reduce_max3A_509 = arith.constant dense<0xFF800000> : vector<100xf32>
    %reduce_max3A_510 = vector.multi_reduction <maximumf>, %select_n3A_508, %reduce_max3A_509 [0] : vector<16x100xf32> to vector<100xf32>
    %broadcast_in_dim3A_511 = vector.shape_cast %reduce_max3A_510 : vector<100xf32> to vector<1x100xf32>
    %eq3A_512 = vector.broadcast %broadcast_in_dim3A_511 : vector<1x100xf32> to vector<16x100xf32>
    %eq3A_513 = arith.cmpf oeq, %select_n3A_508, %eq3A_512 : vector<16x100xf32>
    %jit3A_514 = arith.constant 1073741824 : i32
    %broadcast_in_dim3A_515 = vector.broadcast %jit3A_514 : i32 to vector<16x100xi32>
    %select_n3A_516 = arith.select %eq3A_513, %get3A_482, %broadcast_in_dim3A_515 : vector<16x100xi1>, vector<16x100xi32>
    %reduce_min3A_517 = arith.constant dense<2147483647> : vector<100xi32>
    %reduce_min3A_518 = vector.multi_reduction <minsi>, %select_n3A_516, %reduce_min3A_517 [0] : vector<16x100xi32> to vector<100xi32>
    %broadcast_in_dim3A_519 = vector.shape_cast %reduce_min3A_518 : vector<100xi32> to vector<1x100xi32>
    %eq3A_520 = vector.broadcast %broadcast_in_dim3A_519 : vector<1x100xi32> to vector<16x100xi32>
    %eq3A_521 = arith.cmpi eq, %get3A_482, %eq3A_520 : vector<16x100xi32>
    %and3A_522 = arith.andi %eq3A_513, %eq3A_521 : vector<16x100xi1>
    %jit3A_523 = arith.constant 0.000000e+00 : f32
    %broadcast_in_dim3A_524 = vector.broadcast %jit3A_523 : f32 to vector<16x100xf32>
    %select_n3A_525 = arith.select %and3A_522, %get3A_485, %broadcast_in_dim3A_524 : vector<16x100xi1>, vector<16x100xf32>
    %reduce_sum3A_526 = arith.constant dense<0.000000e+00> : vector<100xf32>
    %reduce_sum3A_527 = vector.multi_reduction <add>, %select_n3A_525, %reduce_sum3A_526 [0] : vector<16x100xf32> to vector<100xf32>
    %broadcast_in_dim3A_528 = vector.shape_cast %reduce_sum3A_527 : vector<100xf32> to vector<1x100xf32>
    %jit3A_529 = arith.constant 0xFF800000 : f32
    %broadcast_in_dim3A_530 = vector.broadcast %jit3A_529 : f32 to vector<16x100xf32>
    %select_n3A_531 = arith.select %and3A_522, %broadcast_in_dim3A_530, %select_n3A_508 : vector<16x100xi1>, vector<16x100xf32>
    %reduce_max3A_532 = arith.constant dense<0xFF800000> : vector<100xf32>
    %reduce_max3A_533 = vector.multi_reduction <maximumf>, %select_n3A_531, %reduce_max3A_532 [0] : vector<16x100xf32> to vector<100xf32>
    %broadcast_in_dim3A_534 = vector.shape_cast %reduce_max3A_533 : vector<100xf32> to vector<1x100xf32>
    %eq3A_535 = vector.broadcast %broadcast_in_dim3A_534 : vector<1x100xf32> to vector<16x100xf32>
    %eq3A_536 = arith.cmpf oeq, %select_n3A_531, %eq3A_535 : vector<16x100xf32>
    %jit3A_537 = arith.constant 1073741824 : i32
    %broadcast_in_dim3A_538 = vector.broadcast %jit3A_537 : i32 to vector<16x100xi32>
    %select_n3A_539 = arith.select %eq3A_536, %get3A_482, %broadcast_in_dim3A_538 : vector<16x100xi1>, vector<16x100xi32>
    %reduce_min3A_540 = arith.constant dense<2147483647> : vector<100xi32>
    %reduce_min3A_541 = vector.multi_reduction <minsi>, %select_n3A_539, %reduce_min3A_540 [0] : vector<16x100xi32> to vector<100xi32>
    %broadcast_in_dim3A_542 = vector.shape_cast %reduce_min3A_541 : vector<100xi32> to vector<1x100xi32>
    %eq3A_543 = vector.broadcast %broadcast_in_dim3A_542 : vector<1x100xi32> to vector<16x100xi32>
    %eq3A_544 = arith.cmpi eq, %get3A_482, %eq3A_543 : vector<16x100xi32>
    %and3A_545 = arith.andi %eq3A_536, %eq3A_544 : vector<16x100xi1>
    %jit3A_546 = arith.constant 0.000000e+00 : f32
    %broadcast_in_dim3A_547 = vector.broadcast %jit3A_546 : f32 to vector<16x100xf32>
    %select_n3A_548 = arith.select %and3A_545, %get3A_485, %broadcast_in_dim3A_547 : vector<16x100xi1>, vector<16x100xf32>
    %reduce_sum3A_549 = arith.constant dense<0.000000e+00> : vector<100xf32>
    %reduce_sum3A_550 = vector.multi_reduction <add>, %select_n3A_548, %reduce_sum3A_549 [0] : vector<16x100xf32> to vector<100xf32>
    %broadcast_in_dim3A_551 = vector.shape_cast %reduce_sum3A_550 : vector<100xf32> to vector<1x100xf32>
    %jit3A_552 = arith.constant 0xFF800000 : f32
    %broadcast_in_dim3A_553 = vector.broadcast %jit3A_552 : f32 to vector<16x100xf32>
    %select_n3A_554 = arith.select %and3A_545, %broadcast_in_dim3A_553, %select_n3A_531 : vector<16x100xi1>, vector<16x100xf32>
    %reduce_max3A_555 = arith.constant dense<0xFF800000> : vector<100xf32>
    %reduce_max3A_556 = vector.multi_reduction <maximumf>, %select_n3A_554, %reduce_max3A_555 [0] : vector<16x100xf32> to vector<100xf32>
    %broadcast_in_dim3A_557 = vector.shape_cast %reduce_max3A_556 : vector<100xf32> to vector<1x100xf32>
    %eq3A_558 = vector.broadcast %broadcast_in_dim3A_557 : vector<1x100xf32> to vector<16x100xf32>
    %eq3A_559 = arith.cmpf oeq, %select_n3A_554, %eq3A_558 : vector<16x100xf32>
    %jit3A_560 = arith.constant 1073741824 : i32
    %broadcast_in_dim3A_561 = vector.broadcast %jit3A_560 : i32 to vector<16x100xi32>
    %select_n3A_562 = arith.select %eq3A_559, %get3A_482, %broadcast_in_dim3A_561 : vector<16x100xi1>, vector<16x100xi32>
    %reduce_min3A_563 = arith.constant dense<2147483647> : vector<100xi32>
    %reduce_min3A_564 = vector.multi_reduction <minsi>, %select_n3A_562, %reduce_min3A_563 [0] : vector<16x100xi32> to vector<100xi32>
    %broadcast_in_dim3A_565 = vector.shape_cast %reduce_min3A_564 : vector<100xi32> to vector<1x100xi32>
    %eq3A_566 = vector.broadcast %broadcast_in_dim3A_565 : vector<1x100xi32> to vector<16x100xi32>
    %eq3A_567 = arith.cmpi eq, %get3A_482, %eq3A_566 : vector<16x100xi32>
    %and3A_568 = arith.andi %eq3A_559, %eq3A_567 : vector<16x100xi1>
    %jit3A_569 = arith.constant 0.000000e+00 : f32
    %broadcast_in_dim3A_570 = vector.broadcast %jit3A_569 : f32 to vector<16x100xf32>
    %select_n3A_571 = arith.select %and3A_568, %get3A_485, %broadcast_in_dim3A_570 : vector<16x100xi1>, vector<16x100xf32>
    %reduce_sum3A_572 = arith.constant dense<0.000000e+00> : vector<100xf32>
    %reduce_sum3A_573 = vector.multi_reduction <add>, %select_n3A_571, %reduce_sum3A_572 [0] : vector<16x100xf32> to vector<100xf32>
    %broadcast_in_dim3A_574 = vector.shape_cast %reduce_sum3A_573 : vector<100xf32> to vector<1x100xf32>
    %jit3A_575 = arith.constant 0xFF800000 : f32
    %broadcast_in_dim3A_576 = vector.broadcast %jit3A_575 : f32 to vector<16x100xf32>
    %select_n3A_577 = arith.select %and3A_568, %broadcast_in_dim3A_576, %select_n3A_554 : vector<16x100xi1>, vector<16x100xf32>
    %reduce_max3A_578 = arith.constant dense<0xFF800000> : vector<100xf32>
    %reduce_max3A_579 = vector.multi_reduction <maximumf>, %select_n3A_577, %reduce_max3A_578 [0] : vector<16x100xf32> to vector<100xf32>
    %broadcast_in_dim3A_580 = vector.shape_cast %reduce_max3A_579 : vector<100xf32> to vector<1x100xf32>
    %eq3A_581 = vector.broadcast %broadcast_in_dim3A_580 : vector<1x100xf32> to vector<16x100xf32>
    %eq3A_582 = arith.cmpf oeq, %select_n3A_577, %eq3A_581 : vector<16x100xf32>
    %jit3A_583 = arith.constant 1073741824 : i32
    %broadcast_in_dim3A_584 = vector.broadcast %jit3A_583 : i32 to vector<16x100xi32>
    %select_n3A_585 = arith.select %eq3A_582, %get3A_482, %broadcast_in_dim3A_584 : vector<16x100xi1>, vector<16x100xi32>
    %reduce_min3A_586 = arith.constant dense<2147483647> : vector<100xi32>
    %reduce_min3A_587 = vector.multi_reduction <minsi>, %select_n3A_585, %reduce_min3A_586 [0] : vector<16x100xi32> to vector<100xi32>
    %broadcast_in_dim3A_588 = vector.shape_cast %reduce_min3A_587 : vector<100xi32> to vector<1x100xi32>
    %eq3A_589 = vector.broadcast %broadcast_in_dim3A_588 : vector<1x100xi32> to vector<16x100xi32>
    %eq3A_590 = arith.cmpi eq, %get3A_482, %eq3A_589 : vector<16x100xi32>
    %and3A_591 = arith.andi %eq3A_582, %eq3A_590 : vector<16x100xi1>
    %jit3A_592 = arith.constant 0.000000e+00 : f32
    %broadcast_in_dim3A_593 = vector.broadcast %jit3A_592 : f32 to vector<16x100xf32>
    %select_n3A_594 = arith.select %and3A_591, %get3A_485, %broadcast_in_dim3A_593 : vector<16x100xi1>, vector<16x100xf32>
    %reduce_sum3A_595 = arith.constant dense<0.000000e+00> : vector<100xf32>
    %reduce_sum3A_596 = vector.multi_reduction <add>, %select_n3A_594, %reduce_sum3A_595 [0] : vector<16x100xf32> to vector<100xf32>
    %broadcast_in_dim3A_597 = vector.shape_cast %reduce_sum3A_596 : vector<100xf32> to vector<1x100xf32>
    %jit3A_598 = arith.constant 0xFF800000 : f32
    %broadcast_in_dim3A_599 = vector.broadcast %jit3A_598 : f32 to vector<16x100xf32>
    %select_n3A_600 = arith.select %and3A_591, %broadcast_in_dim3A_599, %select_n3A_577 : vector<16x100xi1>, vector<16x100xf32>
    %reduce_max3A_601 = arith.constant dense<0xFF800000> : vector<100xf32>
    %reduce_max3A_602 = vector.multi_reduction <maximumf>, %select_n3A_600, %reduce_max3A_601 [0] : vector<16x100xf32> to vector<100xf32>
    %broadcast_in_dim3A_603 = vector.shape_cast %reduce_max3A_602 : vector<100xf32> to vector<1x100xf32>
    %eq3A_604 = vector.broadcast %broadcast_in_dim3A_603 : vector<1x100xf32> to vector<16x100xf32>
    %eq3A_605 = arith.cmpf oeq, %select_n3A_600, %eq3A_604 : vector<16x100xf32>
    %jit3A_606 = arith.constant 1073741824 : i32
    %broadcast_in_dim3A_607 = vector.broadcast %jit3A_606 : i32 to vector<16x100xi32>
    %select_n3A_608 = arith.select %eq3A_605, %get3A_482, %broadcast_in_dim3A_607 : vector<16x100xi1>, vector<16x100xi32>
    %reduce_min3A_609 = arith.constant dense<2147483647> : vector<100xi32>
    %reduce_min3A_610 = vector.multi_reduction <minsi>, %select_n3A_608, %reduce_min3A_609 [0] : vector<16x100xi32> to vector<100xi32>
    %broadcast_in_dim3A_611 = vector.shape_cast %reduce_min3A_610 : vector<100xi32> to vector<1x100xi32>
    %eq3A_612 = vector.broadcast %broadcast_in_dim3A_611 : vector<1x100xi32> to vector<16x100xi32>
    %eq3A_613 = arith.cmpi eq, %get3A_482, %eq3A_612 : vector<16x100xi32>
    %and3A_614 = arith.andi %eq3A_605, %eq3A_613 : vector<16x100xi1>
    %jit3A_615 = arith.constant 0.000000e+00 : f32
    %broadcast_in_dim3A_616 = vector.broadcast %jit3A_615 : f32 to vector<16x100xf32>
    %select_n3A_617 = arith.select %and3A_614, %get3A_485, %broadcast_in_dim3A_616 : vector<16x100xi1>, vector<16x100xf32>
    %reduce_sum3A_618 = arith.constant dense<0.000000e+00> : vector<100xf32>
    %reduce_sum3A_619 = vector.multi_reduction <add>, %select_n3A_617, %reduce_sum3A_618 [0] : vector<16x100xf32> to vector<100xf32>
    %broadcast_in_dim3A_620 = vector.shape_cast %reduce_sum3A_619 : vector<100xf32> to vector<1x100xf32>
    %jit3A_621 = arith.constant 0xFF800000 : f32
    %broadcast_in_dim3A_622 = vector.broadcast %jit3A_621 : f32 to vector<16x100xf32>
    %select_n3A_623 = arith.select %and3A_614, %broadcast_in_dim3A_622, %select_n3A_600 : vector<16x100xi1>, vector<16x100xf32>
    %reduce_max3A_624 = arith.constant dense<0xFF800000> : vector<100xf32>
    %reduce_max3A_625 = vector.multi_reduction <maximumf>, %select_n3A_623, %reduce_max3A_624 [0] : vector<16x100xf32> to vector<100xf32>
    %broadcast_in_dim3A_626 = vector.shape_cast %reduce_max3A_625 : vector<100xf32> to vector<1x100xf32>
    %eq3A_627 = vector.broadcast %broadcast_in_dim3A_626 : vector<1x100xf32> to vector<16x100xf32>
    %eq3A_628 = arith.cmpf oeq, %select_n3A_623, %eq3A_627 : vector<16x100xf32>
    %jit3A_629 = arith.constant 1073741824 : i32
    %broadcast_in_dim3A_630 = vector.broadcast %jit3A_629 : i32 to vector<16x100xi32>
    %select_n3A_631 = arith.select %eq3A_628, %get3A_482, %broadcast_in_dim3A_630 : vector<16x100xi1>, vector<16x100xi32>
    %reduce_min3A_632 = arith.constant dense<2147483647> : vector<100xi32>
    %reduce_min3A_633 = vector.multi_reduction <minsi>, %select_n3A_631, %reduce_min3A_632 [0] : vector<16x100xi32> to vector<100xi32>
    %broadcast_in_dim3A_634 = vector.shape_cast %reduce_min3A_633 : vector<100xi32> to vector<1x100xi32>
    %eq3A_635 = vector.broadcast %broadcast_in_dim3A_634 : vector<1x100xi32> to vector<16x100xi32>
    %eq3A_636 = arith.cmpi eq, %get3A_482, %eq3A_635 : vector<16x100xi32>
    %and3A_637 = arith.andi %eq3A_628, %eq3A_636 : vector<16x100xi1>
    %jit3A_638 = arith.constant 0.000000e+00 : f32
    %broadcast_in_dim3A_639 = vector.broadcast %jit3A_638 : f32 to vector<16x100xf32>
    %select_n3A_640 = arith.select %and3A_637, %get3A_485, %broadcast_in_dim3A_639 : vector<16x100xi1>, vector<16x100xf32>
    %reduce_sum3A_641 = arith.constant dense<0.000000e+00> : vector<100xf32>
    %reduce_sum3A_642 = vector.multi_reduction <add>, %select_n3A_640, %reduce_sum3A_641 [0] : vector<16x100xf32> to vector<100xf32>
    %broadcast_in_dim3A_643 = vector.shape_cast %reduce_sum3A_642 : vector<100xf32> to vector<1x100xf32>
    %jit3A_644 = arith.constant 0xFF800000 : f32
    %broadcast_in_dim3A_645 = vector.broadcast %jit3A_644 : f32 to vector<16x100xf32>
    %select_n3A_646 = arith.select %and3A_637, %broadcast_in_dim3A_645, %select_n3A_623 : vector<16x100xi1>, vector<16x100xf32>
    %reduce_max3A_647 = arith.constant dense<0xFF800000> : vector<100xf32>
    %reduce_max3A_648 = vector.multi_reduction <maximumf>, %select_n3A_646, %reduce_max3A_647 [0] : vector<16x100xf32> to vector<100xf32>
    %broadcast_in_dim3A_649 = vector.shape_cast %reduce_max3A_648 : vector<100xf32> to vector<1x100xf32>
    %eq3A_650 = vector.broadcast %broadcast_in_dim3A_649 : vector<1x100xf32> to vector<16x100xf32>
    %eq3A_651 = arith.cmpf oeq, %select_n3A_646, %eq3A_650 : vector<16x100xf32>
    %jit3A_652 = arith.constant 1073741824 : i32
    %broadcast_in_dim3A_653 = vector.broadcast %jit3A_652 : i32 to vector<16x100xi32>
    %select_n3A_654 = arith.select %eq3A_651, %get3A_482, %broadcast_in_dim3A_653 : vector<16x100xi1>, vector<16x100xi32>
    %reduce_min3A_655 = arith.constant dense<2147483647> : vector<100xi32>
    %reduce_min3A_656 = vector.multi_reduction <minsi>, %select_n3A_654, %reduce_min3A_655 [0] : vector<16x100xi32> to vector<100xi32>
    %broadcast_in_dim3A_657 = vector.shape_cast %reduce_min3A_656 : vector<100xi32> to vector<1x100xi32>
    %eq3A_658 = vector.broadcast %broadcast_in_dim3A_657 : vector<1x100xi32> to vector<16x100xi32>
    %eq3A_659 = arith.cmpi eq, %get3A_482, %eq3A_658 : vector<16x100xi32>
    %and3A_660 = arith.andi %eq3A_651, %eq3A_659 : vector<16x100xi1>
    %jit3A_661 = arith.constant 0.000000e+00 : f32
    %broadcast_in_dim3A_662 = vector.broadcast %jit3A_661 : f32 to vector<16x100xf32>
    %select_n3A_663 = arith.select %and3A_660, %get3A_485, %broadcast_in_dim3A_662 : vector<16x100xi1>, vector<16x100xf32>
    %reduce_sum3A_664 = arith.constant dense<0.000000e+00> : vector<100xf32>
    %reduce_sum3A_665 = vector.multi_reduction <add>, %select_n3A_663, %reduce_sum3A_664 [0] : vector<16x100xf32> to vector<100xf32>
    %broadcast_in_dim3A_666 = vector.shape_cast %reduce_sum3A_665 : vector<100xf32> to vector<1x100xf32>
    %concatenate3A = tpu.concatenate %broadcast_in_dim3A_488, %broadcast_in_dim3A_511, %broadcast_in_dim3A_534, %broadcast_in_dim3A_557, %broadcast_in_dim3A_580, %broadcast_in_dim3A_603, %broadcast_in_dim3A_626, %broadcast_in_dim3A_649 in 0 : vector<1x100xf32>, vector<1x100xf32>, vector<1x100xf32>, vector<1x100xf32>, vector<1x100xf32>, vector<1x100xf32>, vector<1x100xf32>, vector<1x100xf32> -> vector<8x100xf32>
    %concatenate3A_667 = tpu.concatenate %broadcast_in_dim3A_496, %broadcast_in_dim3A_519, %broadcast_in_dim3A_542, %broadcast_in_dim3A_565, %broadcast_in_dim3A_588, %broadcast_in_dim3A_611, %broadcast_in_dim3A_634, %broadcast_in_dim3A_657 in 0 : vector<1x100xi32>, vector<1x100xi32>, vector<1x100xi32>, vector<1x100xi32>, vector<1x100xi32>, vector<1x100xi32>, vector<1x100xi32>, vector<1x100xi32> -> vector<8x100xi32>
    %concatenate3A_668 = tpu.concatenate %broadcast_in_dim3A_505, %broadcast_in_dim3A_528, %broadcast_in_dim3A_551, %broadcast_in_dim3A_574, %broadcast_in_dim3A_597, %broadcast_in_dim3A_620, %broadcast_in_dim3A_643, %broadcast_in_dim3A_666 in 0 : vector<1x100xf32>, vector<1x100xf32>, vector<1x100xf32>, vector<1x100xf32>, vector<1x100xf32>, vector<1x100xf32>, vector<1x100xf32>, vector<1x100xf32> -> vector<8x100xf32>
    %swap3A_669 = arith.constant 0 : index
    %swap3A_670 = arith.constant 0 : index
    %swap3A_671 = vector.load %arg12[%swap3A_669, %swap3A_670] : memref<16x100xf32, #tpu.memory_space<vmem>>, vector<8x100xf32>
    tpu.vector_store %arg12[%swap3A_669, %swap3A_670], %concatenate3A {strides = array<i32>} : memref<16x100xf32, #tpu.memory_space<vmem>>, vector<8x100xf32>,
    %swap3A_672 = arith.constant 0 : index
    %swap3A_673 = arith.constant 0 : index
    %swap3A_674 = vector.load %arg13[%swap3A_672, %swap3A_673] : memref<16x100xi32, #tpu.memory_space<vmem>>, vector<8x100xi32>
    tpu.vector_store %arg13[%swap3A_672, %swap3A_673], %concatenate3A_667 {strides = array<i32>} : memref<16x100xi32, #tpu.memory_space<vmem>>, vector<8x100xi32>,
    %swap3A_675 = arith.constant 0 : index
    %swap3A_676 = arith.constant 0 : index
    %swap3A_677 = vector.load %arg14[%swap3A_675, %swap3A_676] : memref<16x100xf32, #tpu.memory_space<vmem>>, vector<8x100xf32>
    tpu.vector_store %arg14[%swap3A_675, %swap3A_676], %concatenate3A_668 {strides = array<i32>} : memref<16x100xf32, #tpu.memory_space<vmem>>, vector<8x100xf32>,
    %eq3A_678 = arith.constant 9 : i32
    %eq3A_679 = arith.cmpi eq, %arg0, %eq3A_678 : i32
    %convert_element_type3A_680 = arith.extui %eq3A_679 : i1 to i32
    %cond3A_681 = arith.constant 0 : i32
    %cond3A_682 = arith.cmpi ne, %convert_element_type3A_680, %cond3A_681 : i32
    scf.if %cond3A_682 {
      %swap3A_683 = arith.constant 0 : index
      %swap3A_684 = arith.constant 0 : index
      %swap3A_685 = vector.load %arg9[%swap3A_683, %swap3A_684] : memref<8x100xf32, #tpu.memory_space<vmem>>, vector<8x100xf32>
      tpu.vector_store %arg9[%swap3A_683, %swap3A_684], %concatenate3A {strides = array<i32>} : memref<8x100xf32, #tpu.memory_space<vmem>>, vector<8x100xf32>,
      %swap3A_686 = arith.constant 0 : index
      %swap3A_687 = arith.constant 0 : index
      %swap3A_688 = vector.load %arg10[%swap3A_686, %swap3A_687] : memref<8x100xi32, #tpu.memory_space<vmem>>, vector<8x100xi32>
      tpu.vector_store %arg10[%swap3A_686, %swap3A_687], %concatenate3A_667 {strides = array<i32>} : memref<8x100xi32, #tpu.memory_space<vmem>>, vector<8x100xi32>,
      %swap3A_689 = arith.constant 0 : index
      %swap3A_690 = arith.constant 0 : index
      %swap3A_691 = vector.load %arg11[%swap3A_689, %swap3A_690] : memref<8x100xf32, #tpu.memory_space<vmem>>, vector<8x100xf32>
      tpu.vector_store %arg11[%swap3A_689, %swap3A_690], %concatenate3A_668 {strides = array<i32>} : memref<8x100xf32, #tpu.memory_space<vmem>>, vector<8x100xf32>,
    } else {
    }
    return
  }
  func.func @transform_0(%arg0: i32) -> (i32, i32) {
    %c0_i32 = arith.constant 0 : i32
    %c0_i32_0 = arith.constant 0 : i32
    return %arg0, %c0_i32 : i32, i32
  }
  func.func @transform_1(%arg0: i32) -> (i32, i32) {
    %c0_i32 = arith.constant 0 : i32
    %c0_i32_0 = arith.constant 0 : i32
    return %arg0, %c0_i32 : i32, i32
  }
  func.func @transform_2(%arg0: i32) -> (i32, i32) {
    %c0_i32 = arith.constant 0 : i32
    %c0_i32_0 = arith.constant 0 : i32
    return %arg0, %c0_i32 : i32, i32
  }
  func.func @transform_3(%arg0: i32) -> (i32, i32) {
    %c0_i32 = arith.constant 0 : i32
    %c0_i32_0 = arith.constant 0 : i32
    return %arg0, %c0_i32 : i32, i32
  }
  func.func @transform_4(%arg0: i32) -> (i32, i32) {
    %c0_i32 = arith.constant 0 : i32
    %c0_i32_0 = arith.constant 0 : i32
    %c0_i32_1 = arith.constant 0 : i32
    return %c0_i32, %c0_i32_0 : i32, i32
  }
  func.func @transform_5(%arg0: i32) -> (i32, i32) {
    %c0_i32 = arith.constant 0 : i32
    %c0_i32_0 = arith.constant 0 : i32
    %c0_i32_1 = arith.constant 0 : i32
    return %c0_i32, %c0_i32_0 : i32, i32
  }
  func.func @transform_6(%arg0: i32) -> (i32, i32) {
    %c0_i32 = arith.constant 0 : i32
    %c0_i32_0 = arith.constant 0 : i32
    %c0_i32_1 = arith.constant 0 : i32
    return %c0_i32, %c0_i32_0 : i32, i32
  }
  func.func @transform_7(%arg0: i32) -> (i32, i32) {
    %c0_i32 = arith.constant 0 : i32
    %c0_i32_0 = arith.constant 0 : i32
    %c0_i32_1 = arith.constant 0 : i32
    return %c0_i32, %c0_i32_0 : i32, i32
  }
  func.func @transform_8(%arg0: i32) -> (i32, i32) {
    %c0_i32 = arith.constant 0 : i32
    %c0_i32_0 = arith.constant 0 : i32
    %c0_i32_1 = arith.constant 0 : i32
    return %c0_i32, %c0_i32_0 : i32, i32
  }
  func.func @transform_9(%arg0: i32) -> (i32, i32) {
    %c0_i32 = arith.constant 0 : i32
    %c0_i32_0 = arith.constant 0 : i32
    %c0_i32_1 = arith.constant 0 : i32
    return %c0_i32, %c0_i32_0 : i32, i32
  }
  func.func @transform_10(%arg0: i32) -> (i32, i32) {
    %c0_i32 = arith.constant 0 : i32
    %c0_i32_0 = arith.constant 0 : i32
    %c0_i32_1 = arith.constant 0 : i32
    return %c0_i32, %c0_i32_0 : i32, i32
  }
}

module attributes {stable_mosaic.version = 14 : i64} {
  func.func @_loss_body(%arg0: i32, %arg1: memref<2000x80xf32, #tpu.memory_space<vmem>>, %arg2: memref<2000x1xf32, #tpu.memory_space<vmem>>, %arg3: memref<2000x2xf32, #tpu.memory_space<vmem>>, %arg4: memref<4x100xf32, #tpu.memory_space<vmem>>, %arg5: memref<1x128xi32, #tpu.memory_space<vmem>>, %arg6: memref<1x128xi32, #tpu.memory_space<vmem>>, %arg7: memref<1x128xf32, #tpu.memory_space<vmem>>, %arg8: memref<1x128xf32, #tpu.memory_space<vmem>>, %arg9: memref<1x100xf32, #tpu.memory_space<vmem>>, %arg10: memref<1x128xf32, #tpu.memory_space<vmem>>, %arg11: memref<1x128xf32, #tpu.memory_space<vmem>>) attributes {dimension_semantics = [#tpu.dimension_semantics<arbitrary>], iteration_bounds = array<i64: 10>, scalar_prefetch = 0 : i64, scratch_operands = 1 : i64, tpu.core_type = #tpu.core_type<tc>, window_params = [{transform_indices = @transform_0, window_bounds = array<i64: 2000, 80>}, {transform_indices = @transform_1, window_bounds = array<i64: 2000, 1>}, {transform_indices = @transform_2, window_bounds = array<i64: 2000, 2>}, {pipeline_mode = #tpu.pipeline_mode<synchronous>, transform_indices = @transform_3, window_bounds = array<i64: 4, 100>}, {pipeline_mode = #tpu.pipeline_mode<synchronous>, transform_indices = @transform_4, window_bounds = array<i64: 1, 128>}, {pipeline_mode = #tpu.pipeline_mode<synchronous>, transform_indices = @transform_5, window_bounds = array<i64: 1, 128>}, {pipeline_mode = #tpu.pipeline_mode<synchronous>, transform_indices = @transform_6, window_bounds = array<i64: 1, 128>}, {pipeline_mode = #tpu.pipeline_mode<synchronous>, transform_indices = @transform_7, window_bounds = array<i64: 1, 128>}, {pipeline_mode = #tpu.pipeline_mode<synchronous>, transform_indices = @transform_8, window_bounds = array<i64: 1, 100>}, {pipeline_mode = #tpu.pipeline_mode<synchronous>, transform_indices = @transform_9, window_bounds = array<i64: 1, 128>}]} {
    %get3A = arith.constant 0 : index
    %get3A_0 = arith.constant 0 : index
    %get3A_1 = vector.load %arg5[%get3A, %get3A_0] : memref<1x128xi32, #tpu.memory_space<vmem>>, vector<1x128xi32>
    %mul3A = arith.constant 0 : i32
    %mul3A_2 = vector.broadcast %mul3A : i32 to vector<1x128xi32>
    %mul3A_3 = arith.muli %get3A_1, %mul3A_2 : vector<1x128xi32>
    %mul3A_4 = arith.constant 2000 : i32
    %mul3A_5 = arith.muli %arg0, %mul3A_4 : i32
    %add3A = vector.broadcast %mul3A_5 : i32 to vector<1x128xi32>
    %add3A_6 = arith.addi %mul3A_3, %add3A : vector<1x128xi32>
    %iota3A = tpu.iota {dimensions = array<i32: 0>} : vector<2000x128xi32>
    %add3A_7 = vector.broadcast %add3A_6 : vector<1x128xi32> to vector<2000x128xi32>
    %add3A_8 = arith.addi %add3A_7, %iota3A : vector<2000x128xi32>
    %get3A_9 = arith.constant 0 : index
    %get3A_10 = arith.constant 0 : index
    %get3A_11 = vector.load %arg5[%get3A_9, %get3A_10] : memref<1x128xi32, #tpu.memory_space<vmem>>, vector<1x128xi32>
    %eq3A = vector.broadcast %get3A_11 : vector<1x128xi32> to vector<2000x128xi32>
    %eq3A_12 = arith.cmpi eq, %add3A_8, %eq3A : vector<2000x128xi32>
    %get3A_13 = arith.constant 0 : index
    %get3A_14 = arith.constant 0 : index
    %get3A_15 = vector.load %arg8[%get3A_13, %get3A_14] : memref<1x128xf32, #tpu.memory_space<vmem>>, vector<1x128xf32>
    %gt3A = arith.constant 0.000000e+00 : f32
    %gt3A_16 = vector.broadcast %gt3A : f32 to vector<1x128xf32>
    %gt3A_17 = arith.cmpf ogt, %get3A_15, %gt3A_16 : vector<1x128xf32>
    %and3A = vector.broadcast %gt3A_17 : vector<1x128xi1> to vector<2000x128xi1>
    %and3A_18 = arith.andi %eq3A_12, %and3A : vector<2000x128xi1>
    %jit3A = arith.constant 1.000000e+00 : f32
    %jit3A_19 = arith.constant 0.000000e+00 : f32
    %broadcast_in_dim3A = vector.broadcast %jit3A : f32 to vector<2000x128xf32>
    %broadcast_in_dim3A_20 = vector.broadcast %jit3A_19 : f32 to vector<2000x128xf32>
    %select_n3A = arith.select %and3A_18, %broadcast_in_dim3A, %broadcast_in_dim3A_20 : vector<2000x128xi1>, vector<2000x128xf32>
    %reduce_max3A = arith.constant dense<0xFF800000> : vector<2000xf32>
    %reduce_max3A_21 = vector.multi_reduction <maximumf>, %select_n3A, %reduce_max3A [1] : vector<2000x128xf32> to vector<2000xf32>
    %broadcast_in_dim3A_22 = vector.shape_cast %reduce_max3A_21 : vector<2000xf32> to vector<2000x1xf32>
    %get3A_23 = arith.constant 0 : index
    %get3A_24 = arith.constant 0 : index
    %get3A_25 = vector.load %arg6[%get3A_23, %get3A_24] : memref<1x128xi32, #tpu.memory_space<vmem>>, vector<1x128xi32>
    %jit3A_26 = arith.constant 0 : i32
    %broadcast_in_dim3A_27 = vector.shape_cast %get3A_25 : vector<1x128xi32> to vector<1x128xi32>
    %broadcast_in_dim3A_28 = vector.broadcast %broadcast_in_dim3A_27 : vector<1x128xi32> to vector<2000x128xi32>
    %broadcast_in_dim3A_29 = vector.broadcast %jit3A_26 : i32 to vector<2000x128xi32>
    %select_n3A_30 = arith.select %and3A_18, %broadcast_in_dim3A_28, %broadcast_in_dim3A_29 : vector<2000x128xi1>, vector<2000x128xi32>
    %reduce_sum3A = arith.constant dense<0> : vector<2000xi32>
    %reduce_sum3A_31 = vector.multi_reduction <add>, %select_n3A_30, %reduce_sum3A [1] : vector<2000x128xi32> to vector<2000xi32>
    %broadcast_in_dim3A_32 = vector.shape_cast %reduce_sum3A_31 : vector<2000xi32> to vector<2000x1xi32>
    %get3A_33 = arith.constant 0 : index
    %get3A_34 = arith.constant 0 : index
    %get3A_35 = vector.load %arg7[%get3A_33, %get3A_34] : memref<1x128xf32, #tpu.memory_space<vmem>>, vector<1x128xf32>
    %mul3A_36 = vector.broadcast %get3A_35 : vector<1x128xf32> to vector<2000x128xf32>
    %mul3A_37 = arith.mulf %select_n3A, %mul3A_36 : vector<2000x128xf32>
    %reduce_sum3A_38 = arith.constant dense<0.000000e+00> : vector<2000xf32>
    %reduce_sum3A_39 = vector.multi_reduction <add>, %mul3A_37, %reduce_sum3A_38 [1] : vector<2000x128xf32> to vector<2000xf32>
    %broadcast_in_dim3A_40 = vector.shape_cast %reduce_sum3A_39 : vector<2000xf32> to vector<2000x1xf32>
    %max3A = arith.constant 1.000000e-01 : f32
    %max3A_41 = vector.broadcast %max3A : f32 to vector<2000x1xf32>
    %max3A_42 = arith.maximumf %broadcast_in_dim3A_40, %max3A_41 : vector<2000x1xf32>
    %mul3A_43 = arith.mulf %max3A_42, %broadcast_in_dim3A_22 : vector<2000x1xf32>
    %get3A_44 = arith.constant 0 : index
    %get3A_45 = arith.constant 0 : index
    %get3A_46 = vector.load %arg1[%get3A_44, %get3A_45] : memref<2000x80xf32, #tpu.memory_space<vmem>>, vector<2000x80xf32>
    %iota3A_47 = tpu.iota {dimensions = array<i32: 1>} : vector<2000x80xi32>
    %eq3A_48 = vector.broadcast %broadcast_in_dim3A_32 : vector<2000x1xi32> to vector<2000x80xi32>
    %eq3A_49 = arith.cmpi eq, %iota3A_47, %eq3A_48 : vector<2000x80xi32>
    %jit3A_50 = arith.constant 0.000000e+00 : f32
    %broadcast_in_dim3A_51 = vector.shape_cast %mul3A_43 : vector<2000x1xf32> to vector<2000x1xf32>
    %broadcast_in_dim3A_52 = vector.broadcast %broadcast_in_dim3A_51 : vector<2000x1xf32> to vector<2000x80xf32>
    %broadcast_in_dim3A_53 = vector.broadcast %jit3A_50 : f32 to vector<2000x80xf32>
    %select_n3A_54 = arith.select %eq3A_49, %broadcast_in_dim3A_52, %broadcast_in_dim3A_53 : vector<2000x80xi1>, vector<2000x80xf32>
    %mul3A_55 = vector.broadcast %broadcast_in_dim3A_22 : vector<2000x1xf32> to vector<2000x80xf32>
    %mul3A_56 = arith.mulf %select_n3A_54, %mul3A_55 : vector<2000x80xf32>
    %logistic3A = arith.negf %get3A_46 : vector<2000x80xf32>
    %logistic3A_57 = math.exp %logistic3A : vector<2000x80xf32>
    %logistic3A_58 = arith.constant 1.000000e+00 : f32
    %logistic3A_59 = vector.broadcast %logistic3A_58 : f32 to vector<2000x80xf32>
    %logistic3A_60 = arith.addf %logistic3A_59, %logistic3A_57 : vector<2000x80xf32>
    %logistic3A_61 = arith.divf %logistic3A_59, %logistic3A_60 : vector<2000x80xf32>
    %mul3A_62 = arith.constant 7.500000e-01 : f32
    %mul3A_63 = vector.broadcast %mul3A_62 : f32 to vector<2000x80xf32>
    %mul3A_64 = arith.mulf %mul3A_63, %logistic3A_61 : vector<2000x80xf32>
    %mul3A_65 = arith.mulf %mul3A_64, %logistic3A_61 : vector<2000x80xf32>
    %sub3A = arith.constant 1.000000e+00 : f32
    %sub3A_66 = vector.broadcast %sub3A : f32 to vector<2000x80xf32>
    %sub3A_67 = arith.subf %sub3A_66, %mul3A_56 : vector<2000x80xf32>
    %mul3A_68 = arith.mulf %mul3A_65, %sub3A_67 : vector<2000x80xf32>
    %add3A_69 = arith.addf %mul3A_68, %mul3A_56 : vector<2000x80xf32>
    %max3A_70 = arith.constant 0.000000e+00 : f32
    %max3A_71 = vector.broadcast %max3A_70 : f32 to vector<2000x80xf32>
    %max3A_72 = arith.maximumf %get3A_46, %max3A_71 : vector<2000x80xf32>
    %mul3A_73 = arith.mulf %get3A_46, %mul3A_56 : vector<2000x80xf32>
    %sub3A_74 = arith.subf %max3A_72, %mul3A_73 : vector<2000x80xf32>
    %abs3A = math.absf %get3A_46 : vector<2000x80xf32>
    %neg3A = arith.constant 0.000000e+00 : f32
    %neg3A_75 = vector.broadcast %neg3A : f32 to vector<2000x80xf32>
    %neg3A_76 = arith.subf %neg3A_75, %abs3A : vector<2000x80xf32>
    %exp3A = math.exp %neg3A_76 : vector<2000x80xf32>
    %log1p3A = math.log1p %exp3A : vector<2000x80xf32>
    %add3A_77 = arith.addf %sub3A_74, %log1p3A : vector<2000x80xf32>
    %mul3A_78 = arith.mulf %add3A_77, %add3A_69 : vector<2000x80xf32>
    %reduce_sum3A_79 = vector.shape_cast %mul3A_78 : vector<2000x80xf32> to vector<1x2000x80xf32>
    %reduce_sum3A_80 = arith.constant dense<0.000000e+00> : vector<1xf32>
    %reduce_sum3A_81 = vector.multi_reduction <add>, %reduce_sum3A_79, %reduce_sum3A_80 [1, 2] : vector<1x2000x80xf32> to vector<1xf32>
    %reduce_sum3A_82 = vector.shape_cast %reduce_sum3A_81 : vector<1xf32> to vector<1x1x1xf32>
    %reduce_sum3A_83 = vector.extract %reduce_sum3A_82[0, 0, 0] : f32 from vector<1x1x1xf32>
    %get3A_84 = arith.constant 0 : index
    %get3A_85 = arith.constant 0 : index
    %get3A_86 = vector.load %arg3[%get3A_84, %get3A_85] : memref<2000x2xf32, #tpu.memory_space<vmem>>, vector<2000x1xf32>
    %get3A_87 = arith.constant 0 : index
    %get3A_88 = arith.constant 1 : index
    %get3A_89 = vector.load %arg3[%get3A_87, %get3A_88] : memref<2000x2xf32, #tpu.memory_space<vmem>>, vector<2000x1xf32>
    %get3A_90 = arith.constant 0 : index
    %get3A_91 = arith.constant 0 : index
    %get3A_92 = vector.load %arg4[%get3A_90, %get3A_91] : memref<4x100xf32, #tpu.memory_space<vmem>>, vector<1x100xf32>
    %get3A_93 = arith.constant 1 : index
    %get3A_94 = arith.constant 0 : index
    %get3A_95 = vector.load %arg4[%get3A_93, %get3A_94] : memref<4x100xf32, #tpu.memory_space<vmem>>, vector<1x100xf32>
    %get3A_96 = arith.constant 2 : index
    %get3A_97 = arith.constant 0 : index
    %get3A_98 = vector.load %arg4[%get3A_96, %get3A_97] : memref<4x100xf32, #tpu.memory_space<vmem>>, vector<1x100xf32>
    %get3A_99 = arith.constant 3 : index
    %get3A_100 = arith.constant 0 : index
    %get3A_101 = vector.load %arg4[%get3A_99, %get3A_100] : memref<4x100xf32, #tpu.memory_space<vmem>>, vector<1x100xf32>
    %ge3A = vector.broadcast %get3A_86 : vector<2000x1xf32> to vector<2000x100xf32>
    %ge3A_102 = vector.broadcast %get3A_92 : vector<1x100xf32> to vector<2000x100xf32>
    %ge3A_103 = arith.cmpf oge, %ge3A, %ge3A_102 : vector<2000x100xf32>
    %le3A = vector.broadcast %get3A_86 : vector<2000x1xf32> to vector<2000x100xf32>
    %le3A_104 = vector.broadcast %get3A_98 : vector<1x100xf32> to vector<2000x100xf32>
    %le3A_105 = arith.cmpf ole, %le3A, %le3A_104 : vector<2000x100xf32>
    %and3A_106 = arith.andi %ge3A_103, %le3A_105 : vector<2000x100xi1>
    %ge3A_107 = vector.broadcast %get3A_89 : vector<2000x1xf32> to vector<2000x100xf32>
    %ge3A_108 = vector.broadcast %get3A_95 : vector<1x100xf32> to vector<2000x100xf32>
    %ge3A_109 = arith.cmpf oge, %ge3A_107, %ge3A_108 : vector<2000x100xf32>
    %and3A_110 = arith.andi %and3A_106, %ge3A_109 : vector<2000x100xi1>
    %le3A_111 = vector.broadcast %get3A_89 : vector<2000x1xf32> to vector<2000x100xf32>
    %le3A_112 = vector.broadcast %get3A_101 : vector<1x100xf32> to vector<2000x100xf32>
    %le3A_113 = arith.cmpf ole, %le3A_111, %le3A_112 : vector<2000x100xf32>
    %and3A_114 = arith.andi %and3A_110, %le3A_113 : vector<2000x100xi1>
    %add3A_115 = arith.addf %get3A_92, %get3A_98 : vector<1x100xf32>
    %mul3A_116 = arith.constant 5.000000e-01 : f32
    %mul3A_117 = vector.broadcast %mul3A_116 : f32 to vector<1x100xf32>
    %mul3A_118 = arith.mulf %add3A_115, %mul3A_117 : vector<1x100xf32>
    %add3A_119 = arith.addf %get3A_95, %get3A_101 : vector<1x100xf32>
    %mul3A_120 = arith.constant 5.000000e-01 : f32
    %mul3A_121 = vector.broadcast %mul3A_120 : f32 to vector<1x100xf32>
    %mul3A_122 = arith.mulf %add3A_119, %mul3A_121 : vector<1x100xf32>
    %sub3A_123 = arith.subf %get3A_98, %get3A_92 : vector<1x100xf32>
    %mul3A_124 = arith.constant 5.000000e-01 : f32
    %mul3A_125 = vector.broadcast %mul3A_124 : f32 to vector<1x100xf32>
    %mul3A_126 = arith.mulf %sub3A_123, %mul3A_125 : vector<1x100xf32>
    %max3A_127 = arith.constant 1.000000e+00 : f32
    %max3A_128 = vector.broadcast %max3A_127 : f32 to vector<1x100xf32>
    %max3A_129 = arith.maximumf %mul3A_126, %max3A_128 : vector<1x100xf32>
    %sub3A_130 = arith.subf %get3A_101, %get3A_95 : vector<1x100xf32>
    %mul3A_131 = arith.constant 5.000000e-01 : f32
    %mul3A_132 = vector.broadcast %mul3A_131 : f32 to vector<1x100xf32>
    %mul3A_133 = arith.mulf %sub3A_130, %mul3A_132 : vector<1x100xf32>
    %max3A_134 = arith.constant 1.000000e+00 : f32
    %max3A_135 = vector.broadcast %max3A_134 : f32 to vector<1x100xf32>
    %max3A_136 = arith.maximumf %mul3A_133, %max3A_135 : vector<1x100xf32>
    %sub3A_137 = vector.broadcast %get3A_86 : vector<2000x1xf32> to vector<2000x100xf32>
    %sub3A_138 = vector.broadcast %mul3A_118 : vector<1x100xf32> to vector<2000x100xf32>
    %sub3A_139 = arith.subf %sub3A_137, %sub3A_138 : vector<2000x100xf32>
    %abs3A_140 = math.absf %sub3A_139 : vector<2000x100xf32>
    %div3A = vector.broadcast %max3A_129 : vector<1x100xf32> to vector<2000x100xf32>
    %div3A_141 = arith.divf %abs3A_140, %div3A : vector<2000x100xf32>
    %sub3A_142 = vector.broadcast %get3A_89 : vector<2000x1xf32> to vector<2000x100xf32>
    %sub3A_143 = vector.broadcast %mul3A_122 : vector<1x100xf32> to vector<2000x100xf32>
    %sub3A_144 = arith.subf %sub3A_142, %sub3A_143 : vector<2000x100xf32>
    %abs3A_145 = math.absf %sub3A_144 : vector<2000x100xf32>
    %div3A_146 = vector.broadcast %max3A_136 : vector<1x100xf32> to vector<2000x100xf32>
    %div3A_147 = arith.divf %abs3A_145, %div3A_146 : vector<2000x100xf32>
    %max3A_148 = arith.maximumf %div3A_141, %div3A_147 : vector<2000x100xf32>
    %le3A_149 = arith.constant 1.250000e+00 : f32
    %le3A_150 = vector.broadcast %le3A_149 : f32 to vector<2000x100xf32>
    %le3A_151 = arith.cmpf ole, %max3A_148, %le3A_150 : vector<2000x100xf32>
    %and3A_152 = arith.andi %and3A_114, %le3A_151 : vector<2000x100xi1>
    %get3A_153 = arith.constant 0 : index
    %get3A_154 = arith.constant 0 : index
    %get3A_155 = vector.load %arg9[%get3A_153, %get3A_154] : memref<1x100xf32, #tpu.memory_space<vmem>>, vector<1x100xf32>
    %gt3A_156 = arith.constant 0.000000e+00 : f32
    %gt3A_157 = vector.broadcast %gt3A_156 : f32 to vector<1x100xf32>
    %gt3A_158 = arith.cmpf ogt, %get3A_155, %gt3A_157 : vector<1x100xf32>
    %and3A_159 = vector.broadcast %gt3A_158 : vector<1x100xi1> to vector<2000x100xi1>
    %and3A_160 = arith.andi %and3A_152, %and3A_159 : vector<2000x100xi1>
    %jit3A_161 = arith.constant 1.000000e+00 : f32
    %jit3A_162 = arith.constant 0.000000e+00 : f32
    %broadcast_in_dim3A_163 = vector.broadcast %jit3A_161 : f32 to vector<2000x100xf32>
    %broadcast_in_dim3A_164 = vector.broadcast %jit3A_162 : f32 to vector<2000x100xf32>
    %select_n3A_165 = arith.select %and3A_160, %broadcast_in_dim3A_163, %broadcast_in_dim3A_164 : vector<2000x100xi1>, vector<2000x100xf32>
    %reduce_max3A_166 = arith.constant dense<0xFF800000> : vector<2000xf32>
    %reduce_max3A_167 = vector.multi_reduction <maximumf>, %select_n3A_165, %reduce_max3A_166 [1] : vector<2000x100xf32> to vector<2000xf32>
    %broadcast_in_dim3A_168 = vector.shape_cast %reduce_max3A_167 : vector<2000xf32> to vector<2000x1xf32>
    %sub3A_169 = arith.constant 1.000000e+00 : f32
    %sub3A_170 = vector.broadcast %sub3A_169 : f32 to vector<2000x1xf32>
    %sub3A_171 = arith.subf %sub3A_170, %broadcast_in_dim3A_22 : vector<2000x1xf32>
    %mul3A_172 = arith.mulf %broadcast_in_dim3A_168, %sub3A_171 : vector<2000x1xf32>
    %get3A_173 = arith.constant 0 : index
    %get3A_174 = arith.constant 0 : index
    %get3A_175 = vector.load %arg2[%get3A_173, %get3A_174] : memref<2000x1xf32, #tpu.memory_space<vmem>>, vector<2000x1xf32>
    %max3A_176 = arith.constant 0.000000e+00 : f32
    %max3A_177 = vector.broadcast %max3A_176 : f32 to vector<2000x1xf32>
    %max3A_178 = arith.maximumf %get3A_175, %max3A_177 : vector<2000x1xf32>
    %mul3A_179 = arith.mulf %get3A_175, %broadcast_in_dim3A_22 : vector<2000x1xf32>
    %sub3A_180 = arith.subf %max3A_178, %mul3A_179 : vector<2000x1xf32>
    %abs3A_181 = math.absf %get3A_175 : vector<2000x1xf32>
    %neg3A_182 = arith.constant 0.000000e+00 : f32
    %neg3A_183 = vector.broadcast %neg3A_182 : f32 to vector<2000x1xf32>
    %neg3A_184 = arith.subf %neg3A_183, %abs3A_181 : vector<2000x1xf32>
    %exp3A_185 = math.exp %neg3A_184 : vector<2000x1xf32>
    %log1p3A_186 = math.log1p %exp3A_185 : vector<2000x1xf32>
    %add3A_187 = arith.addf %sub3A_180, %log1p3A_186 : vector<2000x1xf32>
    %sub3A_188 = arith.constant 1.000000e+00 : f32
    %sub3A_189 = vector.broadcast %sub3A_188 : f32 to vector<2000x1xf32>
    %sub3A_190 = arith.subf %sub3A_189, %mul3A_172 : vector<2000x1xf32>
    %mul3A_191 = arith.mulf %add3A_187, %sub3A_190 : vector<2000x1xf32>
    %reduce_sum3A_192 = vector.shape_cast %mul3A_191 : vector<2000x1xf32> to vector<1x2000x1xf32>
    %reduce_sum3A_193 = arith.constant dense<0.000000e+00> : vector<1xf32>
    %reduce_sum3A_194 = vector.multi_reduction <add>, %reduce_sum3A_192, %reduce_sum3A_193 [1, 2] : vector<1x2000x1xf32> to vector<1xf32>
    %reduce_sum3A_195 = vector.shape_cast %reduce_sum3A_194 : vector<1xf32> to vector<1x1x1xf32>
    %reduce_sum3A_196 = vector.extract %reduce_sum3A_195[0, 0, 0] : f32 from vector<1x1x1xf32>
    %iota3A_197 = tpu.iota {dimensions = array<i32: 1>} : vector<1x128xi32>
    %eq3A_198 = arith.constant 0 : i32
    %eq3A_199 = vector.broadcast %eq3A_198 : i32 to vector<1x128xi32>
    %eq3A_200 = arith.cmpi eq, %iota3A_197, %eq3A_199 : vector<1x128xi32>
    %jit3A_201 = arith.constant 1.000000e+00 : f32
    %jit3A_202 = arith.constant 0.000000e+00 : f32
    %broadcast_in_dim3A_203 = vector.broadcast %jit3A_201 : f32 to vector<1x128xf32>
    %broadcast_in_dim3A_204 = vector.broadcast %jit3A_202 : f32 to vector<1x128xf32>
    %select_n3A_205 = arith.select %eq3A_200, %broadcast_in_dim3A_203, %broadcast_in_dim3A_204 : vector<1x128xi1>, vector<1x128xf32>
    %mul3A_206 = vector.broadcast %reduce_sum3A_83 : f32 to vector<1x128xf32>
    %mul3A_207 = arith.mulf %mul3A_206, %select_n3A_205 : vector<1x128xf32>
    %eq3A_208 = arith.constant 1 : i32
    %eq3A_209 = vector.broadcast %eq3A_208 : i32 to vector<1x128xi32>
    %eq3A_210 = arith.cmpi eq, %iota3A_197, %eq3A_209 : vector<1x128xi32>
    %jit3A_211 = arith.constant 1.000000e+00 : f32
    %jit3A_212 = arith.constant 0.000000e+00 : f32
    %broadcast_in_dim3A_213 = vector.broadcast %jit3A_211 : f32 to vector<1x128xf32>
    %broadcast_in_dim3A_214 = vector.broadcast %jit3A_212 : f32 to vector<1x128xf32>
    %select_n3A_215 = arith.select %eq3A_210, %broadcast_in_dim3A_213, %broadcast_in_dim3A_214 : vector<1x128xi1>, vector<1x128xf32>
    %mul3A_216 = vector.broadcast %reduce_sum3A_196 : f32 to vector<1x128xf32>
    %mul3A_217 = arith.mulf %mul3A_216, %select_n3A_215 : vector<1x128xf32>
    %add3A_218 = arith.addf %mul3A_207, %mul3A_217 : vector<1x128xf32>
    %eq3A_219 = arith.constant 0 : i32
    %eq3A_220 = arith.cmpi eq, %arg0, %eq3A_219 : i32
    %convert_element_type3A = arith.extui %eq3A_220 : i1 to i32
    %cond3A = arith.constant 0 : i32
    %cond3A_221 = arith.cmpi ne, %convert_element_type3A, %cond3A : i32
    scf.if %cond3A_221 {
      %broadcast_in_dim3A_233 = arith.constant 0.000000e+00 : f32
      %broadcast_in_dim3A_234 = vector.broadcast %broadcast_in_dim3A_233 : f32 to vector<1x128xf32>
      %swap3A_235 = arith.constant 0 : index
      %swap3A_236 = arith.constant 0 : index
      %swap3A_237 = vector.load %arg11[%swap3A_235, %swap3A_236] : memref<1x128xf32, #tpu.memory_space<vmem>>, vector<1x128xf32>
      tpu.vector_store %arg11[%swap3A_235, %swap3A_236], %broadcast_in_dim3A_234 {strides = array<i32>} : memref<1x128xf32, #tpu.memory_space<vmem>>, vector<1x128xf32>,
    } else {
    }
    %get3A_222 = arith.constant 0 : index
    %get3A_223 = arith.constant 0 : index
    %get3A_224 = vector.load %arg11[%get3A_222, %get3A_223] : memref<1x128xf32, #tpu.memory_space<vmem>>, vector<1x128xf32>
    %add3A_225 = arith.addf %get3A_224, %add3A_218 : vector<1x128xf32>
    %swap3A = arith.constant 0 : index
    %swap3A_226 = arith.constant 0 : index
    %swap3A_227 = vector.load %arg11[%swap3A, %swap3A_226] : memref<1x128xf32, #tpu.memory_space<vmem>>, vector<1x128xf32>
    tpu.vector_store %arg11[%swap3A, %swap3A_226], %add3A_225 {strides = array<i32>} : memref<1x128xf32, #tpu.memory_space<vmem>>, vector<1x128xf32>,
    %eq3A_228 = arith.constant 9 : i32
    %eq3A_229 = arith.cmpi eq, %arg0, %eq3A_228 : i32
    %convert_element_type3A_230 = arith.extui %eq3A_229 : i1 to i32
    %cond3A_231 = arith.constant 0 : i32
    %cond3A_232 = arith.cmpi ne, %convert_element_type3A_230, %cond3A_231 : i32
    scf.if %cond3A_232 {
      %get3A_233 = arith.constant 0 : index
      %get3A_234 = arith.constant 0 : index
      %get3A_235 = vector.load %arg11[%get3A_233, %get3A_234] : memref<1x128xf32, #tpu.memory_space<vmem>>, vector<1x128xf32>
      %swap3A_236 = arith.constant 0 : index
      %swap3A_237 = arith.constant 0 : index
      %swap3A_238 = vector.load %arg10[%swap3A_236, %swap3A_237] : memref<1x128xf32, #tpu.memory_space<vmem>>, vector<1x128xf32>
      tpu.vector_store %arg10[%swap3A_236, %swap3A_237], %get3A_235 {strides = array<i32>} : memref<1x128xf32, #tpu.memory_space<vmem>>, vector<1x128xf32>,
    } else {
    }
    return
  }
  func.func @transform_0(%arg0: i32) -> (i32, i32) {
    %c0_i32 = arith.constant 0 : i32
    %c0_i32_0 = arith.constant 0 : i32
    return %arg0, %c0_i32 : i32, i32
  }
  func.func @transform_1(%arg0: i32) -> (i32, i32) {
    %c0_i32 = arith.constant 0 : i32
    %c0_i32_0 = arith.constant 0 : i32
    return %arg0, %c0_i32 : i32, i32
  }
  func.func @transform_2(%arg0: i32) -> (i32, i32) {
    %c0_i32 = arith.constant 0 : i32
    %c0_i32_0 = arith.constant 0 : i32
    return %arg0, %c0_i32 : i32, i32
  }
  func.func @transform_3(%arg0: i32) -> (i32, i32) {
    %c0_i32 = arith.constant 0 : i32
    %c0_i32_0 = arith.constant 0 : i32
    %c0_i32_1 = arith.constant 0 : i32
    return %c0_i32, %c0_i32_0 : i32, i32
  }
  func.func @transform_4(%arg0: i32) -> (i32, i32) {
    %c0_i32 = arith.constant 0 : i32
    %c0_i32_0 = arith.constant 0 : i32
    %c0_i32_1 = arith.constant 0 : i32
    return %c0_i32, %c0_i32_0 : i32, i32
  }
  func.func @transform_5(%arg0: i32) -> (i32, i32) {
    %c0_i32 = arith.constant 0 : i32
    %c0_i32_0 = arith.constant 0 : i32
    %c0_i32_1 = arith.constant 0 : i32
    return %c0_i32, %c0_i32_0 : i32, i32
  }
  func.func @transform_6(%arg0: i32) -> (i32, i32) {
    %c0_i32 = arith.constant 0 : i32
    %c0_i32_0 = arith.constant 0 : i32
    %c0_i32_1 = arith.constant 0 : i32
    return %c0_i32, %c0_i32_0 : i32, i32
  }
  func.func @transform_7(%arg0: i32) -> (i32, i32) {
    %c0_i32 = arith.constant 0 : i32
    %c0_i32_0 = arith.constant 0 : i32
    %c0_i32_1 = arith.constant 0 : i32
    return %c0_i32, %c0_i32_0 : i32, i32
  }
  func.func @transform_8(%arg0: i32) -> (i32, i32) {
    %c0_i32 = arith.constant 0 : i32
    %c0_i32_0 = arith.constant 0 : i32
    %c0_i32_1 = arith.constant 0 : i32
    return %c0_i32, %c0_i32_0 : i32, i32
  }
  func.func @transform_9(%arg0: i32) -> (i32, i32) {
    %c0_i32 = arith.constant 0 : i32
    %c0_i32_0 = arith.constant 0 : i32
    %c0_i32_1 = arith.constant 0 : i32
    return %c0_i32, %c0_i32_0 : i32, i32
  }
}

</mosaic_0001>

<sc_bundles>
// kernel: kernel.6.cloned.1.call-start
scs
__scs_entry_jumppad:
0x0: {  	(pc) =	sbr.rel $0x88, $3  }
0x1: {  	(tag) =	ssettag $0x0;
	lr =	simm.s32 $0x1  }
0x2: {  	[smem:$0x3F9A] =	sst lr;
	_ =	strace $0xD0000000  }
0x3: {  	_ = 	snop  }
0x4: {  	_ = 	snop  }
0x5: {  	_ = 	snop  }
0x6: {  	_ = 	snop  }
0x7: {  	_ = 	snop  }
__scs_overlays_trampoline_lowered:
0x8: {  	[smem:$0x3FA9] =	sst s0  }
0x9: {  	[smem:$0x3FAA] =	sst s1  }
0xa: {  	[smem:$0x3FAB] =	sst s2  }
0xb: {  	[smem:$0x3FAC] =	sst s3  }
0xc: {  	[smem:$0x3FAD] =	sst s4  }
0xd: {  	[smem:$0x3FAE] =	sst s5  }
0xe: {  	[smem:$0x3FAF] =	sst s6  }
0xf: {  	[smem:$0x3FB0] =	sst s7  }
0x10: {  	[smem:$0x3FB1] =	sst s8  }
0x11: {  	[smem:$0x3FB2] =	sst s9;
	s0 =	simm.s32 @!p0 $0x0  }
0x12: {  	s1 =	sld [smem:$0x3F98];
	s0 =	simm.s32 @p0 $0x1  }
0x13: {  	[smem:$0x3FB3] =	sst s0;
	s0 =	simm.s32 @!p1 $0x0  }
0x14: {  	s2 =	sld [smem:$0x3F97];
	s0 =	simm.s32 @p1 $0x1  }
0x15: {  	[smem:$0x3FB4] =	sst s0;
	s0 =	simm.s32 @!p2 $0x0  }
0x16: {  	s3 =	sld [smem:$0x3FDB];
	s0 =	simm.s32 @p2 $0x1  }
0x17: {  	s4 =	simm.s32 $0x1BF5;
	[smem:$0x3FB6] =	sst s0  }
0x18: {  	s0 =	sld [smem:$0x3F99];
	_ =	swait.ge [sflag:s4], $0x0  }
0x19: {  	s7 =	sld [smem:$0x3F9A]  }
0x1a: {  	s8 =	sadd.s32 $0xFFFFE003, lr  }
0x1b: {  	s9 =	sadd.s32 $0xFFFFFEF7, lr;
	s5 =	simm.s32 $0xFFFFFFFF;
	p2 =	slt.u32 s8, $0xFFFFF086  }
0x1c: {  	p1 =	slt.u32 s9, $0xF7A;
	s5 =	simm.s32 @!p2 $0x0  }
0x1d: {  	s5 =	simm.s32 @p1 $0x1;
	p0 =	seq.s32 s7, s2  }
0x1e: {  	s7 =	smul.u32 @!p0 $0xF7A, s2;
	p2 =	seq.s32 @!p0 s5, $0x0  }
0x1f: {  	s9 =	smul.u32 $0xF7A, s1;
	s8 =	simm.s32 @!p0 $0x1BF5;
	p2 =	por !p2, p0  }
0x20: {  	[sflag:s8] =	ssyncset.s32 @!p0 $0xFFFFF086;
	s6 =	sadd.s32 @!p0 s3, s7;
	s7 =	simm.s32 @!p0 $0x108  }
0x21: {  	s3 =	sadd.s32 s3, s9;
	s6 =	sadd.s32 @!p0 $0x88, s6;
	s7 =	simm.s32 @p2 $0x1082  }
0x22: {  	[simem:s7], [sflag:s8] =	dma.local @!p0 [hbm:s6], $0xF7A  }
0x23: {  	s9 =	sor.u32 $0xD0000000, s2;
	s6 =	simm.s32 $0x108;
	_ =	swait.ge @!p0 [sflag:s8], $0x0  }
0x24: {  	s3 =	sadd.s32 $0x88, s3;
	s6 =	simm.s32 @!p1 $0x1082;
	[sflag:s4] =	ssyncset.s32 $0xFFFFF086  }
0x25: {  	[simem:s6], [sflag:s4] =	dma.local [hbm:s3], $0xF7A  }
0x26: {  	[smem:$0x3F9A] =	sst s1;
	(tag) =	ssettag s2;
	_ =	strace s9  }
0x27: {  	s1 =	sld [smem:$0x3FAA]  }
0x28: {  	s2 =	sld [smem:$0x3FAB]  }
0x29: {  	s4 =	sld [smem:$0x3FAD]  }
0x2a: {  	p0 =	seq.s32 s5, $0x0;
	s5 =	sld [smem:$0x3FAE]  }
0x2b: {  	s6 =	sld [smem:$0x3FAF]  }
0x2c: {  	s7 =	sld [smem:$0x3FB0]  }
0x2d: {  	s3 =	simm.s32 $0x108;
	s8 =	sld [smem:$0x3FB1]  }
0x2e: {  	s3 =	simm.s32 @!p0 $0x1082;
	s9 =	sld [smem:$0x3FB2]  }
0x2f: {  	lr =	sadd.s32 s0, s3;
	s0 =	sld [smem:$0x3FA9]  }
0x30: {  	s3 =	sld [smem:$0x3FAC]  }
0x31: {  	[smem:$0x3FB5] =	sst s10  }
0x32: {  	s10 =	sld [smem:$0x3FB3];
	_ =	sdelay $0x3  }
0x33: {  	p0 =	seq.s32 s10, $0x1;
	s10 =	sld [smem:$0x3FB5];
	_ =	sdelay $0x3  }
0x34: {  	[smem:$0x3FB5] =	sst s10  }
0x35: {  	s10 =	sld [smem:$0x3FB4];
	_ =	sdelay $0x3  }
0x36: {  	p1 =	seq.s32 s10, $0x1;
	s10 =	sld [smem:$0x3FB5];
	_ =	sdelay $0x3  }
0x37: {  	[smem:$0x3FB5] =	sst s10  }
0x38: {  	s10 =	sld [smem:$0x3FB6]  }
0x39: {  	_ = 	snop;
	(pc) =	sbr.ind lr, $3  }
0x3a: {  	_ = 	snop  }
0x3b: {  	_ = 	snop  }
0x3c: {  	p2 =	seq.s32 s10, $0x1;
	s10 =	sld [smem:$0x3FB5]  }
0x3d: {  	_ =	shalt  }
0x3e: {  	_ =	shalt  }
0x3f: {  	_ =	shalt  }
0x40: {  	_ =	shalt  }
0x41: {  	_ =	shalt  }
0x42: {  	_ =	shalt  }
0x43: {  	_ =	shalt  }
0x44: {  	_ =	shalt  }
0x45: {  	_ =	shalt  }
0x46: {  	_ =	shalt  }
0x47: {  	_ =	shalt  }
0x48: {  	_ =	shalt  }
0x49: {  	_ =	shalt  }
0x4a: {  	_ =	shalt  }
0x4b: {  	_ =	shalt  }
0x4c: {  	_ =	shalt  }
0x4d: {  	_ =	shalt  }
0x4e: {  	_ =	shalt  }
0x4f: {  	_ =	shalt  }
0x50: {  	_ =	shalt  }
0x51: {  	_ =	shalt  }
0x52: {  	_ =	shalt  }
0x53: {  	_ =	shalt  }
0x54: {  	_ =	shalt  }
0x55: {  	_ =	shalt  }
0x56: {  	_ =	shalt  }
0x57: {  	_ =	shalt  }
0x58: {  	_ =	shalt  }
0x59: {  	_ =	shalt  }
0x5a: {  	_ =	shalt  }
0x5b: {  	_ =	shalt  }
0x5c: {  	_ =	shalt  }
0x5d: {  	_ =	shalt  }
0x5e: {  	_ =	shalt  }
0x5f: {  	_ =	shalt  }
0x60: {  	_ =	shalt  }
0x61: {  	_ =	shalt  }
0x62: {  	_ =	shalt  }
0x63: {  	_ =	shalt  }
0x64: {  	_ =	shalt  }
0x65: {  	_ =	shalt  }
0x66: {  	_ =	shalt  }
0x67: {  	_ =	shalt  }
0x68: {  	_ =	shalt  }
0x69: {  	_ =	shalt  }
0x6a: {  	_ =	shalt  }
0x6b: {  	_ =	shalt  }
0x6c: {  	_ =	shalt  }
0x6d: {  	_ =	shalt  }
0x6e: {  	_ =	shalt  }
0x6f: {  	_ =	shalt  }
0x70: {  	_ =	shalt  }
0x71: {  	_ =	shalt  }
0x72: {  	_ =	shalt  }
0x73: {  	_ =	shalt  }
0x74: {  	_ =	shalt  }
0x75: {  	_ =	shalt  }
0x76: {  	_ =	shalt  }
0x77: {  	_ =	shalt  }
0x78: {  	_ =	shalt  }
0x79: {  	_ =	shalt  }
0x7a: {  	_ =	shalt  }
0x7b: {  	_ =	shalt  }
0x7c: {  	_ =	shalt  }
0x7d: {  	_ =	shalt  }
0x7e: {  	_ =	shalt  }
0x7f: {  	_ =	shalt  }
0x80: {  	_ =	shalt  }
0x81: {  	_ =	shalt  }
0x82: {  	_ =	shalt  }
0x83: {  	_ =	shalt  }
0x84: {  	_ =	shalt  }
0x85: {  	_ =	shalt  }
0x86: {  	_ =	shalt  }
0x87: {  	_ =	shalt  }
.Lfunc_end0:
.L_simem_size_0:
called_computation_lowered:
.L_overlay_start_0:
0x88: {  	s2 =	sld [smem:$0x3FD9]  }
0x89: {  	s3 =	sld [smem:$0x3FFE];
	_ =	sdelay $0x1  }
0x8a: {  	s1 =	srdreg.scid  }
0x8b: {  	s0 =	sand.u32 $0x1, s1  }
0x8c: {  	s17 =	sshll.u32 s0, $0xA;
	s2 =	sadd.s32 s3, s2  }
0x8d: {  	s2 =	sadd.s32 s2, s17  }
0x8e: {  	[smem:$0x3FC1] =	sst s2  }
0x8f: {  	_ = 	snop  }
0x90: {  	s2 =	sld [smem:$0x3FD0];
	(tm) =	ssettm $0x1  }
0x91: {  	s18 =	sld [smem:$0x3FFB];
	_ =	sdelay $0x3  }
0x92: {  	_ =	strace s18  }
0x93: {  	s3 =	sld [smem:$0x3FFC];
	_ =	sdelay $0x3  }
0x94: {  	_ =	strace s3  }
0x95: {  	s3 =	sld [smem:$0x3FFD];
	_ =	sdelay $0x3  }
0x96: {  	_ =	strace s3  }
0x97: {  	_ =	strace $0x8FFFFFFF  }
0x98: {  	s19 =	sld [smem:$0x3FDB];
	_ =	sdelay $0x1  }
0x99: {  	s4 =	simm.s32 $_scs_section_size  }
0x9a: {  	s5 =	simm.s32 $_size__tile_overlayer_lowered;
	s6 =	simm.s32 $_tile_overlayer_lowered  }
0x9b: {  	s22 =	simm.s32 $0x1BFF;
	s21 =	sshll.u32 s6, $0x1;
	s3 =	sadd.s32 s4, s19  }
0x9c: {  	s7 =	simm.s32 $0x0;
	s20 =	sshll.u32 s5, $0x1;
	s5 =	sadd.s32 s21, s3  }
0x9d: {  	[timem:s7], [sflag:s22] =	dma.local [hbm:s5], s20  }
0x9e: {  	_ =	swait.ge [sflag:s22], s20  }
0x9f: {  	s4 =	ssub.s32 $0x0, s20;
	[sflag:s22] =	ssyncset.done $0x0  }
0xa0: {  	[sflag:s22] =	ssyncadd.s32 s4;
	_ =	sdelay $0x1  }
0xa1: {  	s23 =	simm.s32 $0x1B8B  }
0xa2: {  	_ =	swait.ge [sflag:s23], $0x1  }
0xa3: {  	[sflag:s23] =	ssyncset.done $0x0  }
0xa4: {  	s25 =	simm.s32 $0x1B8E;
	s24 =	sld [smem:$0x3FFE];
	[sflag:s23] =	ssyncadd.s32 $0xFFFFFFFF  }
0xa5: {  	s26 =	simm.s32 $execute0_lowered;
	[smem:$0x3FD2] =	sst s25  }
0xa6: {  	s5 =	sshll.u32 s26, $0x1;
	_ =	strace $0x80000046;
	[dreg:$0x1] =	wrdreg $0xFFFFFFFF  }
0xa7: {  	s28 =	simm.s32 $_size_execute0_lowered;
	s3 =	sadd.s32 s3, s5;
	[dreg:$0x0] =	wrdreg $0x0  }
0xa8: {  	s5 =	sshll.u32 s28, $0x1;
	[dreg:$0x2] =	wrdreg s3  }
0xa9: {  	[dreg:$0x3] =	wrdreg s5  }
0xaa: {  	[dreg:$0x4] =	wrdreg $0xC0  }
0xab: {  	_ =	task [dreg:s7], $0x5FFFF  }
0xac: {  	[dreg:$0x1] =	wrdreg $0xFFFFFFFF  }
0xad: {  	[dreg:$0x0] =	wrdreg $0x60  }
0xae: {  	[dreg:$0x2] =	wrdreg s24  }
0xaf: {  	[dreg:$0x3] =	wrdreg s2  }
0xb0: {  	[dreg:$0x4] =	wrdreg $0x9  }
0xb1: {  	_ =	task.clear_ibuf [dreg:s7], $0x5FFFF;
	_ =	strace $0x90000046  }
0xb2: {  	s29 =	simm.s32 $0x9;
	_ =	strace $0x80000048  }
0xb3: {  	_ =	swait.ge [sflag:s29], $0x1  }
0xb4: {  	[sflag:s29] =	ssyncadd.s32 $0xFFFFFFFF  }
0xb5: {  	_ =	strace $0x90000048  }
0xb6: {  	_ =	sfence  }
0xb7: {  	s30 =	sld [smem:$0x0];
	_ =	sdelay $0x2  }
0xb8: {  	s31 =	sshll.u32 s1, $0xD;
	s1 =	sshrl.u32 s1, $0x2  }
0xb9: {  	s3 =	sand.u32 $0x4000, s31;
	s1 =	sadd.s32 s1, s30  }
0xba: {  	s0 =	sor.u32 s3, s0;
	s1 =	sshll.u32 s1, $0x11  }
0xbb: {  	s0 =	sor.u32 s1, s0  }
0xbc: {  	s0 =	sadd.s32 $0x8F2B, s0  }
0xbd: {  	[sflag:s0] =	ssyncadd.remote.s32 $0x1  }
0xbe: {  	_ =	sfence.sel $0xFFFF  }
0xbf: {  	[dreg:$0x0] =	wrdreg $0xFFFFFFFF;
	(pc) =	sbr.abs _section_cstart, $3  }
0xc0: {  	[dreg:$0x1] =	wrdreg $0xFFFFFFFF  }
0xc1: {  	_ =	task.clear_ibuf [dreg:s7], $0x2FFFF;
	_ =	strace $0x9FFFFFFF  }
0xc2: {  	(tm) =	ssettm $0x7FFFFFFF  }
0xc3: {  	_ =	shalt  }
tec
execute0_lowered:
.L_overlay_start_1:
0x0: {  	(tag) =	ssettag $0x1  }
0x1: {  	s0 =	srdreg.scid  }
0x2: {  	s8 =	sand.u32 $0x1, s0;
	s0 =	stileid.u32  }
0x3: {  	s3 =	sor.u32 s0, s8  }
0x4: {  	p0 =	sne.s32 s3, $0x0  }
.Ltmp0:
0x5: {  	_ = 	snop;
	(pc) =	sbr.rel @p0 .LBB2_9-.Ltmp0, $3  }
0x6: {  	_ =	sdelay $0x1  }
0x7: {  	s11 =	rddreg [dreg:$0x0]  }
0x8: {  	s2 =	rddreg [dreg:$0x1];
	_ =	strace $0x80000047  }
0x9: {  	v0 =	vimm.s32 $0xBA98FEDC;
	v1 =	vimm.s32 $0x32107654  }
0xa: {  	v0 =	vunpack.c.l.s4.s8 v0;
	v1 =	vunpack.c.l.s4.s8 v1;
	_ =	sdelay $0x1  }
0xb: {  	v0 =	vunpack.c.0.s8.s32 v0;
	v1 =	vunpack.c.0.s8.s32 v1  }
0xc: {  	v3 =	vimm.s32 $0xFEDCBA98;
	v4 =	vimm.s32 $0xDCFE98BA;
	v6 =	vimm.s32 $0x67452301  }
0xd: {  	s3 =	sadd.s32 $0xEDC00, s11;
	v3 =	vunpack.c.l.s4.s8 v3;
	v6 =	vunpack.c.l.s4.s8 v6;
	v5 =	vcombine.low v1, v0  }
0xe: {  	s4 =	sadd.s32 $0xEDE00, s11;
	s5 =	sadd.s32 $0xEE000, s11;
	v0 =	vunpack.c.l.s4.s8 v4;
	v1 =	vimm.s32 $0x54761032;
	v4 =	vimm.s32 $0xEFCDAB89  }
0xf: {  	v2 =	vimm.s32 $0x76543210;
	s6 =	sadd.s32 $0xEE400, s11;
	s7 =	sadd.s32 $0xEE600, s11;
	s12 =	ssub.s32 $0x2, s8;
	v1 =	vunpack.c.l.s4.s8 v1;
	v4 =	vunpack.c.l.s4.s8 v4  }
0x10: {  	s8 =	sadd.s32 $0xEE800, s11;
	s9 =	sadd.s32 $0xEEA00, s11;
	s10 =	sadd.s32 $0xEE200, s11;
	v2 =	vunpack.c.l.s4.s8 v2;
	v3 =	vunpack.c.0.s8.s32 v3;
	v6 =	vunpack.c.0.s8.s32 v6  }
0x11: {  	s11 =	sadd.s32 $0xEEC00, s11;
	s14 =	simm.s32 $0x1;
	s15 =	simm.s32 $0x380;
	v0 =	vunpack.c.0.s8.s32 v0;
	v1 =	vunpack.c.0.s8.s32 v1;
	v4 =	vunpack.c.0.s8.s32 v4  }
0x12: {  	s16 =	simm.s32 $0x700;
	s17 =	simm.s32 $0xA80;
	s18 =	simm.s32 $0xB00;
	vm0 =	vcmask $0x3F08;
	vm1 =	vmmov $0x1;
	v2 =	vunpack.c.0.s8.s32 v2  }
0x13: {  	s19 =	simm.s32 $0xB80;
	s20 =	simm.s32 $0xC00;
	s21 =	simm.s32 $0xC80;
	v3 =	vand.u32 $0xF, v3;
	v7 =	vcombine.low v1, v0;
	v6 =	vcombine.low v6, v4  }
0x14: {  	s22 =	simm.s32 $0xD00;
	s23 =	simm.s32 $0xD80;
	s13 =	sshrl.u32 s12, $0x1;
	v2 =	vcombine.low v3, v2;
	v3 =	vand.u32 $0xF, v5;
	v0 =	vimm.f32 $0.0e+00  }
0x15: {  	s24 =	simm.s32 $0x0;
	s12 =	ssub.s32 s12, s13;
	s13 =	simm.s32 $0x0;
	v1 =	vlaneseq.u32;
	v4 =	vand.u32 $0xF, v7;
	v5 =	vand.u32 $0xF, v6  }
.LBB2_2:
0x16: {  	[tilespmem:s13], [sflag:$0x1] =	stream.linear.gather [hbm4b:s3+s13], $0x380, $0x38;
	[tilespmem:$0xE00] =	vst v63  }
0x17: {  	_ =	swait.ge [sflag:s14], $0x380  }
0x18: {  	[sflag:s14] =	ssyncset.done $0x0  }
0x19: {  	[sflag:s14] =	ssyncadd.s32 $0xFFFFFC80  }
0x1a: {  	[tilespmem:s15], [sflag:$0x1] =	stream.linear.gather [hbm4b:s4+s13], $0x380, $0x38;
	[tilespmem:$0xE00] =	vst v63  }
0x1b: {  	_ =	swait.ge [sflag:s14], $0x380  }
0x1c: {  	[sflag:s14] =	ssyncset.done $0x0  }
0x1d: {  	[sflag:s14] =	ssyncadd.s32 $0xFFFFFC80  }
0x1e: {  	[tilespmem:s16], [sflag:$0x1] =	stream.linear.gather [hbm4b:s5+s13], $0x380, $0x38;
	[tilespmem:$0xE00] =	vst v63  }
0x1f: {  	_ =	swait.ge [sflag:s14], $0x380  }
0x20: {  	[sflag:s14] =	ssyncset.done $0x0  }
0x21: {  	[sflag:s14] =	ssyncadd.s32 $0xFFFFFC80  }
0x22: {  	[tilespmem:s17], [sflag:$0x1] =	stream.linear.gather [hbm4b:s2+s13], $0x80, $0x38;
	[tilespmem:$0xE00] =	vst v63  }
0x23: {  	_ =	swait.ge [sflag:s14], $0x80  }
0x24: {  	[sflag:s14] =	ssyncset.done $0x0  }
0x25: {  	v6 =	vimm.s32 $0x0;
	[sflag:s14] =	ssyncadd.s32 $0xFFFFFF80  }
0x26: {  	[tilespmem:$0xB00] =	vst v6  }
0x27: {  	[tilespmem:$0xB80] =	vst v6  }
0x28: {  	[tilespmem:$0xC00] =	vst v0  }
0x29: {  	[tilespmem:$0xC80] =	vst v0  }
0x2a: {  	[tilespmem:$0xB10] =	vst v6  }
0x2b: {  	[tilespmem:$0xB90] =	vst v6  }
0x2c: {  	[tilespmem:$0xC10] =	vst v0  }
0x2d: {  	[tilespmem:$0xC90] =	vst v0  }
0x2e: {  	[tilespmem:$0xB20] =	vst v6  }
0x2f: {  	[tilespmem:$0xBA0] =	vst v6  }
0x30: {  	[tilespmem:$0xC20] =	vst v0  }
0x31: {  	[tilespmem:$0xCA0] =	vst v0  }
0x32: {  	[tilespmem:$0xB30] =	vst v6  }
0x33: {  	[tilespmem:$0xBB0] =	vst v6  }
0x34: {  	[tilespmem:$0xC30] =	vst v0  }
0x35: {  	[tilespmem:$0xCB0] =	vst v0  }
0x36: {  	[tilespmem:$0xB40] =	vst v6  }
0x37: {  	[tilespmem:$0xBC0] =	vst v6  }
0x38: {  	[tilespmem:$0xC40] =	vst v0  }
0x39: {  	[tilespmem:$0xCC0] =	vst v0  }
0x3a: {  	[tilespmem:$0xB50] =	vst v6  }
0x3b: {  	[tilespmem:$0xBD0] =	vst v6  }
0x3c: {  	[tilespmem:$0xC50] =	vst v0  }
0x3d: {  	[tilespmem:$0xCD0] =	vst v0  }
0x3e: {  	[tilespmem:$0xB60] =	vst v6  }
0x3f: {  	[tilespmem:$0xBE0] =	vst v6  }
0x40: {  	[tilespmem:$0xC60] =	vst v0  }
0x41: {  	[tilespmem:$0xCE0] =	vst v0  }
0x42: {  	[tilespmem:$0xB70] =	vst v6  }
0x43: {  	[tilespmem:$0xBF0] =	vst v6  }
0x44: {  	[tilespmem:$0xC70] =	vst v0  }
0x45: {  	[tilespmem:$0xCF0] =	vst v0  }
0x46: {  	[tilespmem:$0xD00] =	vst v0  }
0x47: {  	[tilespmem:$0xD10] =	vst v0  }
0x48: {  	[tilespmem:$0xD20] =	vst v0  }
0x49: {  	[tilespmem:$0xD30] =	vst v0  }
0x4a: {  	[tilespmem:$0xD40] =	vst v0  }
0x4b: {  	[tilespmem:$0xD50] =	vst v0  }
0x4c: {  	[tilespmem:$0xD60] =	vst v0  }
0x4d: {  	v7 =	vld [tilespmem:s13+$0x0];
	_ =	sdelay $0x3  }
0x4e: {  	v8 =	vimm.f32 $-Inf  }
0x4f: {  	s25 =	simm.s32 $0x10;
	v10 =	vor.u32 s13, v1;
	s26 =	simm.s32 $0x10;
	vm2 =	vgt.f32 v7, v8  }
.LBB2_3:
0x50: {  	p0 =	sne.s32 s25, $0x310;
	v8 =	vsel vm2, v7, v8;
	v7 =	vld [tilespmem:s26+$0x0];
	v6 =	vsel vm2, v10, v6;
	s28 =	smov.u32 s25;
	s25 =	sadd.s32 $0x10, s25  }
.Ltmp1:
0x51: {  	(pc) =	sbr.rel @p0 .LBB2_3-.Ltmp1, $2  }
0x52: {  	_ =	sdelay $0x2  }
0x53: {  	s26 =	sadd.s32 $0x10, s26;
	v10 =	vor.u32 s28, v1;
	vm2 =	vgt.f32 v7, v8  }
0x54: {  	v7 =	vsel vm2, v7, v8  }
0x55: {  	v8 =	vperm.xlane v7, v2;
	_ =	sdelay $0x1  }
0x56: {  	v8 =	vmax.f32 v7, v8  }
0x57: {  	v9 =	vperm.xlane v8, v3;
	_ =	sdelay $0x1  }
0x58: {  	v8 =	vmax.f32 v8, v9  }
0x59: {  	v9 =	vperm.xlane v8, v4;
	_ =	sdelay $0x1  }
0x5a: {  	v8 =	vmax.f32 v8, v9  }
0x5b: {  	v9 =	vperm.xlane v8, v5;
	_ =	sdelay $0x1  }
0x5c: {  	v9 =	vmax.f32 v8, v9  }
0x5d: {  	v6 =	vsel vm2, v10, v6;
	vm2 =	veq.f32 v7, v9  }
0x5e: {  	v6 =	vnsel vm2, $0x40000000, v6  }
0x5f: {  	v7 =	vperm.xlane v6, v2;
	_ =	sdelay $0x1  }
0x60: {  	vm2 =	vlt.s32 v6, v7  }
0x61: {  	v6 =	vsel vm2, v6, v7  }
0x62: {  	v7 =	vperm.xlane v6, v3;
	_ =	sdelay $0x1  }
0x63: {  	vm2 =	vlt.s32 v6, v7  }
0x64: {  	v6 =	vsel vm2, v6, v7  }
0x65: {  	v7 =	vperm.xlane v6, v4;
	_ =	sdelay $0x1  }
0x66: {  	vm2 =	vlt.s32 v6, v7  }
0x67: {  	v6 =	vsel vm2, v6, v7  }
0x68: {  	v7 =	vperm.xlane v6, v5;
	_ =	sdelay $0x1  }
0x69: {  	vm2 =	vlt.s32 v6, v7  }
0x6a: {  	s25 =	simm.s32 $0x0;
	s26 =	simm.s32 $0x0;
	v8 =	vsel vm2, v6, v7;
	v6 =	vimm.f32 $0.0e+00;
	v7 =	vimm.f32 $0.0e+00  }
.LBB2_5:
0x6b: {  	vm2 =	vlt.f32 v9, $-Inf;
	vm3 =	vgt.f32 v9, $-Inf  }
0x6c: {  	vm2 =	vmor vm3, vm2  }
0x6d: {  	v8 =	vnsel vm2, $0x0, v8  }
0x6e: {  	(v2sf) =	vpush v8, $0x0;
	_ =	sdelay $0xe  }
0x6f: {  	s28 =	spop (v2sf)  }
0x70: {  	s29 =	sand.u32 $0xFFFFFFF0, s28  }
0x71: {  	s30 =	sshra.s32 s28, $0x3;
	v8 =	vld [tilespmem:s29+$0x380]  }
0x72: {  	v10 =	vld [tilespmem:s29+$0x700];
	s29 =	sand.u32 $0xFFFFFFF0, s30  }
0x73: {  	s31 =	sand.u32 $0x70, s26;
	v11 =	vld [tilespmem:s29+$0xA80]  }
0x74: {  	v12 =	vld [tilespmem:s31+$0xB00]  }
0x75: {  	s1 =	sand.u32 $0xF, s26;
	v13 =	vld [tilespmem:s31+$0xB80];
	s28 =	sand.u32 $0xF, s28  }
0x76: {  	v15 =	vmov s1;
	v16 =	vld [tilespmem:s31+$0xC00];
	v14 =	vmov s28;
	s1 =	sand.u32 $0xF, s30  }
0x77: {  	vm3 =	veq.s32 v15, v1;
	v15 =	vld [tilespmem:s31+$0xC80];
	v17 =	vmov s1;
	v9 =	vperm.xlane v8, v14  }
0x78: {  	vm3 =	vmand vm2, vm3;
	v11 =	vperm.xlane v11, v17  }
0x79: {  	v8 =	vperm.xlane v10, v14;
	v10 =	vsel vm3, v9, v12  }
0x7a: {  	[tilespmem:s31+$0xB00] =	vst v10;
	v10 =	vsel vm3, v11, v13  }
0x7b: {  	[tilespmem:s31+$0xB80] =	vst v10;
	v10 =	vsel vm3, v8, v16  }
0x7c: {  	[tilespmem:s31+$0xC00] =	vst v10;
	v10 =	vsel vm3, $0x3F800000, v15  }
0x7d: {  	[tilespmem:s31+$0xC80] =	vst v10  }
0x7e: {  	v10 =	vld [tilespmem:s29+$0xD00];
	_ =	sdelay $0x2  }
0x7f: {  	vm3 =	veq.s32 v17, v1  }
0x80: {  	vm3 =	vmand vm2, vm3  }
0x81: {  	v10 =	vsel vm3, $0x3F800000, v10  }
0x82: {  	s1 =	simm.s32 $0x380;
	[tilespmem:s29+$0xD00] =	vst v10  }
0x83: {  	v11 =	vld [tilespmem:s1+$0x0];
	_ =	sdelay $0x2  }
0x84: {  	v10 =	vor.u32 s25, v1;
	v14 =	vld [tilespmem:s25+$0x0]  }
0x85: {  	v12 =	vmov s30;
	v13 =	vshrl.u32 v10, $0x3  }
0x86: {  	vm3 =	veq.s32 v13, v12;
	vm4 =	veq.s32 v11, v9  }
0x87: {  	vm3 =	vmor vm3, vm4  }
0x88: {  	vm3 =	vmand vm2, vm3  }
0x89: {  	s28 =	simm.s32 $0x10;
	v13 =	vimm.f32 $-Inf;
	v14 =	vsel vm3, $0xFF800000, v14  }
0x8a: {  	s30 =	simm.s32 $0x390;
	s31 =	simm.s32 $0x0;
	s29 =	simm.s32 $0x20;
	v11 =	vimm.s32 $0x0;
	[tilespmem:s25+$0x0] =	vst v14;
	vm3 =	vgt.f32 v14, v13  }
.LBB2_6:
0x8b: {  	p0 =	sne.s32 s29, $0x310;
	v15 =	vld [tilespmem:s30+$0x0];
	v13 =	vsel vm3, v14, v13;
	v11 =	vsel vm3, v10, v11;
	_ =	sdelay $0x1  }
0x8c: {  	s31 =	sadd.s32 $0x10, s31  }
0x8d: {  	v10 =	vor.u32 s28, v1;
	s28 =	smov.u32 s29;
	v14 =	vld [tilespmem:s31+$0x0]  }
0x8e: {  	v16 =	vshrl.u32 v10, $0x3  }
.Ltmp2:
0x8f: {  	vm3 =	veq.s32 v16, v12;
	vm4 =	veq.s32 v15, v9;
	(pc) =	sbr.rel @p0 .LBB2_6-.Ltmp2, $4  }
0x90: {  	vm3 =	vmor vm3, vm4  }
0x91: {  	vm3 =	vmand vm2, vm3  }
0x92: {  	v14 =	vsel vm3, $0xFF800000, v14  }
0x93: {  	s29 =	sadd.s32 $0x10, s29;
	s30 =	sadd.s32 $0x10, s30;
	[tilespmem:s31+$0x0] =	vst v14;
	vm3 =	vgt.f32 v14, v13  }
0x94: {  	v15 =	vld [tilespmem:s30+$0x0];
	_ =	sdelay $0x1  }
0x95: {  	s1 =	sadd.s32 $0x10, s31  }
0x96: {  	v17 =	vor.u32 s28, v1;
	v16 =	vld [tilespmem:s1+$0x0]  }
0x97: {  	v18 =	vshrl.u32 v17, $0x3  }
0x98: {  	vm4 =	veq.s32 v18, v12;
	vm5 =	veq.s32 v15, v9  }
0x99: {  	vm4 =	vmor vm4, vm5  }
0x9a: {  	vm4 =	vmand vm2, vm4  }
0x9b: {  	v9 =	vsel vm3, v14, v13;
	v61 =	vsel vm4, $0xFF800000, v16  }
0x9c: {  	vm4 =	vgt.f32 v61, v9  }
0x9d: {  	v13 =	vsel vm4, v61, v9  }
0x9e: {  	v9 =	vperm.xlane v13, v2;
	_ =	sdelay $0x1  }
0x9f: {  	v9 =	vmax.f32 v13, v9  }
0xa0: {  	v62 =	vperm.xlane v9, v3;
	_ =	sdelay $0x1  }
0xa1: {  	v9 =	vmax.f32 v9, v62  }
0xa2: {  	v14 =	vperm.xlane v9, v4;
	_ =	sdelay $0x1  }
0xa3: {  	v9 =	vmax.f32 v9, v14  }
0xa4: {  	v14 =	vperm.xlane v9, v5;
	_ =	sdelay $0x1  }
0xa5: {  	v10 =	vsel vm3, v10, v11;
	v9 =	vmax.f32 v9, v14  }
0xa6: {  	v10 =	vsel vm4, v17, v10;
	vm3 =	veq.f32 v13, v9  }
0xa7: {  	v10 =	vnsel vm3, $0x40000000, v10  }
0xa8: {  	v11 =	vperm.xlane v10, v2;
	_ =	sdelay $0x1  }
0xa9: {  	vm3 =	vlt.s32 v10, v11  }
0xaa: {  	v10 =	vsel vm3, v10, v11  }
0xab: {  	v11 =	vperm.xlane v10, v3;
	_ =	sdelay $0x1  }
0xac: {  	vm3 =	vlt.s32 v10, v11  }
0xad: {  	v10 =	vsel vm3, v10, v11  }
0xae: {  	v11 =	vperm.xlane v10, v4  }
0xaf: {  	s26 =	sadd.s32 $0x1, s26  }
0xb0: {  	p0 =	sne.s32 s26, $0x64;
	vm3 =	vlt.s32 v10, v11  }
.Ltmp3:
0xb1: {  	v10 =	vsel vm3, v10, v11;
	(pc) =	sbr.rel @p0 .LBB2_5-.Ltmp3, $3  }
0xb2: {  	v8 =	vsub.f32 $1.000000000e+00, v8;
	v11 =	vperm.xlane v10, v5;
	_ =	sdelay $0x1  }
0xb3: {  	v63 =	vsel vm2, $0x3F800000, v0;
	v8 =	vnsel vm2, $0x0, v8;
	vm2 =	vlt.s32 v10, v11  }
0xb4: {  	v6 =	vadd.f32 v6, v63;
	v7 =	vadd.f32 v8, v7;
	[tilespmem:s1+$0x0] =	vst v61;
	v8 =	vsel vm2, v10, v11  }
0xb5: {  	_ = 	snop  }
0xb6: {  	v6 =	vsel vm0, $0x0, v6  }
0xb7: {  	v6 =	vsel vm1, v7, v6  }
0xb8: {  	[tilespmem:$0xD80] =	vst v6  }
0xb9: {  	[hbm4b:s6+s13] =	stream.linear.scatter [tilespmem:s18], [sflag:$0x1], $0x80, $0x38;
	[tilespmem:$0xE00] =	vst v63  }
0xba: {  	_ =	swait.ge [sflag:s14], $0x80  }
0xbb: {  	[sflag:s14] =	ssyncset.done $0x0  }
0xbc: {  	[sflag:s14] =	ssyncadd.s32 $0xFFFFFF80  }
0xbd: {  	[hbm4b:s7+s13] =	stream.linear.scatter [tilespmem:s19], [sflag:$0x1], $0x80, $0x38;
	[tilespmem:$0xE00] =	vst v63  }
0xbe: {  	_ =	swait.ge [sflag:s14], $0x80  }
0xbf: {  	[sflag:s14] =	ssyncset.done $0x0  }
0xc0: {  	[sflag:s14] =	ssyncadd.s32 $0xFFFFFF80  }
0xc1: {  	[hbm4b:s8+s13] =	stream.linear.scatter [tilespmem:s20], [sflag:$0x1], $0x80, $0x38;
	[tilespmem:$0xE00] =	vst v63  }
0xc2: {  	_ =	swait.ge [sflag:s14], $0x80  }
0xc3: {  	[sflag:s14] =	ssyncset.done $0x0  }
0xc4: {  	[sflag:s14] =	ssyncadd.s32 $0xFFFFFF80  }
0xc5: {  	[hbm4b:s9+s13] =	stream.linear.scatter [tilespmem:s21], [sflag:$0x1], $0x80, $0x38;
	[tilespmem:$0xE00] =	vst v63  }
0xc6: {  	_ =	swait.ge [sflag:s14], $0x80  }
0xc7: {  	[sflag:s14] =	ssyncset.done $0x0  }
0xc8: {  	[sflag:s14] =	ssyncadd.s32 $0xFFFFFF80  }
0xc9: {  	[hbm4b:s10+s13] =	stream.linear.scatter [tilespmem:s22], [sflag:$0x1], $0x80, $0x38;
	[tilespmem:$0xE00] =	vst v63  }
0xca: {  	s24 =	sadd.s32 $0x1, s24;
	_ =	swait.ge [sflag:s14], $0x80  }
0xcb: {  	p0 =	sne.s32 s24, s12;
	[sflag:s14] =	ssyncset.done $0x0  }
.Ltmp4:
0xcc: {  	[sflag:s14] =	ssyncadd.s32 $0xFFFFFF80;
	(pc) =	sbr.rel @p0 .LBB2_2-.Ltmp4, $4  }
0xcd: {  	[hbm4b:s11+s13] =	stream.linear.scatter [tilespmem:s23], [sflag:$0x1], $0x80, $0x38;
	[tilespmem:$0xE00] =	vst v63  }
0xce: {  	_ =	swait.ge [sflag:s14], $0x80  }
0xcf: {  	[sflag:s14] =	ssyncset.done $0x0  }
0xd0: {  	[sflag:s14] =	ssyncadd.s32 $0xFFFFFF80  }
.LBB2_9:
0xd1: {  	_ =	sfence.sel $0x180000  }
0xd2: {  	[bflag:$0x0] =	sbarrier.arrive $0xFFFF  }
0xd3: {  	_ =	strace $0x90000047  }
0xd4: {  	[bflag:$0x2] =	sbarrier.arrive $0xFFFF  }
0xd5: {  	p0 =	sne.s32 s0, $0x0;
	s0 =	rddreg [dreg:$0x2]  }
0xd6: {  	s0 =	sadd.s32 @!p0 $0x100000, s0  }
0xd7: {  	[sflag:s0] =	ssyncadd.tile.s32 @!p0 $0x1;
	_ =	shalt  }
.Lfunc_end2:
_tile_overlayer_lowered:
.L_overlay_start_2:
0xd8: {  	(tag) =	ssettag $0x2  }
0xd9: {  	s0 =	rddreg [dreg:$0x0];
	s2 =	stileid.u32  }
0xda: {  	s1 =	rddreg [dreg:$0x1];
	p0 =	sne.s32 s2, $0x0  }
0xdb: {  	s3 =	rddreg [dreg:$0x2];
	[bflag:$0x3] =	sbarrier.arrive $0xFFFF;
	s2 =	simm.s32 @!p0 $0x1C01  }
0xdc: {  	[timem:s3], [sflag:s2] =	dma.local @!p0 [hbm:s0], s1  }
0xdd: {  	s0 =	simm.s32 @!p0 $0x1  }
0xde: {  	_ =	swait.ge @!p0 [sflag:s0], s1  }
0xdf: {  	s1 =	ssub.s32 @!p0 $0x0, s1;
	[sflag:s0] =	ssyncset.done @!p0 $0x0  }
0xe0: {  	[sflag:s0] =	ssyncadd.s32 @!p0 s1  }
0xe1: {  	[bflag:$0x3] =	sbarrier.arrive $0xFFFF  }
0xe2: {  	_ =	shalt  }

</sc_bundles>
